<compile_context>
chip_gen: v7x
topology: tpu7x:2x2x1
jax: 0.10.2.dev20260603
libtpu: 0.0.44.dev20260713+nightly
codegen_flags: <defaults>
</compile_context>

<pallas_src>
import functools

import jax
import jax.numpy as jnp
from jax import lax
from jax.experimental import pallas as pl
from jax.experimental.pallas import tpu as pltpu
from jax.experimental.pallas import tpu_sc as plsc

_N = 100000
_D = 256
_NW = 32
_R = 40
_NCHUNKS = _N // _R
_NPAIRS = (_NCHUNKS // _NW + 2) // 2


def _rsqrt_newton(s):
    i = lax.bitcast_convert_type(s, jnp.int32)
    i = jnp.int32(0x5F3759DF) - (i >> 1)
    y = lax.bitcast_convert_type(i, jnp.float32)
    for _ in range(3):
        y = y * (1.5 - 0.5 * s * y * y)
    return y


_GDN = lax.GatherDimensionNumbers(
    offset_dims=(), collapsed_slice_dims=(0,), start_index_map=(0,))


def _lane_shuffle(v, idx):
    return lax.gather(v, idx[:, None], dimension_numbers=_GDN,
                      slice_sizes=(1,),
                      mode=lax.GatherScatterMode.PROMISE_IN_BOUNDS)


def _allsum(v):
    lanes = lax.iota(jnp.int32, 16)
    for k in (8, 4, 2, 1):
        v = v + _lane_shuffle(v, lanes ^ k)
    return v


def _allmax(v):
    lanes = lax.iota(jnp.int32, 16)
    for k in (8, 4, 2, 1):
        v = jnp.maximum(v, _lane_shuffle(v, lanes ^ k))
    return v


def _sc_body(w_hbm, e0_hbm, e1_hbm, e2_hbm, out_hbm,
             wv, b0, b1, b2, bo, sin0, sin1, sout0, sout1):
    wid = lax.axis_index("s") * 2 + lax.axis_index("c")
    nmine = (_NCHUNKS - wid + _NW - 1) // _NW

    pltpu.sync_copy(w_hbm, wv)
    lanes = lax.iota(jnp.int32, 16)
    valid = lanes < 3
    w = jnp.where(valid, wv[:], -1e30)
    e = jnp.exp(w - _allmax(w))
    e = jnp.where(valid, e, 0.0)
    wn = e / _allsum(e)
    wms = [_allsum(jnp.where(lanes == m, wn, 0.0)) for m in range(3)]

    sin = (sin0, sin1)
    sout = (sout0, sout1)

    def row0_of(ci):
        return (wid + ci * _NW) * _R

    def in_copies(ci, slot):
        r0 = row0_of(ci)
        return (
            pltpu.make_async_copy(e0_hbm.at[pl.ds(r0, _R)], b0.at[slot], sin[slot]),
            pltpu.make_async_copy(e1_hbm.at[pl.ds(r0, _R)], b1.at[slot], sin[slot]),
            pltpu.make_async_copy(e2_hbm.at[pl.ds(r0, _R)], b2.at[slot], sin[slot]),
        )

    def out_copy(ci, slot):
        return pltpu.make_async_copy(
            bo.at[slot], out_hbm.at[pl.ds(row0_of(ci), _R)], sout[slot])

    def start_in(ci, slot):
        for c in in_copies(ci, slot):
            c.start()

    start_in(0, 0)

    def compute_chunk(slot):
        def row_body(r, _):
            for m, (inb, col) in enumerate(((b0, 0), (b1, _D), (b2, 2 * _D))):
                xs = [inb[slot, r, pl.ds(j * 16, 16)] for j in range(_D // 16)]
                acc = xs[0] * xs[0]
                for x in xs[1:]:
                    acc = acc + x * x
                s = _allsum(acc)
                norm = s * _rsqrt_newton(s)
                y = wms[m] / jnp.maximum(norm, 1e-12)
                for j, x in enumerate(xs):
                    bo[slot, r, pl.ds(col + j * 16, 16)] = x * y
            return 0
        lax.fori_loop(0, _R, row_body, 0)

    def pair_body(k, _):
        for slot in (0, 1):
            ci = 2 * k + slot

            @pl.when(ci < nmine)
            def _():
                for c in in_copies(ci, slot):
                    c.wait()

            @pl.when(ci + 1 < nmine)
            def _():
                start_in(ci + 1, slot ^ 1)

            @pl.when(jnp.logical_and(ci >= 2, ci < nmine))
            def _():
                out_copy(ci - 2, slot).wait()

            @pl.when(ci < nmine)
            def _():
                compute_chunk(slot)
                out_copy(ci, slot).start()
        return 0

    lax.fori_loop(0, _NPAIRS, pair_body, 0)

    out_copy(0, 0).wait()
    out_copy(0, 1).wait()


def kernel(emb0, emb1, emb2, weight):
    n, d = emb0.shape
    wpad = jnp.pad(weight.reshape(3), (0, 13))
    sc_call = functools.partial(
        pl.kernel,
        out_type=jax.ShapeDtypeStruct((n, 3 * d), emb0.dtype),
        mesh=plsc.VectorSubcoreMesh(core_axis_name="c", subcore_axis_name="s"),
        scratch_types=[
            pltpu.VMEM((16,), jnp.float32),
            pltpu.VMEM((2, _R, _D), jnp.float32),
            pltpu.VMEM((2, _R, _D), jnp.float32),
            pltpu.VMEM((2, _R, _D), jnp.float32),
            pltpu.VMEM((2, _R, 3 * _D), jnp.float32),
            pltpu.SemaphoreType.DMA,
            pltpu.SemaphoreType.DMA,
            pltpu.SemaphoreType.DMA,
            pltpu.SemaphoreType.DMA,
        ],
    )(_sc_body)
    return sc_call(wpad, emb0, emb1, emb2)

# --- scband reference (transcript-rebuilt; emitter-appended) ---
"""Pipeline reference for scband-multi-modal-encoder-70153995812951 (READ-ONLY COPY).

The authoritative reference and input builder live on the scoring server;
editing this copy changes nothing except your own understanding.
"""

import jax, jax.numpy as jnp
import numpy as np

N = 100000
D = 256
MODAL_NUM = 3


def setup_inputs(seed: int = 0) -> dict:
    key = jax.random.key(seed)
    k0, k1, k2 = jax.random.split(key, 3)
    return {
        "emb0": jax.random.normal(k0, (N, D), dtype=jnp.float32),
        "emb1": jax.random.normal(k1, (N, D), dtype=jnp.float32),
        "emb2": jax.random.normal(k2, (N, D), dtype=jnp.float32),
        # learned parameter: nn.Parameter(torch.ones((modal_num, 1)))
        "weight": jnp.ones((MODAL_NUM, 1), dtype=jnp.float32),
    }


def _l2_normalize(x, eps=1e-12):
    # matches torch.nn.functional.normalize(x, p=2, dim=1, eps=1e-12)
    n = jnp.sqrt(jnp.sum(x * x, axis=1, keepdims=True))
    return x / jnp.maximum(n, eps)


def reference(emb0, emb1, emb2, weight):
    # MultiModalFusion.forward
    weight_norm = jax.nn.softmax(weight, axis=0)  # (modal_num, 1)
    embs = [emb0, emb1, emb2]
    scaled = [weight_norm[i] * _l2_normalize(embs[i]) for i in range(MODAL_NUM)]
    joint_emb = jnp.concatenate(scaled, axis=1)  # (N, modal_num * D)
    return joint_emb

if __name__ == "__main__":
    import jax
    _d = setup_inputs()
    print(jax.jit(kernel)(*tuple(_d.values())))

</pallas_src>

<mosaic_0001>
#map = affine_map<(d0, d1) -> (0)>
#map1 = affine_map<(d0, d1) -> (0, 0)>
module attributes {stable_mosaic.version = 14 : i64} {
  func.func @_sc_body(%arg0: i32, %arg1: i32, %arg2: memref<16xf32, #tpu.memory_space<hbm>>, %arg3: memref<100000x256xf32, #tpu.memory_space<hbm>>, %arg4: memref<100000x256xf32, #tpu.memory_space<hbm>>, %arg5: memref<100000x256xf32, #tpu.memory_space<hbm>>, %arg6: memref<100000x768xf32, #tpu.memory_space<hbm>>, %arg7: memref<16xf32, #tpu.memory_space<vmem>>, %arg8: memref<2x40x256xf32, #tpu.memory_space<vmem>>, %arg9: memref<2x40x256xf32, #tpu.memory_space<vmem>>, %arg10: memref<2x40x256xf32, #tpu.memory_space<vmem>>, %arg11: memref<2x40x768xf32, #tpu.memory_space<vmem>>, %arg12: memref<!tpu.dma_semaphore, #tpu.memory_space<semaphore_mem>>, %arg13: memref<!tpu.dma_semaphore, #tpu.memory_space<semaphore_mem>>, %arg14: memref<!tpu.dma_semaphore, #tpu.memory_space<semaphore_mem>>, %arg15: memref<!tpu.dma_semaphore, #tpu.memory_space<semaphore_mem>>) attributes {dimension_semantics = [#tpu.dimension_semantics<core_parallel>, #tpu.dimension_semantics<subcore_parallel>], iteration_bounds = array<i64: 2, 16>, scalar_prefetch = 0 : i64, scratch_operands = 9 : i64, tpu.core_type = #tpu.core_type<sc_vector_subcore>, window_params = [{transform_indices = #map}, {transform_indices = #map1}, {transform_indices = #map1}, {transform_indices = #map1}, {transform_indices = #map1}]} {
    %mul3A = arith.constant 2 : i32
    %mul3A_0 = arith.muli %arg1, %mul3A : i32
    %add3A = arith.addi %mul3A_0, %arg0 : i32
    %sub3A = arith.constant 2500 : i32
    %sub3A_1 = arith.subi %sub3A, %add3A : i32
    %add3A_2 = arith.constant 32 : i32
    %add3A_3 = arith.addi %sub3A_1, %add3A_2 : i32
    %sub3A_4 = arith.constant 1 : i32
    %sub3A_5 = arith.subi %add3A_3, %sub3A_4 : i32
    %jit3A = arith.constant 32 : i32
    %div3A = arith.divsi %sub3A_5, %jit3A : i32
    %sign3A = arith.constant 0 : i32
    %sign3A_6 = arith.cmpi sgt, %sub3A_5, %sign3A : i32
    %sign3A_7 = arith.extui %sign3A_6 : i1 to i32
    %sign3A_8 = arith.constant 0 : i32
    %sign3A_9 = arith.cmpi slt, %sub3A_5, %sign3A_8 : i32
    %sign3A_10 = arith.extui %sign3A_9 : i1 to i32
    %sign3A_11 = arith.subi %sign3A_7, %sign3A_10 : i32
    %sign3A_12 = arith.constant 0 : i32
    %sign3A_13 = arith.cmpi sgt, %jit3A, %sign3A_12 : i32
    %sign3A_14 = arith.extui %sign3A_13 : i1 to i32
    %sign3A_15 = arith.constant 0 : i32
    %sign3A_16 = arith.cmpi slt, %jit3A, %sign3A_15 : i32
    %sign3A_17 = arith.extui %sign3A_16 : i1 to i32
    %sign3A_18 = arith.subi %sign3A_14, %sign3A_17 : i32
    %ne3A = arith.cmpi ne, %sign3A_11, %sign3A_18 : i32
    %rem3A = arith.remsi %sub3A_5, %jit3A : i32
    %ne3A_19 = arith.constant 0 : i32
    %ne3A_20 = arith.cmpi ne, %rem3A, %ne3A_19 : i32
    %and3A = arith.andi %ne3A, %ne3A_20 : i1
    %sub3A_21 = arith.constant 1 : i32
    %sub3A_22 = arith.subi %div3A, %sub3A_21 : i32
    %select_n3A = arith.select %and3A, %sub3A_22, %div3A : i32
    "tpu.region"() ({
      %run_scoped3A = tpu.sem_alloc : memref<!tpu.dma_semaphore, #tpu.memory_space<semaphore_mem>>
      tpu.enqueue_dma source(%arg2 : memref<16xf32, #tpu.memory_space<hbm>>) target(%arg7 : memref<16xf32, #tpu.memory_space<vmem>>) target_semaphore(%run_scoped3A : memref<!tpu.dma_semaphore, #tpu.memory_space<semaphore_mem>>)
      tpu.wait_dma2 semaphore(%run_scoped3A : memref<!tpu.dma_semaphore, #tpu.memory_space<semaphore_mem>>) src(%arg2 : memref<16xf32, #tpu.memory_space<hbm>>) dst(%arg7 : memref<16xf32, #tpu.memory_space<vmem>>)
      tpu.yield
    }) : () -> ()
    %iota3A = tpu.iota {dimensions = array<i32: 0>} : vector<16xi32>
    %lt3A = arith.constant 3 : i32
    %lt3A_23 = vector.broadcast %lt3A : i32 to vector<16xi32>
    %lt3A_24 = arith.cmpi slt, %iota3A, %lt3A_23 : vector<16xi32>
    %get3A = arith.constant 0 : index
    %get3A_25 = tpu.vector_load %arg7[%get3A] {strides = array<i32>} : memref<16xf32, #tpu.memory_space<vmem>>, vector<16xf32>,
    %get3A_26 = vector.shape_cast %get3A_25 : vector<16xf32> to vector<16xf32>
    %jit3A_27 = arith.constant -1.000000e+30 : f32
    %broadcast_in_dim3A = vector.broadcast %jit3A_27 : f32 to vector<16xf32>
    %select_n3A_28 = arith.select %lt3A_24, %get3A_26, %broadcast_in_dim3A : vector<16xi1>, vector<16xf32>
    %iota3A_29 = tpu.iota {dimensions = array<i32: 0>} : vector<16xi32>
    %xor3A = arith.constant 8 : i32
    %xor3A_30 = vector.broadcast %xor3A : i32 to vector<16xi32>
    %xor3A_31 = arith.xori %iota3A_29, %xor3A_30 : vector<16xi32>
    %broadcast_in_dim3A_32 = vector.shape_cast %xor3A_31 : vector<16xi32> to vector<16x1xi32>
    %gather3A = vector.shape_cast %broadcast_in_dim3A_32 : vector<16x1xi32> to vector<16xi32>
    %gather3A_33 = tpu.dynamic_gather %select_n3A_28[%gather3A] in [0] : vector<16xf32>, vector<16xi32> -> vector<16xf32>
    %max3A = arith.maximumf %select_n3A_28, %gather3A_33 : vector<16xf32>
    %xor3A_34 = arith.constant 4 : i32
    %xor3A_35 = vector.broadcast %xor3A_34 : i32 to vector<16xi32>
    %xor3A_36 = arith.xori %iota3A_29, %xor3A_35 : vector<16xi32>
    %broadcast_in_dim3A_37 = vector.shape_cast %xor3A_36 : vector<16xi32> to vector<16x1xi32>
    %gather3A_38 = vector.shape_cast %broadcast_in_dim3A_37 : vector<16x1xi32> to vector<16xi32>
    %gather3A_39 = tpu.dynamic_gather %max3A[%gather3A_38] in [0] : vector<16xf32>, vector<16xi32> -> vector<16xf32>
    %max3A_40 = arith.maximumf %max3A, %gather3A_39 : vector<16xf32>
    %xor3A_41 = arith.constant 2 : i32
    %xor3A_42 = vector.broadcast %xor3A_41 : i32 to vector<16xi32>
    %xor3A_43 = arith.xori %iota3A_29, %xor3A_42 : vector<16xi32>
    %broadcast_in_dim3A_44 = vector.shape_cast %xor3A_43 : vector<16xi32> to vector<16x1xi32>
    %gather3A_45 = vector.shape_cast %broadcast_in_dim3A_44 : vector<16x1xi32> to vector<16xi32>
    %gather3A_46 = tpu.dynamic_gather %max3A_40[%gather3A_45] in [0] : vector<16xf32>, vector<16xi32> -> vector<16xf32>
    %max3A_47 = arith.maximumf %max3A_40, %gather3A_46 : vector<16xf32>
    %xor3A_48 = arith.constant 1 : i32
    %xor3A_49 = vector.broadcast %xor3A_48 : i32 to vector<16xi32>
    %xor3A_50 = arith.xori %iota3A_29, %xor3A_49 : vector<16xi32>
    %broadcast_in_dim3A_51 = vector.shape_cast %xor3A_50 : vector<16xi32> to vector<16x1xi32>
    %gather3A_52 = vector.shape_cast %broadcast_in_dim3A_51 : vector<16x1xi32> to vector<16xi32>
    %gather3A_53 = tpu.dynamic_gather %max3A_47[%gather3A_52] in [0] : vector<16xf32>, vector<16xi32> -> vector<16xf32>
    %max3A_54 = arith.maximumf %max3A_47, %gather3A_53 : vector<16xf32>
    %sub3A_55 = arith.subf %select_n3A_28, %max3A_54 : vector<16xf32>
    %exp3A = math.exp %sub3A_55 : vector<16xf32>
    %jit3A_56 = arith.constant 0.000000e+00 : f32
    %broadcast_in_dim3A_57 = vector.broadcast %jit3A_56 : f32 to vector<16xf32>
    %select_n3A_58 = arith.select %lt3A_24, %exp3A, %broadcast_in_dim3A_57 : vector<16xi1>, vector<16xf32>
    %iota3A_59 = tpu.iota {dimensions = array<i32: 0>} : vector<16xi32>
    %xor3A_60 = arith.constant 8 : i32
    %xor3A_61 = vector.broadcast %xor3A_60 : i32 to vector<16xi32>
    %xor3A_62 = arith.xori %iota3A_59, %xor3A_61 : vector<16xi32>
    %broadcast_in_dim3A_63 = vector.shape_cast %xor3A_62 : vector<16xi32> to vector<16x1xi32>
    %gather3A_64 = vector.shape_cast %broadcast_in_dim3A_63 : vector<16x1xi32> to vector<16xi32>
    %gather3A_65 = tpu.dynamic_gather %select_n3A_58[%gather3A_64] in [0] : vector<16xf32>, vector<16xi32> -> vector<16xf32>
    %add3A_66 = arith.addf %select_n3A_58, %gather3A_65 : vector<16xf32>
    %xor3A_67 = arith.constant 4 : i32
    %xor3A_68 = vector.broadcast %xor3A_67 : i32 to vector<16xi32>
    %xor3A_69 = arith.xori %iota3A_59, %xor3A_68 : vector<16xi32>
    %broadcast_in_dim3A_70 = vector.shape_cast %xor3A_69 : vector<16xi32> to vector<16x1xi32>
    %gather3A_71 = vector.shape_cast %broadcast_in_dim3A_70 : vector<16x1xi32> to vector<16xi32>
    %gather3A_72 = tpu.dynamic_gather %add3A_66[%gather3A_71] in [0] : vector<16xf32>, vector<16xi32> -> vector<16xf32>
    %add3A_73 = arith.addf %add3A_66, %gather3A_72 : vector<16xf32>
    %xor3A_74 = arith.constant 2 : i32
    %xor3A_75 = vector.broadcast %xor3A_74 : i32 to vector<16xi32>
    %xor3A_76 = arith.xori %iota3A_59, %xor3A_75 : vector<16xi32>
    %broadcast_in_dim3A_77 = vector.shape_cast %xor3A_76 : vector<16xi32> to vector<16x1xi32>
    %gather3A_78 = vector.shape_cast %broadcast_in_dim3A_77 : vector<16x1xi32> to vector<16xi32>
    %gather3A_79 = tpu.dynamic_gather %add3A_73[%gather3A_78] in [0] : vector<16xf32>, vector<16xi32> -> vector<16xf32>
    %add3A_80 = arith.addf %add3A_73, %gather3A_79 : vector<16xf32>
    %xor3A_81 = arith.constant 1 : i32
    %xor3A_82 = vector.broadcast %xor3A_81 : i32 to vector<16xi32>
    %xor3A_83 = arith.xori %iota3A_59, %xor3A_82 : vector<16xi32>
    %broadcast_in_dim3A_84 = vector.shape_cast %xor3A_83 : vector<16xi32> to vector<16x1xi32>
    %gather3A_85 = vector.shape_cast %broadcast_in_dim3A_84 : vector<16x1xi32> to vector<16xi32>
    %gather3A_86 = tpu.dynamic_gather %add3A_80[%gather3A_85] in [0] : vector<16xf32>, vector<16xi32> -> vector<16xf32>
    %add3A_87 = arith.addf %add3A_80, %gather3A_86 : vector<16xf32>
    %div3A_88 = arith.divf %select_n3A_58, %add3A_87 : vector<16xf32>
    %eq3A = arith.constant 0 : i32
    %eq3A_89 = vector.broadcast %eq3A : i32 to vector<16xi32>
    %eq3A_90 = arith.cmpi eq, %iota3A, %eq3A_89 : vector<16xi32>
    %jit3A_91 = arith.constant 0.000000e+00 : f32
    %broadcast_in_dim3A_92 = vector.broadcast %jit3A_91 : f32 to vector<16xf32>
    %select_n3A_93 = arith.select %eq3A_90, %div3A_88, %broadcast_in_dim3A_92 : vector<16xi1>, vector<16xf32>
    %iota3A_94 = tpu.iota {dimensions = array<i32: 0>} : vector<16xi32>
    %xor3A_95 = arith.constant 8 : i32
    %xor3A_96 = vector.broadcast %xor3A_95 : i32 to vector<16xi32>
    %xor3A_97 = arith.xori %iota3A_94, %xor3A_96 : vector<16xi32>
    %broadcast_in_dim3A_98 = vector.shape_cast %xor3A_97 : vector<16xi32> to vector<16x1xi32>
    %gather3A_99 = vector.shape_cast %broadcast_in_dim3A_98 : vector<16x1xi32> to vector<16xi32>
    %gather3A_100 = tpu.dynamic_gather %select_n3A_93[%gather3A_99] in [0] : vector<16xf32>, vector<16xi32> -> vector<16xf32>
    %add3A_101 = arith.addf %select_n3A_93, %gather3A_100 : vector<16xf32>
    %xor3A_102 = arith.constant 4 : i32
    %xor3A_103 = vector.broadcast %xor3A_102 : i32 to vector<16xi32>
    %xor3A_104 = arith.xori %iota3A_94, %xor3A_103 : vector<16xi32>
    %broadcast_in_dim3A_105 = vector.shape_cast %xor3A_104 : vector<16xi32> to vector<16x1xi32>
    %gather3A_106 = vector.shape_cast %broadcast_in_dim3A_105 : vector<16x1xi32> to vector<16xi32>
    %gather3A_107 = tpu.dynamic_gather %add3A_101[%gather3A_106] in [0] : vector<16xf32>, vector<16xi32> -> vector<16xf32>
    %add3A_108 = arith.addf %add3A_101, %gather3A_107 : vector<16xf32>
    %xor3A_109 = arith.constant 2 : i32
    %xor3A_110 = vector.broadcast %xor3A_109 : i32 to vector<16xi32>
    %xor3A_111 = arith.xori %iota3A_94, %xor3A_110 : vector<16xi32>
    %broadcast_in_dim3A_112 = vector.shape_cast %xor3A_111 : vector<16xi32> to vector<16x1xi32>
    %gather3A_113 = vector.shape_cast %broadcast_in_dim3A_112 : vector<16x1xi32> to vector<16xi32>
    %gather3A_114 = tpu.dynamic_gather %add3A_108[%gather3A_113] in [0] : vector<16xf32>, vector<16xi32> -> vector<16xf32>
    %add3A_115 = arith.addf %add3A_108, %gather3A_114 : vector<16xf32>
    %xor3A_116 = arith.constant 1 : i32
    %xor3A_117 = vector.broadcast %xor3A_116 : i32 to vector<16xi32>
    %xor3A_118 = arith.xori %iota3A_94, %xor3A_117 : vector<16xi32>
    %broadcast_in_dim3A_119 = vector.shape_cast %xor3A_118 : vector<16xi32> to vector<16x1xi32>
    %gather3A_120 = vector.shape_cast %broadcast_in_dim3A_119 : vector<16x1xi32> to vector<16xi32>
    %gather3A_121 = tpu.dynamic_gather %add3A_115[%gather3A_120] in [0] : vector<16xf32>, vector<16xi32> -> vector<16xf32>
    %add3A_122 = arith.addf %add3A_115, %gather3A_121 : vector<16xf32>
    %eq3A_123 = arith.constant 1 : i32
    %eq3A_124 = vector.broadcast %eq3A_123 : i32 to vector<16xi32>
    %eq3A_125 = arith.cmpi eq, %iota3A, %eq3A_124 : vector<16xi32>
    %jit3A_126 = arith.constant 0.000000e+00 : f32
    %broadcast_in_dim3A_127 = vector.broadcast %jit3A_126 : f32 to vector<16xf32>
    %select_n3A_128 = arith.select %eq3A_125, %div3A_88, %broadcast_in_dim3A_127 : vector<16xi1>, vector<16xf32>
    %iota3A_129 = tpu.iota {dimensions = array<i32: 0>} : vector<16xi32>
    %xor3A_130 = arith.constant 8 : i32
    %xor3A_131 = vector.broadcast %xor3A_130 : i32 to vector<16xi32>
    %xor3A_132 = arith.xori %iota3A_129, %xor3A_131 : vector<16xi32>
    %broadcast_in_dim3A_133 = vector.shape_cast %xor3A_132 : vector<16xi32> to vector<16x1xi32>
    %gather3A_134 = vector.shape_cast %broadcast_in_dim3A_133 : vector<16x1xi32> to vector<16xi32>
    %gather3A_135 = tpu.dynamic_gather %select_n3A_128[%gather3A_134] in [0] : vector<16xf32>, vector<16xi32> -> vector<16xf32>
    %add3A_136 = arith.addf %select_n3A_128, %gather3A_135 : vector<16xf32>
    %xor3A_137 = arith.constant 4 : i32
    %xor3A_138 = vector.broadcast %xor3A_137 : i32 to vector<16xi32>
    %xor3A_139 = arith.xori %iota3A_129, %xor3A_138 : vector<16xi32>
    %broadcast_in_dim3A_140 = vector.shape_cast %xor3A_139 : vector<16xi32> to vector<16x1xi32>
    %gather3A_141 = vector.shape_cast %broadcast_in_dim3A_140 : vector<16x1xi32> to vector<16xi32>
    %gather3A_142 = tpu.dynamic_gather %add3A_136[%gather3A_141] in [0] : vector<16xf32>, vector<16xi32> -> vector<16xf32>
    %add3A_143 = arith.addf %add3A_136, %gather3A_142 : vector<16xf32>
    %xor3A_144 = arith.constant 2 : i32
    %xor3A_145 = vector.broadcast %xor3A_144 : i32 to vector<16xi32>
    %xor3A_146 = arith.xori %iota3A_129, %xor3A_145 : vector<16xi32>
    %broadcast_in_dim3A_147 = vector.shape_cast %xor3A_146 : vector<16xi32> to vector<16x1xi32>
    %gather3A_148 = vector.shape_cast %broadcast_in_dim3A_147 : vector<16x1xi32> to vector<16xi32>
    %gather3A_149 = tpu.dynamic_gather %add3A_143[%gather3A_148] in [0] : vector<16xf32>, vector<16xi32> -> vector<16xf32>
    %add3A_150 = arith.addf %add3A_143, %gather3A_149 : vector<16xf32>
    %xor3A_151 = arith.constant 1 : i32
    %xor3A_152 = vector.broadcast %xor3A_151 : i32 to vector<16xi32>
    %xor3A_153 = arith.xori %iota3A_129, %xor3A_152 : vector<16xi32>
    %broadcast_in_dim3A_154 = vector.shape_cast %xor3A_153 : vector<16xi32> to vector<16x1xi32>
    %gather3A_155 = vector.shape_cast %broadcast_in_dim3A_154 : vector<16x1xi32> to vector<16xi32>
    %gather3A_156 = tpu.dynamic_gather %add3A_150[%gather3A_155] in [0] : vector<16xf32>, vector<16xi32> -> vector<16xf32>
    %add3A_157 = arith.addf %add3A_150, %gather3A_156 : vector<16xf32>
    %eq3A_158 = arith.constant 2 : i32
    %eq3A_159 = vector.broadcast %eq3A_158 : i32 to vector<16xi32>
    %eq3A_160 = arith.cmpi eq, %iota3A, %eq3A_159 : vector<16xi32>
    %jit3A_161 = arith.constant 0.000000e+00 : f32
    %broadcast_in_dim3A_162 = vector.broadcast %jit3A_161 : f32 to vector<16xf32>
    %select_n3A_163 = arith.select %eq3A_160, %div3A_88, %broadcast_in_dim3A_162 : vector<16xi1>, vector<16xf32>
    %iota3A_164 = tpu.iota {dimensions = array<i32: 0>} : vector<16xi32>
    %xor3A_165 = arith.constant 8 : i32
    %xor3A_166 = vector.broadcast %xor3A_165 : i32 to vector<16xi32>
    %xor3A_167 = arith.xori %iota3A_164, %xor3A_166 : vector<16xi32>
    %broadcast_in_dim3A_168 = vector.shape_cast %xor3A_167 : vector<16xi32> to vector<16x1xi32>
    %gather3A_169 = vector.shape_cast %broadcast_in_dim3A_168 : vector<16x1xi32> to vector<16xi32>
    %gather3A_170 = tpu.dynamic_gather %select_n3A_163[%gather3A_169] in [0] : vector<16xf32>, vector<16xi32> -> vector<16xf32>
    %add3A_171 = arith.addf %select_n3A_163, %gather3A_170 : vector<16xf32>
    %xor3A_172 = arith.constant 4 : i32
    %xor3A_173 = vector.broadcast %xor3A_172 : i32 to vector<16xi32>
    %xor3A_174 = arith.xori %iota3A_164, %xor3A_173 : vector<16xi32>
    %broadcast_in_dim3A_175 = vector.shape_cast %xor3A_174 : vector<16xi32> to vector<16x1xi32>
    %gather3A_176 = vector.shape_cast %broadcast_in_dim3A_175 : vector<16x1xi32> to vector<16xi32>
    %gather3A_177 = tpu.dynamic_gather %add3A_171[%gather3A_176] in [0] : vector<16xf32>, vector<16xi32> -> vector<16xf32>
    %add3A_178 = arith.addf %add3A_171, %gather3A_177 : vector<16xf32>
    %xor3A_179 = arith.constant 2 : i32
    %xor3A_180 = vector.broadcast %xor3A_179 : i32 to vector<16xi32>
    %xor3A_181 = arith.xori %iota3A_164, %xor3A_180 : vector<16xi32>
    %broadcast_in_dim3A_182 = vector.shape_cast %xor3A_181 : vector<16xi32> to vector<16x1xi32>
    %gather3A_183 = vector.shape_cast %broadcast_in_dim3A_182 : vector<16x1xi32> to vector<16xi32>
    %gather3A_184 = tpu.dynamic_gather %add3A_178[%gather3A_183] in [0] : vector<16xf32>, vector<16xi32> -> vector<16xf32>
    %add3A_185 = arith.addf %add3A_178, %gather3A_184 : vector<16xf32>
    %xor3A_186 = arith.constant 1 : i32
    %xor3A_187 = vector.broadcast %xor3A_186 : i32 to vector<16xi32>
    %xor3A_188 = arith.xori %iota3A_164, %xor3A_187 : vector<16xi32>
    %broadcast_in_dim3A_189 = vector.shape_cast %xor3A_188 : vector<16xi32> to vector<16x1xi32>
    %gather3A_190 = vector.shape_cast %broadcast_in_dim3A_189 : vector<16x1xi32> to vector<16xi32>
    %gather3A_191 = tpu.dynamic_gather %add3A_185[%gather3A_190] in [0] : vector<16xf32>, vector<16xi32> -> vector<16xf32>
    %add3A_192 = arith.addf %add3A_185, %gather3A_191 : vector<16xf32>
    %add3A_193 = arith.constant 0 : i32
    %add3A_194 = arith.addi %add3A, %add3A_193 : i32
    %mul3A_195 = arith.constant 40 : i32
    %mul3A_196 = arith.muli %add3A_194, %mul3A_195 : i32
    %dma_start3A = arith.constant 0 : i32
    %dma_start3A_197 = arith.constant 0 : i32
    %dma_start3A_198 = arith.constant 0 : i32
    %dma_start3A_199 = tpu.memref_slice %arg8[%dma_start3A, %dma_start3A_197, %dma_start3A_198] : memref<2x40x256xf32, #tpu.memory_space<vmem>> -> memref<1x40x256xf32, #tpu.memory_space<vmem>>
    %dma_start3A_200 = tpu.memref_squeeze %dma_start3A_199 : memref<1x40x256xf32, #tpu.memory_space<vmem>> -> memref<40x256xf32, #tpu.memory_space<vmem>>
    %dma_start3A_201 = arith.constant 0 : i32
    %dma_start3A_202 = tpu.memref_slice %arg3[%mul3A_196, %dma_start3A_201] : memref<100000x256xf32, #tpu.memory_space<hbm>> -> memref<40x256xf32, #tpu.memory_space<hbm>>
    %dma_start3A_203 = arith.constant 0 : i32
    %dma_start3A_204 = arith.constant 0 : i32
    %dma_start3A_205 = tpu.memref_slice %arg8[%dma_start3A, %dma_start3A_203, %dma_start3A_204] : memref<2x40x256xf32, #tpu.memory_space<vmem>> -> memref<1x40x256xf32, #tpu.memory_space<vmem>>
    %dma_start3A_206 = tpu.memref_squeeze %dma_start3A_205 : memref<1x40x256xf32, #tpu.memory_space<vmem>> -> memref<40x256xf32, #tpu.memory_space<vmem>>
    %dma_start3A_207 = arith.constant 0 : i32
    %dma_start3A_208 = tpu.memref_slice %arg3[%mul3A_196, %dma_start3A_207] : memref<100000x256xf32, #tpu.memory_space<hbm>> -> memref<40x256xf32, #tpu.memory_space<hbm>>
    tpu.enqueue_dma source(%dma_start3A_208 : memref<40x256xf32, #tpu.memory_space<hbm>>) target(%dma_start3A_206 : memref<40x256xf32, #tpu.memory_space<vmem>>) target_semaphore(%arg12 : memref<!tpu.dma_semaphore, #tpu.memory_space<semaphore_mem>>)
    %dma_start3A_209 = arith.constant 0 : i32
    %dma_start3A_210 = arith.constant 0 : i32
    %dma_start3A_211 = arith.constant 0 : i32
    %dma_start3A_212 = tpu.memref_slice %arg9[%dma_start3A_209, %dma_start3A_210, %dma_start3A_211] : memref<2x40x256xf32, #tpu.memory_space<vmem>> -> memref<1x40x256xf32, #tpu.memory_space<vmem>>
    %dma_start3A_213 = tpu.memref_squeeze %dma_start3A_212 : memref<1x40x256xf32, #tpu.memory_space<vmem>> -> memref<40x256xf32, #tpu.memory_space<vmem>>
    %dma_start3A_214 = arith.constant 0 : i32
    %dma_start3A_215 = tpu.memref_slice %arg4[%mul3A_196, %dma_start3A_214] : memref<100000x256xf32, #tpu.memory_space<hbm>> -> memref<40x256xf32, #tpu.memory_space<hbm>>
    %dma_start3A_216 = arith.constant 0 : i32
    %dma_start3A_217 = arith.constant 0 : i32
    %dma_start3A_218 = tpu.memref_slice %arg9[%dma_start3A_209, %dma_start3A_216, %dma_start3A_217] : memref<2x40x256xf32, #tpu.memory_space<vmem>> -> memref<1x40x256xf32, #tpu.memory_space<vmem>>
    %dma_start3A_219 = tpu.memref_squeeze %dma_start3A_218 : memref<1x40x256xf32, #tpu.memory_space<vmem>> -> memref<40x256xf32, #tpu.memory_space<vmem>>
    %dma_start3A_220 = arith.constant 0 : i32
    %dma_start3A_221 = tpu.memref_slice %arg4[%mul3A_196, %dma_start3A_220] : memref<100000x256xf32, #tpu.memory_space<hbm>> -> memref<40x256xf32, #tpu.memory_space<hbm>>
    tpu.enqueue_dma source(%dma_start3A_221 : memref<40x256xf32, #tpu.memory_space<hbm>>) target(%dma_start3A_219 : memref<40x256xf32, #tpu.memory_space<vmem>>) target_semaphore(%arg12 : memref<!tpu.dma_semaphore, #tpu.memory_space<semaphore_mem>>)
    %dma_start3A_222 = arith.constant 0 : i32
    %dma_start3A_223 = arith.constant 0 : i32
    %dma_start3A_224 = arith.constant 0 : i32
    %dma_start3A_225 = tpu.memref_slice %arg10[%dma_start3A_222, %dma_start3A_223, %dma_start3A_224] : memref<2x40x256xf32, #tpu.memory_space<vmem>> -> memref<1x40x256xf32, #tpu.memory_space<vmem>>
    %dma_start3A_226 = tpu.memref_squeeze %dma_start3A_225 : memref<1x40x256xf32, #tpu.memory_space<vmem>> -> memref<40x256xf32, #tpu.memory_space<vmem>>
    %dma_start3A_227 = arith.constant 0 : i32
    %dma_start3A_228 = tpu.memref_slice %arg5[%mul3A_196, %dma_start3A_227] : memref<100000x256xf32, #tpu.memory_space<hbm>> -> memref<40x256xf32, #tpu.memory_space<hbm>>
    %dma_start3A_229 = arith.constant 0 : i32
    %dma_start3A_230 = arith.constant 0 : i32
    %dma_start3A_231 = tpu.memref_slice %arg10[%dma_start3A_222, %dma_start3A_229, %dma_start3A_230] : memref<2x40x256xf32, #tpu.memory_space<vmem>> -> memref<1x40x256xf32, #tpu.memory_space<vmem>>
    %dma_start3A_232 = tpu.memref_squeeze %dma_start3A_231 : memref<1x40x256xf32, #tpu.memory_space<vmem>> -> memref<40x256xf32, #tpu.memory_space<vmem>>
    %dma_start3A_233 = arith.constant 0 : i32
    %dma_start3A_234 = tpu.memref_slice %arg5[%mul3A_196, %dma_start3A_233] : memref<100000x256xf32, #tpu.memory_space<hbm>> -> memref<40x256xf32, #tpu.memory_space<hbm>>
    tpu.enqueue_dma source(%dma_start3A_234 : memref<40x256xf32, #tpu.memory_space<hbm>>) target(%dma_start3A_232 : memref<40x256xf32, #tpu.memory_space<vmem>>) target_semaphore(%arg12 : memref<!tpu.dma_semaphore, #tpu.memory_space<semaphore_mem>>)
    %scan3A = arith.constant 0 : i32
    %scan3A_235 = arith.constant 0 : i32
    %scan3A_236 = arith.constant 40 : i32
    %scan3A_237 = arith.addi %scan3A_235, %scan3A_236 : i32
    %scan3A_238 = arith.constant 1 : i32
    %scan3A_239 = scf.for %scan3A_274 = %scan3A_235 to %scan3A_237 step %scan3A_238 iter_args(%scan3A_275 = %scan3A) -> (i32)  : i32 {
      %mul3A_276 = arith.constant 2 : i32
      %mul3A_277 = arith.muli %mul3A_276, %scan3A_274 : i32
      %add3A_278 = arith.constant 0 : i32
      %add3A_279 = arith.addi %mul3A_277, %add3A_278 : i32
      %lt3A_280 = arith.cmpi slt, %add3A_279, %select_n3A : i32
      %convert_element_type3A = arith.extui %lt3A_280 : i1 to i32
      %cond3A = arith.constant 0 : i32
      %cond3A_281 = arith.cmpi ne, %convert_element_type3A, %cond3A : i32
      scf.if %cond3A_281 {
        %mul3A_324 = arith.constant 32 : i32
        %mul3A_325 = arith.muli %add3A_279, %mul3A_324 : i32
        %add3A_326 = arith.addi %add3A, %mul3A_325 : i32
        %mul3A_327 = arith.constant 40 : i32
        %mul3A_328 = arith.muli %add3A_326, %mul3A_327 : i32
        %dma_wait3A_329 = arith.constant 0 : i32
        %dma_wait3A_330 = arith.constant 0 : i32
        %dma_wait3A_331 = arith.constant 0 : i32
        %dma_wait3A_332 = tpu.memref_slice %arg8[%dma_wait3A_329, %dma_wait3A_330, %dma_wait3A_331] : memref<2x40x256xf32, #tpu.memory_space<vmem>> -> memref<1x40x256xf32, #tpu.memory_space<vmem>>
        %dma_wait3A_333 = tpu.memref_squeeze %dma_wait3A_332 : memref<1x40x256xf32, #tpu.memory_space<vmem>> -> memref<40x256xf32, #tpu.memory_space<vmem>>
        %dma_wait3A_334 = arith.constant 0 : i32
        %dma_wait3A_335 = tpu.memref_slice %arg3[%mul3A_328, %dma_wait3A_334] : memref<100000x256xf32, #tpu.memory_space<hbm>> -> memref<40x256xf32, #tpu.memory_space<hbm>>
        %dma_wait3A_336 = arith.constant 0 : i32
        %dma_wait3A_337 = arith.constant 0 : i32
        %dma_wait3A_338 = tpu.memref_slice %arg8[%dma_wait3A_329, %dma_wait3A_336, %dma_wait3A_337] : memref<2x40x256xf32, #tpu.memory_space<vmem>> -> memref<1x40x256xf32, #tpu.memory_space<vmem>>
        %dma_wait3A_339 = tpu.memref_squeeze %dma_wait3A_338 : memref<1x40x256xf32, #tpu.memory_space<vmem>> -> memref<40x256xf32, #tpu.memory_space<vmem>>
        %dma_wait3A_340 = arith.constant 0 : i32
        %dma_wait3A_341 = tpu.memref_slice %arg3[%mul3A_328, %dma_wait3A_340] : memref<100000x256xf32, #tpu.memory_space<hbm>> -> memref<40x256xf32, #tpu.memory_space<hbm>>
        tpu.wait_dma2 semaphore(%arg12 : memref<!tpu.dma_semaphore, #tpu.memory_space<semaphore_mem>>) src(%dma_wait3A_341 : memref<40x256xf32, #tpu.memory_space<hbm>>) dst(%dma_wait3A_339 : memref<40x256xf32, #tpu.memory_space<vmem>>)
        %dma_wait3A_342 = arith.constant 0 : i32
        %dma_wait3A_343 = arith.constant 0 : i32
        %dma_wait3A_344 = arith.constant 0 : i32
        %dma_wait3A_345 = tpu.memref_slice %arg9[%dma_wait3A_342, %dma_wait3A_343, %dma_wait3A_344] : memref<2x40x256xf32, #tpu.memory_space<vmem>> -> memref<1x40x256xf32, #tpu.memory_space<vmem>>
        %dma_wait3A_346 = tpu.memref_squeeze %dma_wait3A_345 : memref<1x40x256xf32, #tpu.memory_space<vmem>> -> memref<40x256xf32, #tpu.memory_space<vmem>>
        %dma_wait3A_347 = arith.constant 0 : i32
        %dma_wait3A_348 = tpu.memref_slice %arg4[%mul3A_328, %dma_wait3A_347] : memref<100000x256xf32, #tpu.memory_space<hbm>> -> memref<40x256xf32, #tpu.memory_space<hbm>>
        %dma_wait3A_349 = arith.constant 0 : i32
        %dma_wait3A_350 = arith.constant 0 : i32
        %dma_wait3A_351 = tpu.memref_slice %arg9[%dma_wait3A_342, %dma_wait3A_349, %dma_wait3A_350] : memref<2x40x256xf32, #tpu.memory_space<vmem>> -> memref<1x40x256xf32, #tpu.memory_space<vmem>>
        %dma_wait3A_352 = tpu.memref_squeeze %dma_wait3A_351 : memref<1x40x256xf32, #tpu.memory_space<vmem>> -> memref<40x256xf32, #tpu.memory_space<vmem>>
        %dma_wait3A_353 = arith.constant 0 : i32
        %dma_wait3A_354 = tpu.memref_slice %arg4[%mul3A_328, %dma_wait3A_353] : memref<100000x256xf32, #tpu.memory_space<hbm>> -> memref<40x256xf32, #tpu.memory_space<hbm>>
        tpu.wait_dma2 semaphore(%arg12 : memref<!tpu.dma_semaphore, #tpu.memory_space<semaphore_mem>>) src(%dma_wait3A_354 : memref<40x256xf32, #tpu.memory_space<hbm>>) dst(%dma_wait3A_352 : memref<40x256xf32, #tpu.memory_space<vmem>>)
        %dma_wait3A_355 = arith.constant 0 : i32
        %dma_wait3A_356 = arith.constant 0 : i32
        %dma_wait3A_357 = arith.constant 0 : i32
        %dma_wait3A_358 = tpu.memref_slice %arg10[%dma_wait3A_355, %dma_wait3A_356, %dma_wait3A_357] : memref<2x40x256xf32, #tpu.memory_space<vmem>> -> memref<1x40x256xf32, #tpu.memory_space<vmem>>
        %dma_wait3A_359 = tpu.memref_squeeze %dma_wait3A_358 : memref<1x40x256xf32, #tpu.memory_space<vmem>> -> memref<40x256xf32, #tpu.memory_space<vmem>>
        %dma_wait3A_360 = arith.constant 0 : i32
        %dma_wait3A_361 = tpu.memref_slice %arg5[%mul3A_328, %dma_wait3A_360] : memref<100000x256xf32, #tpu.memory_space<hbm>> -> memref<40x256xf32, #tpu.memory_space<hbm>>
        %dma_wait3A_362 = arith.constant 0 : i32
        %dma_wait3A_363 = arith.constant 0 : i32
        %dma_wait3A_364 = tpu.memref_slice %arg10[%dma_wait3A_355, %dma_wait3A_362, %dma_wait3A_363] : memref<2x40x256xf32, #tpu.memory_space<vmem>> -> memref<1x40x256xf32, #tpu.memory_space<vmem>>
        %dma_wait3A_365 = tpu.memref_squeeze %dma_wait3A_364 : memref<1x40x256xf32, #tpu.memory_space<vmem>> -> memref<40x256xf32, #tpu.memory_space<vmem>>
        %dma_wait3A_366 = arith.constant 0 : i32
        %dma_wait3A_367 = tpu.memref_slice %arg5[%mul3A_328, %dma_wait3A_366] : memref<100000x256xf32, #tpu.memory_space<hbm>> -> memref<40x256xf32, #tpu.memory_space<hbm>>
        tpu.wait_dma2 semaphore(%arg12 : memref<!tpu.dma_semaphore, #tpu.memory_space<semaphore_mem>>) src(%dma_wait3A_367 : memref<40x256xf32, #tpu.memory_space<hbm>>) dst(%dma_wait3A_365 : memref<40x256xf32, #tpu.memory_space<vmem>>)
      } else {
      }
      %add3A_282 = arith.constant 1 : i32
      %add3A_283 = arith.addi %add3A_279, %add3A_282 : i32
      %lt3A_284 = arith.cmpi slt, %add3A_283, %select_n3A : i32
      %convert_element_type3A_285 = arith.extui %lt3A_284 : i1 to i32
      %cond3A_286 = arith.constant 0 : i32
      %cond3A_287 = arith.cmpi ne, %convert_element_type3A_285, %cond3A_286 : i32
      scf.if %cond3A_287 {
        %add3A_324 = arith.constant 1 : i32
        %add3A_325 = arith.addi %add3A_279, %add3A_324 : i32
        %mul3A_326 = arith.constant 32 : i32
        %mul3A_327 = arith.muli %add3A_325, %mul3A_326 : i32
        %add3A_328 = arith.addi %add3A, %mul3A_327 : i32
        %mul3A_329 = arith.constant 40 : i32
        %mul3A_330 = arith.muli %add3A_328, %mul3A_329 : i32
        %dma_start3A_331 = arith.constant 1 : i32
        %dma_start3A_332 = arith.constant 0 : i32
        %dma_start3A_333 = arith.constant 0 : i32
        %dma_start3A_334 = tpu.memref_slice %arg8[%dma_start3A_331, %dma_start3A_332, %dma_start3A_333] : memref<2x40x256xf32, #tpu.memory_space<vmem>> -> memref<1x40x256xf32, #tpu.memory_space<vmem>>
        %dma_start3A_335 = tpu.memref_squeeze %dma_start3A_334 : memref<1x40x256xf32, #tpu.memory_space<vmem>> -> memref<40x256xf32, #tpu.memory_space<vmem>>
        %dma_start3A_336 = arith.constant 0 : i32
        %dma_start3A_337 = tpu.memref_slice %arg3[%mul3A_330, %dma_start3A_336] : memref<100000x256xf32, #tpu.memory_space<hbm>> -> memref<40x256xf32, #tpu.memory_space<hbm>>
        %dma_start3A_338 = arith.constant 0 : i32
        %dma_start3A_339 = arith.constant 0 : i32
        %dma_start3A_340 = tpu.memref_slice %arg8[%dma_start3A_331, %dma_start3A_338, %dma_start3A_339] : memref<2x40x256xf32, #tpu.memory_space<vmem>> -> memref<1x40x256xf32, #tpu.memory_space<vmem>>
        %dma_start3A_341 = tpu.memref_squeeze %dma_start3A_340 : memref<1x40x256xf32, #tpu.memory_space<vmem>> -> memref<40x256xf32, #tpu.memory_space<vmem>>
        %dma_start3A_342 = arith.constant 0 : i32
        %dma_start3A_343 = tpu.memref_slice %arg3[%mul3A_330, %dma_start3A_342] : memref<100000x256xf32, #tpu.memory_space<hbm>> -> memref<40x256xf32, #tpu.memory_space<hbm>>
        tpu.enqueue_dma source(%dma_start3A_343 : memref<40x256xf32, #tpu.memory_space<hbm>>) target(%dma_start3A_341 : memref<40x256xf32, #tpu.memory_space<vmem>>) target_semaphore(%arg13 : memref<!tpu.dma_semaphore, #tpu.memory_space<semaphore_mem>>)
        %dma_start3A_344 = arith.constant 1 : i32
        %dma_start3A_345 = arith.constant 0 : i32
        %dma_start3A_346 = arith.constant 0 : i32
        %dma_start3A_347 = tpu.memref_slice %arg9[%dma_start3A_344, %dma_start3A_345, %dma_start3A_346] : memref<2x40x256xf32, #tpu.memory_space<vmem>> -> memref<1x40x256xf32, #tpu.memory_space<vmem>>
        %dma_start3A_348 = tpu.memref_squeeze %dma_start3A_347 : memref<1x40x256xf32, #tpu.memory_space<vmem>> -> memref<40x256xf32, #tpu.memory_space<vmem>>
        %dma_start3A_349 = arith.constant 0 : i32
        %dma_start3A_350 = tpu.memref_slice %arg4[%mul3A_330, %dma_start3A_349] : memref<100000x256xf32, #tpu.memory_space<hbm>> -> memref<40x256xf32, #tpu.memory_space<hbm>>
        %dma_start3A_351 = arith.constant 0 : i32
        %dma_start3A_352 = arith.constant 0 : i32
        %dma_start3A_353 = tpu.memref_slice %arg9[%dma_start3A_344, %dma_start3A_351, %dma_start3A_352] : memref<2x40x256xf32, #tpu.memory_space<vmem>> -> memref<1x40x256xf32, #tpu.memory_space<vmem>>
        %dma_start3A_354 = tpu.memref_squeeze %dma_start3A_353 : memref<1x40x256xf32, #tpu.memory_space<vmem>> -> memref<40x256xf32, #tpu.memory_space<vmem>>
        %dma_start3A_355 = arith.constant 0 : i32
        %dma_start3A_356 = tpu.memref_slice %arg4[%mul3A_330, %dma_start3A_355] : memref<100000x256xf32, #tpu.memory_space<hbm>> -> memref<40x256xf32, #tpu.memory_space<hbm>>
        tpu.enqueue_dma source(%dma_start3A_356 : memref<40x256xf32, #tpu.memory_space<hbm>>) target(%dma_start3A_354 : memref<40x256xf32, #tpu.memory_space<vmem>>) target_semaphore(%arg13 : memref<!tpu.dma_semaphore, #tpu.memory_space<semaphore_mem>>)
        %dma_start3A_357 = arith.constant 1 : i32
        %dma_start3A_358 = arith.constant 0 : i32
        %dma_start3A_359 = arith.constant 0 : i32
        %dma_start3A_360 = tpu.memref_slice %arg10[%dma_start3A_357, %dma_start3A_358, %dma_start3A_359] : memref<2x40x256xf32, #tpu.memory_space<vmem>> -> memref<1x40x256xf32, #tpu.memory_space<vmem>>
        %dma_start3A_361 = tpu.memref_squeeze %dma_start3A_360 : memref<1x40x256xf32, #tpu.memory_space<vmem>> -> memref<40x256xf32, #tpu.memory_space<vmem>>
        %dma_start3A_362 = arith.constant 0 : i32
        %dma_start3A_363 = tpu.memref_slice %arg5[%mul3A_330, %dma_start3A_362] : memref<100000x256xf32, #tpu.memory_space<hbm>> -> memref<40x256xf32, #tpu.memory_space<hbm>>
        %dma_start3A_364 = arith.constant 0 : i32
        %dma_start3A_365 = arith.constant 0 : i32
        %dma_start3A_366 = tpu.memref_slice %arg10[%dma_start3A_357, %dma_start3A_364, %dma_start3A_365] : memref<2x40x256xf32, #tpu.memory_space<vmem>> -> memref<1x40x256xf32, #tpu.memory_space<vmem>>
        %dma_start3A_367 = tpu.memref_squeeze %dma_start3A_366 : memref<1x40x256xf32, #tpu.memory_space<vmem>> -> memref<40x256xf32, #tpu.memory_space<vmem>>
        %dma_start3A_368 = arith.constant 0 : i32
        %dma_start3A_369 = tpu.memref_slice %arg5[%mul3A_330, %dma_start3A_368] : memref<100000x256xf32, #tpu.memory_space<hbm>> -> memref<40x256xf32, #tpu.memory_space<hbm>>
        tpu.enqueue_dma source(%dma_start3A_369 : memref<40x256xf32, #tpu.memory_space<hbm>>) target(%dma_start3A_367 : memref<40x256xf32, #tpu.memory_space<vmem>>) target_semaphore(%arg13 : memref<!tpu.dma_semaphore, #tpu.memory_space<semaphore_mem>>)
      } else {
      }
      %ge3A = arith.constant 2 : i32
      %ge3A_288 = arith.cmpi sge, %add3A_279, %ge3A : i32
      %lt3A_289 = arith.cmpi slt, %add3A_279, %select_n3A : i32
      %and3A_290 = arith.andi %ge3A_288, %lt3A_289 : i1
      %convert_element_type3A_291 = arith.extui %and3A_290 : i1 to i32
      %cond3A_292 = arith.constant 0 : i32
      %cond3A_293 = arith.cmpi ne, %convert_element_type3A_291, %cond3A_292 : i32
      scf.if %cond3A_293 {
        %sub3A_324 = arith.constant 2 : i32
        %sub3A_325 = arith.subi %add3A_279, %sub3A_324 : i32
        %mul3A_326 = arith.constant 32 : i32
        %mul3A_327 = arith.muli %sub3A_325, %mul3A_326 : i32
        %add3A_328 = arith.addi %add3A, %mul3A_327 : i32
        %mul3A_329 = arith.constant 40 : i32
        %mul3A_330 = arith.muli %add3A_328, %mul3A_329 : i32
        %dma_wait3A_331 = arith.constant 0 : i32
        %dma_wait3A_332 = arith.constant 0 : i32
        %dma_wait3A_333 = arith.constant 0 : i32
        %dma_wait3A_334 = tpu.memref_slice %arg11[%dma_wait3A_331, %dma_wait3A_332, %dma_wait3A_333] : memref<2x40x768xf32, #tpu.memory_space<vmem>> -> memref<1x40x768xf32, #tpu.memory_space<vmem>>
        %dma_wait3A_335 = tpu.memref_squeeze %dma_wait3A_334 : memref<1x40x768xf32, #tpu.memory_space<vmem>> -> memref<40x768xf32, #tpu.memory_space<vmem>>
        %dma_wait3A_336 = arith.constant 0 : i32
        %dma_wait3A_337 = tpu.memref_slice %arg6[%mul3A_330, %dma_wait3A_336] : memref<100000x768xf32, #tpu.memory_space<hbm>> -> memref<40x768xf32, #tpu.memory_space<hbm>>
        %dma_wait3A_338 = arith.constant 0 : i32
        %dma_wait3A_339 = tpu.memref_slice %arg6[%mul3A_330, %dma_wait3A_338] : memref<100000x768xf32, #tpu.memory_space<hbm>> -> memref<40x768xf32, #tpu.memory_space<hbm>>
        %dma_wait3A_340 = arith.constant 0 : i32
        %dma_wait3A_341 = arith.constant 0 : i32
        %dma_wait3A_342 = tpu.memref_slice %arg11[%dma_wait3A_331, %dma_wait3A_340, %dma_wait3A_341] : memref<2x40x768xf32, #tpu.memory_space<vmem>> -> memref<1x40x768xf32, #tpu.memory_space<vmem>>
        %dma_wait3A_343 = tpu.memref_squeeze %dma_wait3A_342 : memref<1x40x768xf32, #tpu.memory_space<vmem>> -> memref<40x768xf32, #tpu.memory_space<vmem>>
        tpu.wait_dma2 semaphore(%arg14 : memref<!tpu.dma_semaphore, #tpu.memory_space<semaphore_mem>>) src(%dma_wait3A_343 : memref<40x768xf32, #tpu.memory_space<vmem>>) dst(%dma_wait3A_339 : memref<40x768xf32, #tpu.memory_space<hbm>>)
      } else {
      }
      %lt3A_294 = arith.cmpi slt, %add3A_279, %select_n3A : i32
      %convert_element_type3A_295 = arith.extui %lt3A_294 : i1 to i32
      %cond3A_296 = arith.constant 0 : i32
      %cond3A_297 = arith.cmpi ne, %convert_element_type3A_295, %cond3A_296 : i32
      scf.if %cond3A_297 {
        %scan3A_324 = arith.constant 0 : i32
        %scan3A_325 = arith.constant 0 : i32
        %scan3A_326 = arith.constant 40 : i32
        %scan3A_327 = arith.addi %scan3A_325, %scan3A_326 : i32
        %scan3A_328 = arith.constant 1 : i32
        %scan3A_329 = scf.for %scan3A_349 = %scan3A_325 to %scan3A_327 step %scan3A_328 iter_args(%scan3A_350 = %scan3A_324) -> (i32)  : i32 {
          %get3A_351 = arith.constant 0 : i32
          %get3A_352 = arith.index_cast %get3A_351 : i32 to index
          %get3A_353 = arith.index_cast %scan3A_349 : i32 to index
          %get3A_354 = arith.constant 0 : index
          %get3A_355 = tpu.vector_load %arg8[%get3A_352, %get3A_353, %get3A_354] {strides = array<i32>} : memref<2x40x256xf32, #tpu.memory_space<vmem>>, vector<1x1x16xf32>,
          %get3A_356 = vector.shape_cast %get3A_355 : vector<1x1x16xf32> to vector<16xf32>
          %get3A_357 = arith.constant 0 : i32
          %get3A_358 = arith.index_cast %get3A_357 : i32 to index
          %get3A_359 = arith.index_cast %scan3A_349 : i32 to index
          %get3A_360 = arith.constant 16 : index
          %get3A_361 = tpu.vector_load %arg8[%get3A_358, %get3A_359, %get3A_360] {strides = array<i32>} : memref<2x40x256xf32, #tpu.memory_space<vmem>>, vector<1x1x16xf32>,
          %get3A_362 = vector.shape_cast %get3A_361 : vector<1x1x16xf32> to vector<16xf32>
          %get3A_363 = arith.constant 0 : i32
          %get3A_364 = arith.index_cast %get3A_363 : i32 to index
          %get3A_365 = arith.index_cast %scan3A_349 : i32 to index
          %get3A_366 = arith.constant 32 : index
          %get3A_367 = tpu.vector_load %arg8[%get3A_364, %get3A_365, %get3A_366] {strides = array<i32>} : memref<2x40x256xf32, #tpu.memory_space<vmem>>, vector<1x1x16xf32>,
          %get3A_368 = vector.shape_cast %get3A_367 : vector<1x1x16xf32> to vector<16xf32>
          %get3A_369 = arith.constant 0 : i32
          %get3A_370 = arith.index_cast %get3A_369 : i32 to index
          %get3A_371 = arith.index_cast %scan3A_349 : i32 to index
          %get3A_372 = arith.constant 48 : index
          %get3A_373 = tpu.vector_load %arg8[%get3A_370, %get3A_371, %get3A_372] {strides = array<i32>} : memref<2x40x256xf32, #tpu.memory_space<vmem>>, vector<1x1x16xf32>,
          %get3A_374 = vector.shape_cast %get3A_373 : vector<1x1x16xf32> to vector<16xf32>
          %get3A_375 = arith.constant 0 : i32
          %get3A_376 = arith.index_cast %get3A_375 : i32 to index
          %get3A_377 = arith.index_cast %scan3A_349 : i32 to index
          %get3A_378 = arith.constant 64 : index
          %get3A_379 = tpu.vector_load %arg8[%get3A_376, %get3A_377, %get3A_378] {strides = array<i32>} : memref<2x40x256xf32, #tpu.memory_space<vmem>>, vector<1x1x16xf32>,
          %get3A_380 = vector.shape_cast %get3A_379 : vector<1x1x16xf32> to vector<16xf32>
          %get3A_381 = arith.constant 0 : i32
          %get3A_382 = arith.index_cast %get3A_381 : i32 to index
          %get3A_383 = arith.index_cast %scan3A_349 : i32 to index
          %get3A_384 = arith.constant 80 : index
          %get3A_385 = tpu.vector_load %arg8[%get3A_382, %get3A_383, %get3A_384] {strides = array<i32>} : memref<2x40x256xf32, #tpu.memory_space<vmem>>, vector<1x1x16xf32>,
          %get3A_386 = vector.shape_cast %get3A_385 : vector<1x1x16xf32> to vector<16xf32>
          %get3A_387 = arith.constant 0 : i32
          %get3A_388 = arith.index_cast %get3A_387 : i32 to index
          %get3A_389 = arith.index_cast %scan3A_349 : i32 to index
          %get3A_390 = arith.constant 96 : index
          %get3A_391 = tpu.vector_load %arg8[%get3A_388, %get3A_389, %get3A_390] {strides = array<i32>} : memref<2x40x256xf32, #tpu.memory_space<vmem>>, vector<1x1x16xf32>,
          %get3A_392 = vector.shape_cast %get3A_391 : vector<1x1x16xf32> to vector<16xf32>
          %get3A_393 = arith.constant 0 : i32
          %get3A_394 = arith.index_cast %get3A_393 : i32 to index
          %get3A_395 = arith.index_cast %scan3A_349 : i32 to index
          %get3A_396 = arith.constant 112 : index
          %get3A_397 = tpu.vector_load %arg8[%get3A_394, %get3A_395, %get3A_396] {strides = array<i32>} : memref<2x40x256xf32, #tpu.memory_space<vmem>>, vector<1x1x16xf32>,
          %get3A_398 = vector.shape_cast %get3A_397 : vector<1x1x16xf32> to vector<16xf32>
          %get3A_399 = arith.constant 0 : i32
          %get3A_400 = arith.index_cast %get3A_399 : i32 to index
          %get3A_401 = arith.index_cast %scan3A_349 : i32 to index
          %get3A_402 = arith.constant 128 : index
          %get3A_403 = tpu.vector_load %arg8[%get3A_400, %get3A_401, %get3A_402] {strides = array<i32>} : memref<2x40x256xf32, #tpu.memory_space<vmem>>, vector<1x1x16xf32>,
          %get3A_404 = vector.shape_cast %get3A_403 : vector<1x1x16xf32> to vector<16xf32>
          %get3A_405 = arith.constant 0 : i32
          %get3A_406 = arith.index_cast %get3A_405 : i32 to index
          %get3A_407 = arith.index_cast %scan3A_349 : i32 to index
          %get3A_408 = arith.constant 144 : index
          %get3A_409 = tpu.vector_load %arg8[%get3A_406, %get3A_407, %get3A_408] {strides = array<i32>} : memref<2x40x256xf32, #tpu.memory_space<vmem>>, vector<1x1x16xf32>,
          %get3A_410 = vector.shape_cast %get3A_409 : vector<1x1x16xf32> to vector<16xf32>
          %get3A_411 = arith.constant 0 : i32
          %get3A_412 = arith.index_cast %get3A_411 : i32 to index
          %get3A_413 = arith.index_cast %scan3A_349 : i32 to index
          %get3A_414 = arith.constant 160 : index
          %get3A_415 = tpu.vector_load %arg8[%get3A_412, %get3A_413, %get3A_414] {strides = array<i32>} : memref<2x40x256xf32, #tpu.memory_space<vmem>>, vector<1x1x16xf32>,
          %get3A_416 = vector.shape_cast %get3A_415 : vector<1x1x16xf32> to vector<16xf32>
          %get3A_417 = arith.constant 0 : i32
          %get3A_418 = arith.index_cast %get3A_417 : i32 to index
          %get3A_419 = arith.index_cast %scan3A_349 : i32 to index
          %get3A_420 = arith.constant 176 : index
          %get3A_421 = tpu.vector_load %arg8[%get3A_418, %get3A_419, %get3A_420] {strides = array<i32>} : memref<2x40x256xf32, #tpu.memory_space<vmem>>, vector<1x1x16xf32>,
          %get3A_422 = vector.shape_cast %get3A_421 : vector<1x1x16xf32> to vector<16xf32>
          %get3A_423 = arith.constant 0 : i32
          %get3A_424 = arith.index_cast %get3A_423 : i32 to index
          %get3A_425 = arith.index_cast %scan3A_349 : i32 to index
          %get3A_426 = arith.constant 192 : index
          %get3A_427 = tpu.vector_load %arg8[%get3A_424, %get3A_425, %get3A_426] {strides = array<i32>} : memref<2x40x256xf32, #tpu.memory_space<vmem>>, vector<1x1x16xf32>,
          %get3A_428 = vector.shape_cast %get3A_427 : vector<1x1x16xf32> to vector<16xf32>
          %get3A_429 = arith.constant 0 : i32
          %get3A_430 = arith.index_cast %get3A_429 : i32 to index
          %get3A_431 = arith.index_cast %scan3A_349 : i32 to index
          %get3A_432 = arith.constant 208 : index
          %get3A_433 = tpu.vector_load %arg8[%get3A_430, %get3A_431, %get3A_432] {strides = array<i32>} : memref<2x40x256xf32, #tpu.memory_space<vmem>>, vector<1x1x16xf32>,
          %get3A_434 = vector.shape_cast %get3A_433 : vector<1x1x16xf32> to vector<16xf32>
          %get3A_435 = arith.constant 0 : i32
          %get3A_436 = arith.index_cast %get3A_435 : i32 to index
          %get3A_437 = arith.index_cast %scan3A_349 : i32 to index
          %get3A_438 = arith.constant 224 : index
          %get3A_439 = tpu.vector_load %arg8[%get3A_436, %get3A_437, %get3A_438] {strides = array<i32>} : memref<2x40x256xf32, #tpu.memory_space<vmem>>, vector<1x1x16xf32>,
          %get3A_440 = vector.shape_cast %get3A_439 : vector<1x1x16xf32> to vector<16xf32>
          %get3A_441 = arith.constant 0 : i32
          %get3A_442 = arith.index_cast %get3A_441 : i32 to index
          %get3A_443 = arith.index_cast %scan3A_349 : i32 to index
          %get3A_444 = arith.constant 240 : index
          %get3A_445 = tpu.vector_load %arg8[%get3A_442, %get3A_443, %get3A_444] {strides = array<i32>} : memref<2x40x256xf32, #tpu.memory_space<vmem>>, vector<1x1x16xf32>,
          %get3A_446 = vector.shape_cast %get3A_445 : vector<1x1x16xf32> to vector<16xf32>
          %mul3A_447 = arith.mulf %get3A_356, %get3A_356 : vector<16xf32>
          %mul3A_448 = arith.mulf %get3A_362, %get3A_362 : vector<16xf32>
          %add3A_449 = arith.addf %mul3A_447, %mul3A_448 : vector<16xf32>
          %mul3A_450 = arith.mulf %get3A_368, %get3A_368 : vector<16xf32>
          %add3A_451 = arith.addf %add3A_449, %mul3A_450 : vector<16xf32>
          %mul3A_452 = arith.mulf %get3A_374, %get3A_374 : vector<16xf32>
          %add3A_453 = arith.addf %add3A_451, %mul3A_452 : vector<16xf32>
          %mul3A_454 = arith.mulf %get3A_380, %get3A_380 : vector<16xf32>
          %add3A_455 = arith.addf %add3A_453, %mul3A_454 : vector<16xf32>
          %mul3A_456 = arith.mulf %get3A_386, %get3A_386 : vector<16xf32>
          %add3A_457 = arith.addf %add3A_455, %mul3A_456 : vector<16xf32>
          %mul3A_458 = arith.mulf %get3A_392, %get3A_392 : vector<16xf32>
          %add3A_459 = arith.addf %add3A_457, %mul3A_458 : vector<16xf32>
          %mul3A_460 = arith.mulf %get3A_398, %get3A_398 : vector<16xf32>
          %add3A_461 = arith.addf %add3A_459, %mul3A_460 : vector<16xf32>
          %mul3A_462 = arith.mulf %get3A_404, %get3A_404 : vector<16xf32>
          %add3A_463 = arith.addf %add3A_461, %mul3A_462 : vector<16xf32>
          %mul3A_464 = arith.mulf %get3A_410, %get3A_410 : vector<16xf32>
          %add3A_465 = arith.addf %add3A_463, %mul3A_464 : vector<16xf32>
          %mul3A_466 = arith.mulf %get3A_416, %get3A_416 : vector<16xf32>
          %add3A_467 = arith.addf %add3A_465, %mul3A_466 : vector<16xf32>
          %mul3A_468 = arith.mulf %get3A_422, %get3A_422 : vector<16xf32>
          %add3A_469 = arith.addf %add3A_467, %mul3A_468 : vector<16xf32>
          %mul3A_470 = arith.mulf %get3A_428, %get3A_428 : vector<16xf32>
          %add3A_471 = arith.addf %add3A_469, %mul3A_470 : vector<16xf32>
          %mul3A_472 = arith.mulf %get3A_434, %get3A_434 : vector<16xf32>
          %add3A_473 = arith.addf %add3A_471, %mul3A_472 : vector<16xf32>
          %mul3A_474 = arith.mulf %get3A_440, %get3A_440 : vector<16xf32>
          %add3A_475 = arith.addf %add3A_473, %mul3A_474 : vector<16xf32>
          %mul3A_476 = arith.mulf %get3A_446, %get3A_446 : vector<16xf32>
          %add3A_477 = arith.addf %add3A_475, %mul3A_476 : vector<16xf32>
          %iota3A_478 = tpu.iota {dimensions = array<i32: 0>} : vector<16xi32>
          %xor3A_479 = arith.constant 8 : i32
          %xor3A_480 = vector.broadcast %xor3A_479 : i32 to vector<16xi32>
          %xor3A_481 = arith.xori %iota3A_478, %xor3A_480 : vector<16xi32>
          %broadcast_in_dim3A_482 = vector.shape_cast %xor3A_481 : vector<16xi32> to vector<16x1xi32>
          %gather3A_483 = vector.shape_cast %broadcast_in_dim3A_482 : vector<16x1xi32> to vector<16xi32>
          %gather3A_484 = tpu.dynamic_gather %add3A_477[%gather3A_483] in [0] : vector<16xf32>, vector<16xi32> -> vector<16xf32>
          %add3A_485 = arith.addf %add3A_477, %gather3A_484 : vector<16xf32>
          %xor3A_486 = arith.constant 4 : i32
          %xor3A_487 = vector.broadcast %xor3A_486 : i32 to vector<16xi32>
          %xor3A_488 = arith.xori %iota3A_478, %xor3A_487 : vector<16xi32>
          %broadcast_in_dim3A_489 = vector.shape_cast %xor3A_488 : vector<16xi32> to vector<16x1xi32>
          %gather3A_490 = vector.shape_cast %broadcast_in_dim3A_489 : vector<16x1xi32> to vector<16xi32>
          %gather3A_491 = tpu.dynamic_gather %add3A_485[%gather3A_490] in [0] : vector<16xf32>, vector<16xi32> -> vector<16xf32>
          %add3A_492 = arith.addf %add3A_485, %gather3A_491 : vector<16xf32>
          %xor3A_493 = arith.constant 2 : i32
          %xor3A_494 = vector.broadcast %xor3A_493 : i32 to vector<16xi32>
          %xor3A_495 = arith.xori %iota3A_478, %xor3A_494 : vector<16xi32>
          %broadcast_in_dim3A_496 = vector.shape_cast %xor3A_495 : vector<16xi32> to vector<16x1xi32>
          %gather3A_497 = vector.shape_cast %broadcast_in_dim3A_496 : vector<16x1xi32> to vector<16xi32>
          %gather3A_498 = tpu.dynamic_gather %add3A_492[%gather3A_497] in [0] : vector<16xf32>, vector<16xi32> -> vector<16xf32>
          %add3A_499 = arith.addf %add3A_492, %gather3A_498 : vector<16xf32>
          %xor3A_500 = arith.constant 1 : i32
          %xor3A_501 = vector.broadcast %xor3A_500 : i32 to vector<16xi32>
          %xor3A_502 = arith.xori %iota3A_478, %xor3A_501 : vector<16xi32>
          %broadcast_in_dim3A_503 = vector.shape_cast %xor3A_502 : vector<16xi32> to vector<16x1xi32>
          %gather3A_504 = vector.shape_cast %broadcast_in_dim3A_503 : vector<16x1xi32> to vector<16xi32>
          %gather3A_505 = tpu.dynamic_gather %add3A_499[%gather3A_504] in [0] : vector<16xf32>, vector<16xi32> -> vector<16xf32>
          %add3A_506 = arith.addf %add3A_499, %gather3A_505 : vector<16xf32>
          %bitcast_convert_type3A = tpu.bitcast %add3A_506 : vector<16xf32> -> vector<16xi32>
          %shift_right_arithmetic3A = arith.constant 1 : i32
          %shift_right_arithmetic3A_507 = vector.broadcast %shift_right_arithmetic3A : i32 to vector<16xi32>
          %shift_right_arithmetic3A_508 = arith.shrsi %bitcast_convert_type3A, %shift_right_arithmetic3A_507 : vector<16xi32>
          %sub3A_509 = arith.constant 1597463007 : i32
          %sub3A_510 = vector.broadcast %sub3A_509 : i32 to vector<16xi32>
          %sub3A_511 = arith.subi %sub3A_510, %shift_right_arithmetic3A_508 : vector<16xi32>
          %bitcast_convert_type3A_512 = tpu.bitcast %sub3A_511 : vector<16xi32> -> vector<16xf32>
          %mul3A_513 = arith.constant 5.000000e-01 : f32
          %mul3A_514 = vector.broadcast %mul3A_513 : f32 to vector<16xf32>
          %mul3A_515 = arith.mulf %mul3A_514, %add3A_506 : vector<16xf32>
          %mul3A_516 = arith.mulf %mul3A_515, %bitcast_convert_type3A_512 : vector<16xf32>
          %mul3A_517 = arith.mulf %mul3A_516, %bitcast_convert_type3A_512 : vector<16xf32>
          %sub3A_518 = arith.constant 1.500000e+00 : f32
          %sub3A_519 = vector.broadcast %sub3A_518 : f32 to vector<16xf32>
          %sub3A_520 = arith.subf %sub3A_519, %mul3A_517 : vector<16xf32>
          %mul3A_521 = arith.mulf %bitcast_convert_type3A_512, %sub3A_520 : vector<16xf32>
          %mul3A_522 = arith.constant 5.000000e-01 : f32
          %mul3A_523 = vector.broadcast %mul3A_522 : f32 to vector<16xf32>
          %mul3A_524 = arith.mulf %mul3A_523, %add3A_506 : vector<16xf32>
          %mul3A_525 = arith.mulf %mul3A_524, %mul3A_521 : vector<16xf32>
          %mul3A_526 = arith.mulf %mul3A_525, %mul3A_521 : vector<16xf32>
          %sub3A_527 = arith.constant 1.500000e+00 : f32
          %sub3A_528 = vector.broadcast %sub3A_527 : f32 to vector<16xf32>
          %sub3A_529 = arith.subf %sub3A_528, %mul3A_526 : vector<16xf32>
          %mul3A_530 = arith.mulf %mul3A_521, %sub3A_529 : vector<16xf32>
          %mul3A_531 = arith.constant 5.000000e-01 : f32
          %mul3A_532 = vector.broadcast %mul3A_531 : f32 to vector<16xf32>
          %mul3A_533 = arith.mulf %mul3A_532, %add3A_506 : vector<16xf32>
          %mul3A_534 = arith.mulf %mul3A_533, %mul3A_530 : vector<16xf32>
          %mul3A_535 = arith.mulf %mul3A_534, %mul3A_530 : vector<16xf32>
          %sub3A_536 = arith.constant 1.500000e+00 : f32
          %sub3A_537 = vector.broadcast %sub3A_536 : f32 to vector<16xf32>
          %sub3A_538 = arith.subf %sub3A_537, %mul3A_535 : vector<16xf32>
          %mul3A_539 = arith.mulf %mul3A_530, %sub3A_538 : vector<16xf32>
          %mul3A_540 = arith.mulf %add3A_506, %mul3A_539 : vector<16xf32>
          %max3A_541 = arith.constant 9.99999996E-13 : f32
          %max3A_542 = vector.broadcast %max3A_541 : f32 to vector<16xf32>
          %max3A_543 = arith.maximumf %mul3A_540, %max3A_542 : vector<16xf32>
          %div3A_544 = arith.divf %add3A_122, %max3A_543 : vector<16xf32>
          %mul3A_545 = arith.mulf %get3A_356, %div3A_544 : vector<16xf32>
          %swap3A = arith.constant 0 : i32
          %swap3A_546 = arith.index_cast %swap3A : i32 to index
          %swap3A_547 = arith.index_cast %scan3A_349 : i32 to index
          %swap3A_548 = arith.constant 0 : index
          %swap3A_549 = tpu.vector_load %arg11[%swap3A_546, %swap3A_547, %swap3A_548] {strides = array<i32>} : memref<2x40x768xf32, #tpu.memory_space<vmem>>, vector<1x1x16xf32>,
          %swap3A_550 = vector.shape_cast %swap3A_549 : vector<1x1x16xf32> to vector<16xf32>
          %swap3A_551 = vector.shape_cast %mul3A_545 : vector<16xf32> to vector<1x1x16xf32>
          tpu.vector_store %arg11[%swap3A_546, %swap3A_547, %swap3A_548], %swap3A_551 {strides = array<i32>} : memref<2x40x768xf32, #tpu.memory_space<vmem>>, vector<1x1x16xf32>,
          %mul3A_552 = arith.mulf %get3A_362, %div3A_544 : vector<16xf32>
          %swap3A_553 = arith.constant 0 : i32
          %swap3A_554 = arith.index_cast %swap3A_553 : i32 to index
          %swap3A_555 = arith.index_cast %scan3A_349 : i32 to index
          %swap3A_556 = arith.constant 16 : index
          %swap3A_557 = tpu.vector_load %arg11[%swap3A_554, %swap3A_555, %swap3A_556] {strides = array<i32>} : memref<2x40x768xf32, #tpu.memory_space<vmem>>, vector<1x1x16xf32>,
          %swap3A_558 = vector.shape_cast %swap3A_557 : vector<1x1x16xf32> to vector<16xf32>
          %swap3A_559 = vector.shape_cast %mul3A_552 : vector<16xf32> to vector<1x1x16xf32>
          tpu.vector_store %arg11[%swap3A_554, %swap3A_555, %swap3A_556], %swap3A_559 {strides = array<i32>} : memref<2x40x768xf32, #tpu.memory_space<vmem>>, vector<1x1x16xf32>,
          %mul3A_560 = arith.mulf %get3A_368, %div3A_544 : vector<16xf32>
          %swap3A_561 = arith.constant 0 : i32
          %swap3A_562 = arith.index_cast %swap3A_561 : i32 to index
          %swap3A_563 = arith.index_cast %scan3A_349 : i32 to index
          %swap3A_564 = arith.constant 32 : index
          %swap3A_565 = tpu.vector_load %arg11[%swap3A_562, %swap3A_563, %swap3A_564] {strides = array<i32>} : memref<2x40x768xf32, #tpu.memory_space<vmem>>, vector<1x1x16xf32>,
          %swap3A_566 = vector.shape_cast %swap3A_565 : vector<1x1x16xf32> to vector<16xf32>
          %swap3A_567 = vector.shape_cast %mul3A_560 : vector<16xf32> to vector<1x1x16xf32>
          tpu.vector_store %arg11[%swap3A_562, %swap3A_563, %swap3A_564], %swap3A_567 {strides = array<i32>} : memref<2x40x768xf32, #tpu.memory_space<vmem>>, vector<1x1x16xf32>,
          %mul3A_568 = arith.mulf %get3A_374, %div3A_544 : vector<16xf32>
          %swap3A_569 = arith.constant 0 : i32
          %swap3A_570 = arith.index_cast %swap3A_569 : i32 to index
          %swap3A_571 = arith.index_cast %scan3A_349 : i32 to index
          %swap3A_572 = arith.constant 48 : index
          %swap3A_573 = tpu.vector_load %arg11[%swap3A_570, %swap3A_571, %swap3A_572] {strides = array<i32>} : memref<2x40x768xf32, #tpu.memory_space<vmem>>, vector<1x1x16xf32>,
          %swap3A_574 = vector.shape_cast %swap3A_573 : vector<1x1x16xf32> to vector<16xf32>
          %swap3A_575 = vector.shape_cast %mul3A_568 : vector<16xf32> to vector<1x1x16xf32>
          tpu.vector_store %arg11[%swap3A_570, %swap3A_571, %swap3A_572], %swap3A_575 {strides = array<i32>} : memref<2x40x768xf32, #tpu.memory_space<vmem>>, vector<1x1x16xf32>,
          %mul3A_576 = arith.mulf %get3A_380, %div3A_544 : vector<16xf32>
          %swap3A_577 = arith.constant 0 : i32
          %swap3A_578 = arith.index_cast %swap3A_577 : i32 to index
          %swap3A_579 = arith.index_cast %scan3A_349 : i32 to index
          %swap3A_580 = arith.constant 64 : index
          %swap3A_581 = tpu.vector_load %arg11[%swap3A_578, %swap3A_579, %swap3A_580] {strides = array<i32>} : memref<2x40x768xf32, #tpu.memory_space<vmem>>, vector<1x1x16xf32>,
          %swap3A_582 = vector.shape_cast %swap3A_581 : vector<1x1x16xf32> to vector<16xf32>
          %swap3A_583 = vector.shape_cast %mul3A_576 : vector<16xf32> to vector<1x1x16xf32>
          tpu.vector_store %arg11[%swap3A_578, %swap3A_579, %swap3A_580], %swap3A_583 {strides = array<i32>} : memref<2x40x768xf32, #tpu.memory_space<vmem>>, vector<1x1x16xf32>,
          %mul3A_584 = arith.mulf %get3A_386, %div3A_544 : vector<16xf32>
          %swap3A_585 = arith.constant 0 : i32
          %swap3A_586 = arith.index_cast %swap3A_585 : i32 to index
          %swap3A_587 = arith.index_cast %scan3A_349 : i32 to index
          %swap3A_588 = arith.constant 80 : index
          %swap3A_589 = tpu.vector_load %arg11[%swap3A_586, %swap3A_587, %swap3A_588] {strides = array<i32>} : memref<2x40x768xf32, #tpu.memory_space<vmem>>, vector<1x1x16xf32>,
          %swap3A_590 = vector.shape_cast %swap3A_589 : vector<1x1x16xf32> to vector<16xf32>
          %swap3A_591 = vector.shape_cast %mul3A_584 : vector<16xf32> to vector<1x1x16xf32>
          tpu.vector_store %arg11[%swap3A_586, %swap3A_587, %swap3A_588], %swap3A_591 {strides = array<i32>} : memref<2x40x768xf32, #tpu.memory_space<vmem>>, vector<1x1x16xf32>,
          %mul3A_592 = arith.mulf %get3A_392, %div3A_544 : vector<16xf32>
          %swap3A_593 = arith.constant 0 : i32
          %swap3A_594 = arith.index_cast %swap3A_593 : i32 to index
          %swap3A_595 = arith.index_cast %scan3A_349 : i32 to index
          %swap3A_596 = arith.constant 96 : index
          %swap3A_597 = tpu.vector_load %arg11[%swap3A_594, %swap3A_595, %swap3A_596] {strides = array<i32>} : memref<2x40x768xf32, #tpu.memory_space<vmem>>, vector<1x1x16xf32>,
          %swap3A_598 = vector.shape_cast %swap3A_597 : vector<1x1x16xf32> to vector<16xf32>
          %swap3A_599 = vector.shape_cast %mul3A_592 : vector<16xf32> to vector<1x1x16xf32>
          tpu.vector_store %arg11[%swap3A_594, %swap3A_595, %swap3A_596], %swap3A_599 {strides = array<i32>} : memref<2x40x768xf32, #tpu.memory_space<vmem>>, vector<1x1x16xf32>,
          %mul3A_600 = arith.mulf %get3A_398, %div3A_544 : vector<16xf32>
          %swap3A_601 = arith.constant 0 : i32
          %swap3A_602 = arith.index_cast %swap3A_601 : i32 to index
          %swap3A_603 = arith.index_cast %scan3A_349 : i32 to index
          %swap3A_604 = arith.constant 112 : index
          %swap3A_605 = tpu.vector_load %arg11[%swap3A_602, %swap3A_603, %swap3A_604] {strides = array<i32>} : memref<2x40x768xf32, #tpu.memory_space<vmem>>, vector<1x1x16xf32>,
          %swap3A_606 = vector.shape_cast %swap3A_605 : vector<1x1x16xf32> to vector<16xf32>
          %swap3A_607 = vector.shape_cast %mul3A_600 : vector<16xf32> to vector<1x1x16xf32>
          tpu.vector_store %arg11[%swap3A_602, %swap3A_603, %swap3A_604], %swap3A_607 {strides = array<i32>} : memref<2x40x768xf32, #tpu.memory_space<vmem>>, vector<1x1x16xf32>,
          %mul3A_608 = arith.mulf %get3A_404, %div3A_544 : vector<16xf32>
          %swap3A_609 = arith.constant 0 : i32
          %swap3A_610 = arith.index_cast %swap3A_609 : i32 to index
          %swap3A_611 = arith.index_cast %scan3A_349 : i32 to index
          %swap3A_612 = arith.constant 128 : index
          %swap3A_613 = tpu.vector_load %arg11[%swap3A_610, %swap3A_611, %swap3A_612] {strides = array<i32>} : memref<2x40x768xf32, #tpu.memory_space<vmem>>, vector<1x1x16xf32>,
          %swap3A_614 = vector.shape_cast %swap3A_613 : vector<1x1x16xf32> to vector<16xf32>
          %swap3A_615 = vector.shape_cast %mul3A_608 : vector<16xf32> to vector<1x1x16xf32>
          tpu.vector_store %arg11[%swap3A_610, %swap3A_611, %swap3A_612], %swap3A_615 {strides = array<i32>} : memref<2x40x768xf32, #tpu.memory_space<vmem>>, vector<1x1x16xf32>,
          %mul3A_616 = arith.mulf %get3A_410, %div3A_544 : vector<16xf32>
          %swap3A_617 = arith.constant 0 : i32
          %swap3A_618 = arith.index_cast %swap3A_617 : i32 to index
          %swap3A_619 = arith.index_cast %scan3A_349 : i32 to index
          %swap3A_620 = arith.constant 144 : index
          %swap3A_621 = tpu.vector_load %arg11[%swap3A_618, %swap3A_619, %swap3A_620] {strides = array<i32>} : memref<2x40x768xf32, #tpu.memory_space<vmem>>, vector<1x1x16xf32>,
          %swap3A_622 = vector.shape_cast %swap3A_621 : vector<1x1x16xf32> to vector<16xf32>
          %swap3A_623 = vector.shape_cast %mul3A_616 : vector<16xf32> to vector<1x1x16xf32>
          tpu.vector_store %arg11[%swap3A_618, %swap3A_619, %swap3A_620], %swap3A_623 {strides = array<i32>} : memref<2x40x768xf32, #tpu.memory_space<vmem>>, vector<1x1x16xf32>,
          %mul3A_624 = arith.mulf %get3A_416, %div3A_544 : vector<16xf32>
          %swap3A_625 = arith.constant 0 : i32
          %swap3A_626 = arith.index_cast %swap3A_625 : i32 to index
          %swap3A_627 = arith.index_cast %scan3A_349 : i32 to index
          %swap3A_628 = arith.constant 160 : index
          %swap3A_629 = tpu.vector_load %arg11[%swap3A_626, %swap3A_627, %swap3A_628] {strides = array<i32>} : memref<2x40x768xf32, #tpu.memory_space<vmem>>, vector<1x1x16xf32>,
          %swap3A_630 = vector.shape_cast %swap3A_629 : vector<1x1x16xf32> to vector<16xf32>
          %swap3A_631 = vector.shape_cast %mul3A_624 : vector<16xf32> to vector<1x1x16xf32>
          tpu.vector_store %arg11[%swap3A_626, %swap3A_627, %swap3A_628], %swap3A_631 {strides = array<i32>} : memref<2x40x768xf32, #tpu.memory_space<vmem>>, vector<1x1x16xf32>,
          %mul3A_632 = arith.mulf %get3A_422, %div3A_544 : vector<16xf32>
          %swap3A_633 = arith.constant 0 : i32
          %swap3A_634 = arith.index_cast %swap3A_633 : i32 to index
          %swap3A_635 = arith.index_cast %scan3A_349 : i32 to index
          %swap3A_636 = arith.constant 176 : index
          %swap3A_637 = tpu.vector_load %arg11[%swap3A_634, %swap3A_635, %swap3A_636] {strides = array<i32>} : memref<2x40x768xf32, #tpu.memory_space<vmem>>, vector<1x1x16xf32>,
          %swap3A_638 = vector.shape_cast %swap3A_637 : vector<1x1x16xf32> to vector<16xf32>
          %swap3A_639 = vector.shape_cast %mul3A_632 : vector<16xf32> to vector<1x1x16xf32>
          tpu.vector_store %arg11[%swap3A_634, %swap3A_635, %swap3A_636], %swap3A_639 {strides = array<i32>} : memref<2x40x768xf32, #tpu.memory_space<vmem>>, vector<1x1x16xf32>,
          %mul3A_640 = arith.mulf %get3A_428, %div3A_544 : vector<16xf32>
          %swap3A_641 = arith.constant 0 : i32
          %swap3A_642 = arith.index_cast %swap3A_641 : i32 to index
          %swap3A_643 = arith.index_cast %scan3A_349 : i32 to index
          %swap3A_644 = arith.constant 192 : index
          %swap3A_645 = tpu.vector_load %arg11[%swap3A_642, %swap3A_643, %swap3A_644] {strides = array<i32>} : memref<2x40x768xf32, #tpu.memory_space<vmem>>, vector<1x1x16xf32>,
          %swap3A_646 = vector.shape_cast %swap3A_645 : vector<1x1x16xf32> to vector<16xf32>
          %swap3A_647 = vector.shape_cast %mul3A_640 : vector<16xf32> to vector<1x1x16xf32>
          tpu.vector_store %arg11[%swap3A_642, %swap3A_643, %swap3A_644], %swap3A_647 {strides = array<i32>} : memref<2x40x768xf32, #tpu.memory_space<vmem>>, vector<1x1x16xf32>,
          %mul3A_648 = arith.mulf %get3A_434, %div3A_544 : vector<16xf32>
          %swap3A_649 = arith.constant 0 : i32
          %swap3A_650 = arith.index_cast %swap3A_649 : i32 to index
          %swap3A_651 = arith.index_cast %scan3A_349 : i32 to index
          %swap3A_652 = arith.constant 208 : index
          %swap3A_653 = tpu.vector_load %arg11[%swap3A_650, %swap3A_651, %swap3A_652] {strides = array<i32>} : memref<2x40x768xf32, #tpu.memory_space<vmem>>, vector<1x1x16xf32>,
          %swap3A_654 = vector.shape_cast %swap3A_653 : vector<1x1x16xf32> to vector<16xf32>
          %swap3A_655 = vector.shape_cast %mul3A_648 : vector<16xf32> to vector<1x1x16xf32>
          tpu.vector_store %arg11[%swap3A_650, %swap3A_651, %swap3A_652], %swap3A_655 {strides = array<i32>} : memref<2x40x768xf32, #tpu.memory_space<vmem>>, vector<1x1x16xf32>,
          %mul3A_656 = arith.mulf %get3A_440, %div3A_544 : vector<16xf32>
          %swap3A_657 = arith.constant 0 : i32
          %swap3A_658 = arith.index_cast %swap3A_657 : i32 to index
          %swap3A_659 = arith.index_cast %scan3A_349 : i32 to index
          %swap3A_660 = arith.constant 224 : index
          %swap3A_661 = tpu.vector_load %arg11[%swap3A_658, %swap3A_659, %swap3A_660] {strides = array<i32>} : memref<2x40x768xf32, #tpu.memory_space<vmem>>, vector<1x1x16xf32>,
          %swap3A_662 = vector.shape_cast %swap3A_661 : vector<1x1x16xf32> to vector<16xf32>
          %swap3A_663 = vector.shape_cast %mul3A_656 : vector<16xf32> to vector<1x1x16xf32>
          tpu.vector_store %arg11[%swap3A_658, %swap3A_659, %swap3A_660], %swap3A_663 {strides = array<i32>} : memref<2x40x768xf32, #tpu.memory_space<vmem>>, vector<1x1x16xf32>,
          %mul3A_664 = arith.mulf %get3A_446, %div3A_544 : vector<16xf32>
          %swap3A_665 = arith.constant 0 : i32
          %swap3A_666 = arith.index_cast %swap3A_665 : i32 to index
          %swap3A_667 = arith.index_cast %scan3A_349 : i32 to index
          %swap3A_668 = arith.constant 240 : index
          %swap3A_669 = tpu.vector_load %arg11[%swap3A_666, %swap3A_667, %swap3A_668] {strides = array<i32>} : memref<2x40x768xf32, #tpu.memory_space<vmem>>, vector<1x1x16xf32>,
          %swap3A_670 = vector.shape_cast %swap3A_669 : vector<1x1x16xf32> to vector<16xf32>
          %swap3A_671 = vector.shape_cast %mul3A_664 : vector<16xf32> to vector<1x1x16xf32>
          tpu.vector_store %arg11[%swap3A_666, %swap3A_667, %swap3A_668], %swap3A_671 {strides = array<i32>} : memref<2x40x768xf32, #tpu.memory_space<vmem>>, vector<1x1x16xf32>,
          %get3A_672 = arith.constant 0 : i32
          %get3A_673 = arith.index_cast %get3A_672 : i32 to index
          %get3A_674 = arith.index_cast %scan3A_349 : i32 to index
          %get3A_675 = arith.constant 0 : index
          %get3A_676 = tpu.vector_load %arg9[%get3A_673, %get3A_674, %get3A_675] {strides = array<i32>} : memref<2x40x256xf32, #tpu.memory_space<vmem>>, vector<1x1x16xf32>,
          %get3A_677 = vector.shape_cast %get3A_676 : vector<1x1x16xf32> to vector<16xf32>
          %get3A_678 = arith.constant 0 : i32
          %get3A_679 = arith.index_cast %get3A_678 : i32 to index
          %get3A_680 = arith.index_cast %scan3A_349 : i32 to index
          %get3A_681 = arith.constant 16 : index
          %get3A_682 = tpu.vector_load %arg9[%get3A_679, %get3A_680, %get3A_681] {strides = array<i32>} : memref<2x40x256xf32, #tpu.memory_space<vmem>>, vector<1x1x16xf32>,
          %get3A_683 = vector.shape_cast %get3A_682 : vector<1x1x16xf32> to vector<16xf32>
          %get3A_684 = arith.constant 0 : i32
          %get3A_685 = arith.index_cast %get3A_684 : i32 to index
          %get3A_686 = arith.index_cast %scan3A_349 : i32 to index
          %get3A_687 = arith.constant 32 : index
          %get3A_688 = tpu.vector_load %arg9[%get3A_685, %get3A_686, %get3A_687] {strides = array<i32>} : memref<2x40x256xf32, #tpu.memory_space<vmem>>, vector<1x1x16xf32>,
          %get3A_689 = vector.shape_cast %get3A_688 : vector<1x1x16xf32> to vector<16xf32>
          %get3A_690 = arith.constant 0 : i32
          %get3A_691 = arith.index_cast %get3A_690 : i32 to index
          %get3A_692 = arith.index_cast %scan3A_349 : i32 to index
          %get3A_693 = arith.constant 48 : index
          %get3A_694 = tpu.vector_load %arg9[%get3A_691, %get3A_692, %get3A_693] {strides = array<i32>} : memref<2x40x256xf32, #tpu.memory_space<vmem>>, vector<1x1x16xf32>,
          %get3A_695 = vector.shape_cast %get3A_694 : vector<1x1x16xf32> to vector<16xf32>
          %get3A_696 = arith.constant 0 : i32
          %get3A_697 = arith.index_cast %get3A_696 : i32 to index
          %get3A_698 = arith.index_cast %scan3A_349 : i32 to index
          %get3A_699 = arith.constant 64 : index
          %get3A_700 = tpu.vector_load %arg9[%get3A_697, %get3A_698, %get3A_699] {strides = array<i32>} : memref<2x40x256xf32, #tpu.memory_space<vmem>>, vector<1x1x16xf32>,
          %get3A_701 = vector.shape_cast %get3A_700 : vector<1x1x16xf32> to vector<16xf32>
          %get3A_702 = arith.constant 0 : i32
          %get3A_703 = arith.index_cast %get3A_702 : i32 to index
          %get3A_704 = arith.index_cast %scan3A_349 : i32 to index
          %get3A_705 = arith.constant 80 : index
          %get3A_706 = tpu.vector_load %arg9[%get3A_703, %get3A_704, %get3A_705] {strides = array<i32>} : memref<2x40x256xf32, #tpu.memory_space<vmem>>, vector<1x1x16xf32>,
          %get3A_707 = vector.shape_cast %get3A_706 : vector<1x1x16xf32> to vector<16xf32>
          %get3A_708 = arith.constant 0 : i32
          %get3A_709 = arith.index_cast %get3A_708 : i32 to index
          %get3A_710 = arith.index_cast %scan3A_349 : i32 to index
          %get3A_711 = arith.constant 96 : index
          %get3A_712 = tpu.vector_load %arg9[%get3A_709, %get3A_710, %get3A_711] {strides = array<i32>} : memref<2x40x256xf32, #tpu.memory_space<vmem>>, vector<1x1x16xf32>,
          %get3A_713 = vector.shape_cast %get3A_712 : vector<1x1x16xf32> to vector<16xf32>
          %get3A_714 = arith.constant 0 : i32
          %get3A_715 = arith.index_cast %get3A_714 : i32 to index
          %get3A_716 = arith.index_cast %scan3A_349 : i32 to index
          %get3A_717 = arith.constant 112 : index
          %get3A_718 = tpu.vector_load %arg9[%get3A_715, %get3A_716, %get3A_717] {strides = array<i32>} : memref<2x40x256xf32, #tpu.memory_space<vmem>>, vector<1x1x16xf32>,
          %get3A_719 = vector.shape_cast %get3A_718 : vector<1x1x16xf32> to vector<16xf32>
          %get3A_720 = arith.constant 0 : i32
          %get3A_721 = arith.index_cast %get3A_720 : i32 to index
          %get3A_722 = arith.index_cast %scan3A_349 : i32 to index
          %get3A_723 = arith.constant 128 : index
          %get3A_724 = tpu.vector_load %arg9[%get3A_721, %get3A_722, %get3A_723] {strides = array<i32>} : memref<2x40x256xf32, #tpu.memory_space<vmem>>, vector<1x1x16xf32>,
          %get3A_725 = vector.shape_cast %get3A_724 : vector<1x1x16xf32> to vector<16xf32>
          %get3A_726 = arith.constant 0 : i32
          %get3A_727 = arith.index_cast %get3A_726 : i32 to index
          %get3A_728 = arith.index_cast %scan3A_349 : i32 to index
          %get3A_729 = arith.constant 144 : index
          %get3A_730 = tpu.vector_load %arg9[%get3A_727, %get3A_728, %get3A_729] {strides = array<i32>} : memref<2x40x256xf32, #tpu.memory_space<vmem>>, vector<1x1x16xf32>,
          %get3A_731 = vector.shape_cast %get3A_730 : vector<1x1x16xf32> to vector<16xf32>
          %get3A_732 = arith.constant 0 : i32
          %get3A_733 = arith.index_cast %get3A_732 : i32 to index
          %get3A_734 = arith.index_cast %scan3A_349 : i32 to index
          %get3A_735 = arith.constant 160 : index
          %get3A_736 = tpu.vector_load %arg9[%get3A_733, %get3A_734, %get3A_735] {strides = array<i32>} : memref<2x40x256xf32, #tpu.memory_space<vmem>>, vector<1x1x16xf32>,
          %get3A_737 = vector.shape_cast %get3A_736 : vector<1x1x16xf32> to vector<16xf32>
          %get3A_738 = arith.constant 0 : i32
          %get3A_739 = arith.index_cast %get3A_738 : i32 to index
          %get3A_740 = arith.index_cast %scan3A_349 : i32 to index
          %get3A_741 = arith.constant 176 : index
          %get3A_742 = tpu.vector_load %arg9[%get3A_739, %get3A_740, %get3A_741] {strides = array<i32>} : memref<2x40x256xf32, #tpu.memory_space<vmem>>, vector<1x1x16xf32>,
          %get3A_743 = vector.shape_cast %get3A_742 : vector<1x1x16xf32> to vector<16xf32>
          %get3A_744 = arith.constant 0 : i32
          %get3A_745 = arith.index_cast %get3A_744 : i32 to index
          %get3A_746 = arith.index_cast %scan3A_349 : i32 to index
          %get3A_747 = arith.constant 192 : index
          %get3A_748 = tpu.vector_load %arg9[%get3A_745, %get3A_746, %get3A_747] {strides = array<i32>} : memref<2x40x256xf32, #tpu.memory_space<vmem>>, vector<1x1x16xf32>,
          %get3A_749 = vector.shape_cast %get3A_748 : vector<1x1x16xf32> to vector<16xf32>
          %get3A_750 = arith.constant 0 : i32
          %get3A_751 = arith.index_cast %get3A_750 : i32 to index
          %get3A_752 = arith.index_cast %scan3A_349 : i32 to index
          %get3A_753 = arith.constant 208 : index
          %get3A_754 = tpu.vector_load %arg9[%get3A_751, %get3A_752, %get3A_753] {strides = array<i32>} : memref<2x40x256xf32, #tpu.memory_space<vmem>>, vector<1x1x16xf32>,
          %get3A_755 = vector.shape_cast %get3A_754 : vector<1x1x16xf32> to vector<16xf32>
          %get3A_756 = arith.constant 0 : i32
          %get3A_757 = arith.index_cast %get3A_756 : i32 to index
          %get3A_758 = arith.index_cast %scan3A_349 : i32 to index
          %get3A_759 = arith.constant 224 : index
          %get3A_760 = tpu.vector_load %arg9[%get3A_757, %get3A_758, %get3A_759] {strides = array<i32>} : memref<2x40x256xf32, #tpu.memory_space<vmem>>, vector<1x1x16xf32>,
          %get3A_761 = vector.shape_cast %get3A_760 : vector<1x1x16xf32> to vector<16xf32>
          %get3A_762 = arith.constant 0 : i32
          %get3A_763 = arith.index_cast %get3A_762 : i32 to index
          %get3A_764 = arith.index_cast %scan3A_349 : i32 to index
          %get3A_765 = arith.constant 240 : index
          %get3A_766 = tpu.vector_load %arg9[%get3A_763, %get3A_764, %get3A_765] {strides = array<i32>} : memref<2x40x256xf32, #tpu.memory_space<vmem>>, vector<1x1x16xf32>,
          %get3A_767 = vector.shape_cast %get3A_766 : vector<1x1x16xf32> to vector<16xf32>
          %mul3A_768 = arith.mulf %get3A_677, %get3A_677 : vector<16xf32>
          %mul3A_769 = arith.mulf %get3A_683, %get3A_683 : vector<16xf32>
          %add3A_770 = arith.addf %mul3A_768, %mul3A_769 : vector<16xf32>
          %mul3A_771 = arith.mulf %get3A_689, %get3A_689 : vector<16xf32>
          %add3A_772 = arith.addf %add3A_770, %mul3A_771 : vector<16xf32>
          %mul3A_773 = arith.mulf %get3A_695, %get3A_695 : vector<16xf32>
          %add3A_774 = arith.addf %add3A_772, %mul3A_773 : vector<16xf32>
          %mul3A_775 = arith.mulf %get3A_701, %get3A_701 : vector<16xf32>
          %add3A_776 = arith.addf %add3A_774, %mul3A_775 : vector<16xf32>
          %mul3A_777 = arith.mulf %get3A_707, %get3A_707 : vector<16xf32>
          %add3A_778 = arith.addf %add3A_776, %mul3A_777 : vector<16xf32>
          %mul3A_779 = arith.mulf %get3A_713, %get3A_713 : vector<16xf32>
          %add3A_780 = arith.addf %add3A_778, %mul3A_779 : vector<16xf32>
          %mul3A_781 = arith.mulf %get3A_719, %get3A_719 : vector<16xf32>
          %add3A_782 = arith.addf %add3A_780, %mul3A_781 : vector<16xf32>
          %mul3A_783 = arith.mulf %get3A_725, %get3A_725 : vector<16xf32>
          %add3A_784 = arith.addf %add3A_782, %mul3A_783 : vector<16xf32>
          %mul3A_785 = arith.mulf %get3A_731, %get3A_731 : vector<16xf32>
          %add3A_786 = arith.addf %add3A_784, %mul3A_785 : vector<16xf32>
          %mul3A_787 = arith.mulf %get3A_737, %get3A_737 : vector<16xf32>
          %add3A_788 = arith.addf %add3A_786, %mul3A_787 : vector<16xf32>
          %mul3A_789 = arith.mulf %get3A_743, %get3A_743 : vector<16xf32>
          %add3A_790 = arith.addf %add3A_788, %mul3A_789 : vector<16xf32>
          %mul3A_791 = arith.mulf %get3A_749, %get3A_749 : vector<16xf32>
          %add3A_792 = arith.addf %add3A_790, %mul3A_791 : vector<16xf32>
          %mul3A_793 = arith.mulf %get3A_755, %get3A_755 : vector<16xf32>
          %add3A_794 = arith.addf %add3A_792, %mul3A_793 : vector<16xf32>
          %mul3A_795 = arith.mulf %get3A_761, %get3A_761 : vector<16xf32>
          %add3A_796 = arith.addf %add3A_794, %mul3A_795 : vector<16xf32>
          %mul3A_797 = arith.mulf %get3A_767, %get3A_767 : vector<16xf32>
          %add3A_798 = arith.addf %add3A_796, %mul3A_797 : vector<16xf32>
          %iota3A_799 = tpu.iota {dimensions = array<i32: 0>} : vector<16xi32>
          %xor3A_800 = arith.constant 8 : i32
          %xor3A_801 = vector.broadcast %xor3A_800 : i32 to vector<16xi32>
          %xor3A_802 = arith.xori %iota3A_799, %xor3A_801 : vector<16xi32>
          %broadcast_in_dim3A_803 = vector.shape_cast %xor3A_802 : vector<16xi32> to vector<16x1xi32>
          %gather3A_804 = vector.shape_cast %broadcast_in_dim3A_803 : vector<16x1xi32> to vector<16xi32>
          %gather3A_805 = tpu.dynamic_gather %add3A_798[%gather3A_804] in [0] : vector<16xf32>, vector<16xi32> -> vector<16xf32>
          %add3A_806 = arith.addf %add3A_798, %gather3A_805 : vector<16xf32>
          %xor3A_807 = arith.constant 4 : i32
          %xor3A_808 = vector.broadcast %xor3A_807 : i32 to vector<16xi32>
          %xor3A_809 = arith.xori %iota3A_799, %xor3A_808 : vector<16xi32>
          %broadcast_in_dim3A_810 = vector.shape_cast %xor3A_809 : vector<16xi32> to vector<16x1xi32>
          %gather3A_811 = vector.shape_cast %broadcast_in_dim3A_810 : vector<16x1xi32> to vector<16xi32>
          %gather3A_812 = tpu.dynamic_gather %add3A_806[%gather3A_811] in [0] : vector<16xf32>, vector<16xi32> -> vector<16xf32>
          %add3A_813 = arith.addf %add3A_806, %gather3A_812 : vector<16xf32>
          %xor3A_814 = arith.constant 2 : i32
          %xor3A_815 = vector.broadcast %xor3A_814 : i32 to vector<16xi32>
          %xor3A_816 = arith.xori %iota3A_799, %xor3A_815 : vector<16xi32>
          %broadcast_in_dim3A_817 = vector.shape_cast %xor3A_816 : vector<16xi32> to vector<16x1xi32>
          %gather3A_818 = vector.shape_cast %broadcast_in_dim3A_817 : vector<16x1xi32> to vector<16xi32>
          %gather3A_819 = tpu.dynamic_gather %add3A_813[%gather3A_818] in [0] : vector<16xf32>, vector<16xi32> -> vector<16xf32>
          %add3A_820 = arith.addf %add3A_813, %gather3A_819 : vector<16xf32>
          %xor3A_821 = arith.constant 1 : i32
          %xor3A_822 = vector.broadcast %xor3A_821 : i32 to vector<16xi32>
          %xor3A_823 = arith.xori %iota3A_799, %xor3A_822 : vector<16xi32>
          %broadcast_in_dim3A_824 = vector.shape_cast %xor3A_823 : vector<16xi32> to vector<16x1xi32>
          %gather3A_825 = vector.shape_cast %broadcast_in_dim3A_824 : vector<16x1xi32> to vector<16xi32>
          %gather3A_826 = tpu.dynamic_gather %add3A_820[%gather3A_825] in [0] : vector<16xf32>, vector<16xi32> -> vector<16xf32>
          %add3A_827 = arith.addf %add3A_820, %gather3A_826 : vector<16xf32>
          %bitcast_convert_type3A_828 = tpu.bitcast %add3A_827 : vector<16xf32> -> vector<16xi32>
          %shift_right_arithmetic3A_829 = arith.constant 1 : i32
          %shift_right_arithmetic3A_830 = vector.broadcast %shift_right_arithmetic3A_829 : i32 to vector<16xi32>
          %shift_right_arithmetic3A_831 = arith.shrsi %bitcast_convert_type3A_828, %shift_right_arithmetic3A_830 : vector<16xi32>
          %sub3A_832 = arith.constant 1597463007 : i32
          %sub3A_833 = vector.broadcast %sub3A_832 : i32 to vector<16xi32>
          %sub3A_834 = arith.subi %sub3A_833, %shift_right_arithmetic3A_831 : vector<16xi32>
          %bitcast_convert_type3A_835 = tpu.bitcast %sub3A_834 : vector<16xi32> -> vector<16xf32>
          %mul3A_836 = arith.constant 5.000000e-01 : f32
          %mul3A_837 = vector.broadcast %mul3A_836 : f32 to vector<16xf32>
          %mul3A_838 = arith.mulf %mul3A_837, %add3A_827 : vector<16xf32>
          %mul3A_839 = arith.mulf %mul3A_838, %bitcast_convert_type3A_835 : vector<16xf32>
          %mul3A_840 = arith.mulf %mul3A_839, %bitcast_convert_type3A_835 : vector<16xf32>
          %sub3A_841 = arith.constant 1.500000e+00 : f32
          %sub3A_842 = vector.broadcast %sub3A_841 : f32 to vector<16xf32>
          %sub3A_843 = arith.subf %sub3A_842, %mul3A_840 : vector<16xf32>
          %mul3A_844 = arith.mulf %bitcast_convert_type3A_835, %sub3A_843 : vector<16xf32>
          %mul3A_845 = arith.constant 5.000000e-01 : f32
          %mul3A_846 = vector.broadcast %mul3A_845 : f32 to vector<16xf32>
          %mul3A_847 = arith.mulf %mul3A_846, %add3A_827 : vector<16xf32>
          %mul3A_848 = arith.mulf %mul3A_847, %mul3A_844 : vector<16xf32>
          %mul3A_849 = arith.mulf %mul3A_848, %mul3A_844 : vector<16xf32>
          %sub3A_850 = arith.constant 1.500000e+00 : f32
          %sub3A_851 = vector.broadcast %sub3A_850 : f32 to vector<16xf32>
          %sub3A_852 = arith.subf %sub3A_851, %mul3A_849 : vector<16xf32>
          %mul3A_853 = arith.mulf %mul3A_844, %sub3A_852 : vector<16xf32>
          %mul3A_854 = arith.constant 5.000000e-01 : f32
          %mul3A_855 = vector.broadcast %mul3A_854 : f32 to vector<16xf32>
          %mul3A_856 = arith.mulf %mul3A_855, %add3A_827 : vector<16xf32>
          %mul3A_857 = arith.mulf %mul3A_856, %mul3A_853 : vector<16xf32>
          %mul3A_858 = arith.mulf %mul3A_857, %mul3A_853 : vector<16xf32>
          %sub3A_859 = arith.constant 1.500000e+00 : f32
          %sub3A_860 = vector.broadcast %sub3A_859 : f32 to vector<16xf32>
          %sub3A_861 = arith.subf %sub3A_860, %mul3A_858 : vector<16xf32>
          %mul3A_862 = arith.mulf %mul3A_853, %sub3A_861 : vector<16xf32>
          %mul3A_863 = arith.mulf %add3A_827, %mul3A_862 : vector<16xf32>
          %max3A_864 = arith.constant 9.99999996E-13 : f32
          %max3A_865 = vector.broadcast %max3A_864 : f32 to vector<16xf32>
          %max3A_866 = arith.maximumf %mul3A_863, %max3A_865 : vector<16xf32>
          %div3A_867 = arith.divf %add3A_157, %max3A_866 : vector<16xf32>
          %mul3A_868 = arith.mulf %get3A_677, %div3A_867 : vector<16xf32>
          %swap3A_869 = arith.constant 0 : i32
          %swap3A_870 = arith.index_cast %swap3A_869 : i32 to index
          %swap3A_871 = arith.index_cast %scan3A_349 : i32 to index
          %swap3A_872 = arith.constant 256 : index
          %swap3A_873 = tpu.vector_load %arg11[%swap3A_870, %swap3A_871, %swap3A_872] {strides = array<i32>} : memref<2x40x768xf32, #tpu.memory_space<vmem>>, vector<1x1x16xf32>,
          %swap3A_874 = vector.shape_cast %swap3A_873 : vector<1x1x16xf32> to vector<16xf32>
          %swap3A_875 = vector.shape_cast %mul3A_868 : vector<16xf32> to vector<1x1x16xf32>
          tpu.vector_store %arg11[%swap3A_870, %swap3A_871, %swap3A_872], %swap3A_875 {strides = array<i32>} : memref<2x40x768xf32, #tpu.memory_space<vmem>>, vector<1x1x16xf32>,
          %mul3A_876 = arith.mulf %get3A_683, %div3A_867 : vector<16xf32>
          %swap3A_877 = arith.constant 0 : i32
          %swap3A_878 = arith.index_cast %swap3A_877 : i32 to index
          %swap3A_879 = arith.index_cast %scan3A_349 : i32 to index
          %swap3A_880 = arith.constant 272 : index
          %swap3A_881 = tpu.vector_load %arg11[%swap3A_878, %swap3A_879, %swap3A_880] {strides = array<i32>} : memref<2x40x768xf32, #tpu.memory_space<vmem>>, vector<1x1x16xf32>,
          %swap3A_882 = vector.shape_cast %swap3A_881 : vector<1x1x16xf32> to vector<16xf32>
          %swap3A_883 = vector.shape_cast %mul3A_876 : vector<16xf32> to vector<1x1x16xf32>
          tpu.vector_store %arg11[%swap3A_878, %swap3A_879, %swap3A_880], %swap3A_883 {strides = array<i32>} : memref<2x40x768xf32, #tpu.memory_space<vmem>>, vector<1x1x16xf32>,
          %mul3A_884 = arith.mulf %get3A_689, %div3A_867 : vector<16xf32>
          %swap3A_885 = arith.constant 0 : i32
          %swap3A_886 = arith.index_cast %swap3A_885 : i32 to index
          %swap3A_887 = arith.index_cast %scan3A_349 : i32 to index
          %swap3A_888 = arith.constant 288 : index
          %swap3A_889 = tpu.vector_load %arg11[%swap3A_886, %swap3A_887, %swap3A_888] {strides = array<i32>} : memref<2x40x768xf32, #tpu.memory_space<vmem>>, vector<1x1x16xf32>,
          %swap3A_890 = vector.shape_cast %swap3A_889 : vector<1x1x16xf32> to vector<16xf32>
          %swap3A_891 = vector.shape_cast %mul3A_884 : vector<16xf32> to vector<1x1x16xf32>
          tpu.vector_store %arg11[%swap3A_886, %swap3A_887, %swap3A_888], %swap3A_891 {strides = array<i32>} : memref<2x40x768xf32, #tpu.memory_space<vmem>>, vector<1x1x16xf32>,
          %mul3A_892 = arith.mulf %get3A_695, %div3A_867 : vector<16xf32>
          %swap3A_893 = arith.constant 0 : i32
          %swap3A_894 = arith.index_cast %swap3A_893 : i32 to index
          %swap3A_895 = arith.index_cast %scan3A_349 : i32 to index
          %swap3A_896 = arith.constant 304 : index
          %swap3A_897 = tpu.vector_load %arg11[%swap3A_894, %swap3A_895, %swap3A_896] {strides = array<i32>} : memref<2x40x768xf32, #tpu.memory_space<vmem>>, vector<1x1x16xf32>,
          %swap3A_898 = vector.shape_cast %swap3A_897 : vector<1x1x16xf32> to vector<16xf32>
          %swap3A_899 = vector.shape_cast %mul3A_892 : vector<16xf32> to vector<1x1x16xf32>
          tpu.vector_store %arg11[%swap3A_894, %swap3A_895, %swap3A_896], %swap3A_899 {strides = array<i32>} : memref<2x40x768xf32, #tpu.memory_space<vmem>>, vector<1x1x16xf32>,
          %mul3A_900 = arith.mulf %get3A_701, %div3A_867 : vector<16xf32>
          %swap3A_901 = arith.constant 0 : i32
          %swap3A_902 = arith.index_cast %swap3A_901 : i32 to index
          %swap3A_903 = arith.index_cast %scan3A_349 : i32 to index
          %swap3A_904 = arith.constant 320 : index
          %swap3A_905 = tpu.vector_load %arg11[%swap3A_902, %swap3A_903, %swap3A_904] {strides = array<i32>} : memref<2x40x768xf32, #tpu.memory_space<vmem>>, vector<1x1x16xf32>,
          %swap3A_906 = vector.shape_cast %swap3A_905 : vector<1x1x16xf32> to vector<16xf32>
          %swap3A_907 = vector.shape_cast %mul3A_900 : vector<16xf32> to vector<1x1x16xf32>
          tpu.vector_store %arg11[%swap3A_902, %swap3A_903, %swap3A_904], %swap3A_907 {strides = array<i32>} : memref<2x40x768xf32, #tpu.memory_space<vmem>>, vector<1x1x16xf32>,
          %mul3A_908 = arith.mulf %get3A_707, %div3A_867 : vector<16xf32>
          %swap3A_909 = arith.constant 0 : i32
          %swap3A_910 = arith.index_cast %swap3A_909 : i32 to index
          %swap3A_911 = arith.index_cast %scan3A_349 : i32 to index
          %swap3A_912 = arith.constant 336 : index
          %swap3A_913 = tpu.vector_load %arg11[%swap3A_910, %swap3A_911, %swap3A_912] {strides = array<i32>} : memref<2x40x768xf32, #tpu.memory_space<vmem>>, vector<1x1x16xf32>,
          %swap3A_914 = vector.shape_cast %swap3A_913 : vector<1x1x16xf32> to vector<16xf32>
          %swap3A_915 = vector.shape_cast %mul3A_908 : vector<16xf32> to vector<1x1x16xf32>
          tpu.vector_store %arg11[%swap3A_910, %swap3A_911, %swap3A_912], %swap3A_915 {strides = array<i32>} : memref<2x40x768xf32, #tpu.memory_space<vmem>>, vector<1x1x16xf32>,
          %mul3A_916 = arith.mulf %get3A_713, %div3A_867 : vector<16xf32>
          %swap3A_917 = arith.constant 0 : i32
          %swap3A_918 = arith.index_cast %swap3A_917 : i32 to index
          %swap3A_919 = arith.index_cast %scan3A_349 : i32 to index
          %swap3A_920 = arith.constant 352 : index
          %swap3A_921 = tpu.vector_load %arg11[%swap3A_918, %swap3A_919, %swap3A_920] {strides = array<i32>} : memref<2x40x768xf32, #tpu.memory_space<vmem>>, vector<1x1x16xf32>,
          %swap3A_922 = vector.shape_cast %swap3A_921 : vector<1x1x16xf32> to vector<16xf32>
          %swap3A_923 = vector.shape_cast %mul3A_916 : vector<16xf32> to vector<1x1x16xf32>
          tpu.vector_store %arg11[%swap3A_918, %swap3A_919, %swap3A_920], %swap3A_923 {strides = array<i32>} : memref<2x40x768xf32, #tpu.memory_space<vmem>>, vector<1x1x16xf32>,
          %mul3A_924 = arith.mulf %get3A_719, %div3A_867 : vector<16xf32>
          %swap3A_925 = arith.constant 0 : i32
          %swap3A_926 = arith.index_cast %swap3A_925 : i32 to index
          %swap3A_927 = arith.index_cast %scan3A_349 : i32 to index
          %swap3A_928 = arith.constant 368 : index
          %swap3A_929 = tpu.vector_load %arg11[%swap3A_926, %swap3A_927, %swap3A_928] {strides = array<i32>} : memref<2x40x768xf32, #tpu.memory_space<vmem>>, vector<1x1x16xf32>,
          %swap3A_930 = vector.shape_cast %swap3A_929 : vector<1x1x16xf32> to vector<16xf32>
          %swap3A_931 = vector.shape_cast %mul3A_924 : vector<16xf32> to vector<1x1x16xf32>
          tpu.vector_store %arg11[%swap3A_926, %swap3A_927, %swap3A_928], %swap3A_931 {strides = array<i32>} : memref<2x40x768xf32, #tpu.memory_space<vmem>>, vector<1x1x16xf32>,
          %mul3A_932 = arith.mulf %get3A_725, %div3A_867 : vector<16xf32>
          %swap3A_933 = arith.constant 0 : i32
          %swap3A_934 = arith.index_cast %swap3A_933 : i32 to index
          %swap3A_935 = arith.index_cast %scan3A_349 : i32 to index
          %swap3A_936 = arith.constant 384 : index
          %swap3A_937 = tpu.vector_load %arg11[%swap3A_934, %swap3A_935, %swap3A_936] {strides = array<i32>} : memref<2x40x768xf32, #tpu.memory_space<vmem>>, vector<1x1x16xf32>,
          %swap3A_938 = vector.shape_cast %swap3A_937 : vector<1x1x16xf32> to vector<16xf32>
          %swap3A_939 = vector.shape_cast %mul3A_932 : vector<16xf32> to vector<1x1x16xf32>
          tpu.vector_store %arg11[%swap3A_934, %swap3A_935, %swap3A_936], %swap3A_939 {strides = array<i32>} : memref<2x40x768xf32, #tpu.memory_space<vmem>>, vector<1x1x16xf32>,
          %mul3A_940 = arith.mulf %get3A_731, %div3A_867 : vector<16xf32>
          %swap3A_941 = arith.constant 0 : i32
          %swap3A_942 = arith.index_cast %swap3A_941 : i32 to index
          %swap3A_943 = arith.index_cast %scan3A_349 : i32 to index
          %swap3A_944 = arith.constant 400 : index
          %swap3A_945 = tpu.vector_load %arg11[%swap3A_942, %swap3A_943, %swap3A_944] {strides = array<i32>} : memref<2x40x768xf32, #tpu.memory_space<vmem>>, vector<1x1x16xf32>,
          %swap3A_946 = vector.shape_cast %swap3A_945 : vector<1x1x16xf32> to vector<16xf32>
          %swap3A_947 = vector.shape_cast %mul3A_940 : vector<16xf32> to vector<1x1x16xf32>
          tpu.vector_store %arg11[%swap3A_942, %swap3A_943, %swap3A_944], %swap3A_947 {strides = array<i32>} : memref<2x40x768xf32, #tpu.memory_space<vmem>>, vector<1x1x16xf32>,
          %mul3A_948 = arith.mulf %get3A_737, %div3A_867 : vector<16xf32>
          %swap3A_949 = arith.constant 0 : i32
          %swap3A_950 = arith.index_cast %swap3A_949 : i32 to index
          %swap3A_951 = arith.index_cast %scan3A_349 : i32 to index
          %swap3A_952 = arith.constant 416 : index
          %swap3A_953 = tpu.vector_load %arg11[%swap3A_950, %swap3A_951, %swap3A_952] {strides = array<i32>} : memref<2x40x768xf32, #tpu.memory_space<vmem>>, vector<1x1x16xf32>,
          %swap3A_954 = vector.shape_cast %swap3A_953 : vector<1x1x16xf32> to vector<16xf32>
          %swap3A_955 = vector.shape_cast %mul3A_948 : vector<16xf32> to vector<1x1x16xf32>
          tpu.vector_store %arg11[%swap3A_950, %swap3A_951, %swap3A_952], %swap3A_955 {strides = array<i32>} : memref<2x40x768xf32, #tpu.memory_space<vmem>>, vector<1x1x16xf32>,
          %mul3A_956 = arith.mulf %get3A_743, %div3A_867 : vector<16xf32>
          %swap3A_957 = arith.constant 0 : i32
          %swap3A_958 = arith.index_cast %swap3A_957 : i32 to index
          %swap3A_959 = arith.index_cast %scan3A_349 : i32 to index
          %swap3A_960 = arith.constant 432 : index
          %swap3A_961 = tpu.vector_load %arg11[%swap3A_958, %swap3A_959, %swap3A_960] {strides = array<i32>} : memref<2x40x768xf32, #tpu.memory_space<vmem>>, vector<1x1x16xf32>,
          %swap3A_962 = vector.shape_cast %swap3A_961 : vector<1x1x16xf32> to vector<16xf32>
          %swap3A_963 = vector.shape_cast %mul3A_956 : vector<16xf32> to vector<1x1x16xf32>
          tpu.vector_store %arg11[%swap3A_958, %swap3A_959, %swap3A_960], %swap3A_963 {strides = array<i32>} : memref<2x40x768xf32, #tpu.memory_space<vmem>>, vector<1x1x16xf32>,
          %mul3A_964 = arith.mulf %get3A_749, %div3A_867 : vector<16xf32>
          %swap3A_965 = arith.constant 0 : i32
          %swap3A_966 = arith.index_cast %swap3A_965 : i32 to index
          %swap3A_967 = arith.index_cast %scan3A_349 : i32 to index
          %swap3A_968 = arith.constant 448 : index
          %swap3A_969 = tpu.vector_load %arg11[%swap3A_966, %swap3A_967, %swap3A_968] {strides = array<i32>} : memref<2x40x768xf32, #tpu.memory_space<vmem>>, vector<1x1x16xf32>,
          %swap3A_970 = vector.shape_cast %swap3A_969 : vector<1x1x16xf32> to vector<16xf32>
          %swap3A_971 = vector.shape_cast %mul3A_964 : vector<16xf32> to vector<1x1x16xf32>
          tpu.vector_store %arg11[%swap3A_966, %swap3A_967, %swap3A_968], %swap3A_971 {strides = array<i32>} : memref<2x40x768xf32, #tpu.memory_space<vmem>>, vector<1x1x16xf32>,
          %mul3A_972 = arith.mulf %get3A_755, %div3A_867 : vector<16xf32>
          %swap3A_973 = arith.constant 0 : i32
          %swap3A_974 = arith.index_cast %swap3A_973 : i32 to index
          %swap3A_975 = arith.index_cast %scan3A_349 : i32 to index
          %swap3A_976 = arith.constant 464 : index
          %swap3A_977 = tpu.vector_load %arg11[%swap3A_974, %swap3A_975, %swap3A_976] {strides = array<i32>} : memref<2x40x768xf32, #tpu.memory_space<vmem>>, vector<1x1x16xf32>,
          %swap3A_978 = vector.shape_cast %swap3A_977 : vector<1x1x16xf32> to vector<16xf32>
          %swap3A_979 = vector.shape_cast %mul3A_972 : vector<16xf32> to vector<1x1x16xf32>
          tpu.vector_store %arg11[%swap3A_974, %swap3A_975, %swap3A_976], %swap3A_979 {strides = array<i32>} : memref<2x40x768xf32, #tpu.memory_space<vmem>>, vector<1x1x16xf32>,
          %mul3A_980 = arith.mulf %get3A_761, %div3A_867 : vector<16xf32>
          %swap3A_981 = arith.constant 0 : i32
          %swap3A_982 = arith.index_cast %swap3A_981 : i32 to index
          %swap3A_983 = arith.index_cast %scan3A_349 : i32 to index
          %swap3A_984 = arith.constant 480 : index
          %swap3A_985 = tpu.vector_load %arg11[%swap3A_982, %swap3A_983, %swap3A_984] {strides = array<i32>} : memref<2x40x768xf32, #tpu.memory_space<vmem>>, vector<1x1x16xf32>,
          %swap3A_986 = vector.shape_cast %swap3A_985 : vector<1x1x16xf32> to vector<16xf32>
          %swap3A_987 = vector.shape_cast %mul3A_980 : vector<16xf32> to vector<1x1x16xf32>
          tpu.vector_store %arg11[%swap3A_982, %swap3A_983, %swap3A_984], %swap3A_987 {strides = array<i32>} : memref<2x40x768xf32, #tpu.memory_space<vmem>>, vector<1x1x16xf32>,
          %mul3A_988 = arith.mulf %get3A_767, %div3A_867 : vector<16xf32>
          %swap3A_989 = arith.constant 0 : i32
          %swap3A_990 = arith.index_cast %swap3A_989 : i32 to index
          %swap3A_991 = arith.index_cast %scan3A_349 : i32 to index
          %swap3A_992 = arith.constant 496 : index
          %swap3A_993 = tpu.vector_load %arg11[%swap3A_990, %swap3A_991, %swap3A_992] {strides = array<i32>} : memref<2x40x768xf32, #tpu.memory_space<vmem>>, vector<1x1x16xf32>,
          %swap3A_994 = vector.shape_cast %swap3A_993 : vector<1x1x16xf32> to vector<16xf32>
          %swap3A_995 = vector.shape_cast %mul3A_988 : vector<16xf32> to vector<1x1x16xf32>
          tpu.vector_store %arg11[%swap3A_990, %swap3A_991, %swap3A_992], %swap3A_995 {strides = array<i32>} : memref<2x40x768xf32, #tpu.memory_space<vmem>>, vector<1x1x16xf32>,
          %get3A_996 = arith.constant 0 : i32
          %get3A_997 = arith.index_cast %get3A_996 : i32 to index
          %get3A_998 = arith.index_cast %scan3A_349 : i32 to index
          %get3A_999 = arith.constant 0 : index
          %get3A_1000 = tpu.vector_load %arg10[%get3A_997, %get3A_998, %get3A_999] {strides = array<i32>} : memref<2x40x256xf32, #tpu.memory_space<vmem>>, vector<1x1x16xf32>,
          %get3A_1001 = vector.shape_cast %get3A_1000 : vector<1x1x16xf32> to vector<16xf32>
          %get3A_1002 = arith.constant 0 : i32
          %get3A_1003 = arith.index_cast %get3A_1002 : i32 to index
          %get3A_1004 = arith.index_cast %scan3A_349 : i32 to index
          %get3A_1005 = arith.constant 16 : index
          %get3A_1006 = tpu.vector_load %arg10[%get3A_1003, %get3A_1004, %get3A_1005] {strides = array<i32>} : memref<2x40x256xf32, #tpu.memory_space<vmem>>, vector<1x1x16xf32>,
          %get3A_1007 = vector.shape_cast %get3A_1006 : vector<1x1x16xf32> to vector<16xf32>
          %get3A_1008 = arith.constant 0 : i32
          %get3A_1009 = arith.index_cast %get3A_1008 : i32 to index
          %get3A_1010 = arith.index_cast %scan3A_349 : i32 to index
          %get3A_1011 = arith.constant 32 : index
          %get3A_1012 = tpu.vector_load %arg10[%get3A_1009, %get3A_1010, %get3A_1011] {strides = array<i32>} : memref<2x40x256xf32, #tpu.memory_space<vmem>>, vector<1x1x16xf32>,
          %get3A_1013 = vector.shape_cast %get3A_1012 : vector<1x1x16xf32> to vector<16xf32>
          %get3A_1014 = arith.constant 0 : i32
          %get3A_1015 = arith.index_cast %get3A_1014 : i32 to index
          %get3A_1016 = arith.index_cast %scan3A_349 : i32 to index
          %get3A_1017 = arith.constant 48 : index
          %get3A_1018 = tpu.vector_load %arg10[%get3A_1015, %get3A_1016, %get3A_1017] {strides = array<i32>} : memref<2x40x256xf32, #tpu.memory_space<vmem>>, vector<1x1x16xf32>,
          %get3A_1019 = vector.shape_cast %get3A_1018 : vector<1x1x16xf32> to vector<16xf32>
          %get3A_1020 = arith.constant 0 : i32
          %get3A_1021 = arith.index_cast %get3A_1020 : i32 to index
          %get3A_1022 = arith.index_cast %scan3A_349 : i32 to index
          %get3A_1023 = arith.constant 64 : index
          %get3A_1024 = tpu.vector_load %arg10[%get3A_1021, %get3A_1022, %get3A_1023] {strides = array<i32>} : memref<2x40x256xf32, #tpu.memory_space<vmem>>, vector<1x1x16xf32>,
          %get3A_1025 = vector.shape_cast %get3A_1024 : vector<1x1x16xf32> to vector<16xf32>
          %get3A_1026 = arith.constant 0 : i32
          %get3A_1027 = arith.index_cast %get3A_1026 : i32 to index
          %get3A_1028 = arith.index_cast %scan3A_349 : i32 to index
          %get3A_1029 = arith.constant 80 : index
          %get3A_1030 = tpu.vector_load %arg10[%get3A_1027, %get3A_1028, %get3A_1029] {strides = array<i32>} : memref<2x40x256xf32, #tpu.memory_space<vmem>>, vector<1x1x16xf32>,
          %get3A_1031 = vector.shape_cast %get3A_1030 : vector<1x1x16xf32> to vector<16xf32>
          %get3A_1032 = arith.constant 0 : i32
          %get3A_1033 = arith.index_cast %get3A_1032 : i32 to index
          %get3A_1034 = arith.index_cast %scan3A_349 : i32 to index
          %get3A_1035 = arith.constant 96 : index
          %get3A_1036 = tpu.vector_load %arg10[%get3A_1033, %get3A_1034, %get3A_1035] {strides = array<i32>} : memref<2x40x256xf32, #tpu.memory_space<vmem>>, vector<1x1x16xf32>,
          %get3A_1037 = vector.shape_cast %get3A_1036 : vector<1x1x16xf32> to vector<16xf32>
          %get3A_1038 = arith.constant 0 : i32
          %get3A_1039 = arith.index_cast %get3A_1038 : i32 to index
          %get3A_1040 = arith.index_cast %scan3A_349 : i32 to index
          %get3A_1041 = arith.constant 112 : index
          %get3A_1042 = tpu.vector_load %arg10[%get3A_1039, %get3A_1040, %get3A_1041] {strides = array<i32>} : memref<2x40x256xf32, #tpu.memory_space<vmem>>, vector<1x1x16xf32>,
          %get3A_1043 = vector.shape_cast %get3A_1042 : vector<1x1x16xf32> to vector<16xf32>
          %get3A_1044 = arith.constant 0 : i32
          %get3A_1045 = arith.index_cast %get3A_1044 : i32 to index
          %get3A_1046 = arith.index_cast %scan3A_349 : i32 to index
          %get3A_1047 = arith.constant 128 : index
          %get3A_1048 = tpu.vector_load %arg10[%get3A_1045, %get3A_1046, %get3A_1047] {strides = array<i32>} : memref<2x40x256xf32, #tpu.memory_space<vmem>>, vector<1x1x16xf32>,
          %get3A_1049 = vector.shape_cast %get3A_1048 : vector<1x1x16xf32> to vector<16xf32>
          %get3A_1050 = arith.constant 0 : i32
          %get3A_1051 = arith.index_cast %get3A_1050 : i32 to index
          %get3A_1052 = arith.index_cast %scan3A_349 : i32 to index
          %get3A_1053 = arith.constant 144 : index
          %get3A_1054 = tpu.vector_load %arg10[%get3A_1051, %get3A_1052, %get3A_1053] {strides = array<i32>} : memref<2x40x256xf32, #tpu.memory_space<vmem>>, vector<1x1x16xf32>,
          %get3A_1055 = vector.shape_cast %get3A_1054 : vector<1x1x16xf32> to vector<16xf32>
          %get3A_1056 = arith.constant 0 : i32
          %get3A_1057 = arith.index_cast %get3A_1056 : i32 to index
          %get3A_1058 = arith.index_cast %scan3A_349 : i32 to index
          %get3A_1059 = arith.constant 160 : index
          %get3A_1060 = tpu.vector_load %arg10[%get3A_1057, %get3A_1058, %get3A_1059] {strides = array<i32>} : memref<2x40x256xf32, #tpu.memory_space<vmem>>, vector<1x1x16xf32>,
          %get3A_1061 = vector.shape_cast %get3A_1060 : vector<1x1x16xf32> to vector<16xf32>
          %get3A_1062 = arith.constant 0 : i32
          %get3A_1063 = arith.index_cast %get3A_1062 : i32 to index
          %get3A_1064 = arith.index_cast %scan3A_349 : i32 to index
          %get3A_1065 = arith.constant 176 : index
          %get3A_1066 = tpu.vector_load %arg10[%get3A_1063, %get3A_1064, %get3A_1065] {strides = array<i32>} : memref<2x40x256xf32, #tpu.memory_space<vmem>>, vector<1x1x16xf32>,
          %get3A_1067 = vector.shape_cast %get3A_1066 : vector<1x1x16xf32> to vector<16xf32>
          %get3A_1068 = arith.constant 0 : i32
          %get3A_1069 = arith.index_cast %get3A_1068 : i32 to index
          %get3A_1070 = arith.index_cast %scan3A_349 : i32 to index
          %get3A_1071 = arith.constant 192 : index
          %get3A_1072 = tpu.vector_load %arg10[%get3A_1069, %get3A_1070, %get3A_1071] {strides = array<i32>} : memref<2x40x256xf32, #tpu.memory_space<vmem>>, vector<1x1x16xf32>,
          %get3A_1073 = vector.shape_cast %get3A_1072 : vector<1x1x16xf32> to vector<16xf32>
          %get3A_1074 = arith.constant 0 : i32
          %get3A_1075 = arith.index_cast %get3A_1074 : i32 to index
          %get3A_1076 = arith.index_cast %scan3A_349 : i32 to index
          %get3A_1077 = arith.constant 208 : index
          %get3A_1078 = tpu.vector_load %arg10[%get3A_1075, %get3A_1076, %get3A_1077] {strides = array<i32>} : memref<2x40x256xf32, #tpu.memory_space<vmem>>, vector<1x1x16xf32>,
          %get3A_1079 = vector.shape_cast %get3A_1078 : vector<1x1x16xf32> to vector<16xf32>
          %get3A_1080 = arith.constant 0 : i32
          %get3A_1081 = arith.index_cast %get3A_1080 : i32 to index
          %get3A_1082 = arith.index_cast %scan3A_349 : i32 to index
          %get3A_1083 = arith.constant 224 : index
          %get3A_1084 = tpu.vector_load %arg10[%get3A_1081, %get3A_1082, %get3A_1083] {strides = array<i32>} : memref<2x40x256xf32, #tpu.memory_space<vmem>>, vector<1x1x16xf32>,
          %get3A_1085 = vector.shape_cast %get3A_1084 : vector<1x1x16xf32> to vector<16xf32>
          %get3A_1086 = arith.constant 0 : i32
          %get3A_1087 = arith.index_cast %get3A_1086 : i32 to index
          %get3A_1088 = arith.index_cast %scan3A_349 : i32 to index
          %get3A_1089 = arith.constant 240 : index
          %get3A_1090 = tpu.vector_load %arg10[%get3A_1087, %get3A_1088, %get3A_1089] {strides = array<i32>} : memref<2x40x256xf32, #tpu.memory_space<vmem>>, vector<1x1x16xf32>,
          %get3A_1091 = vector.shape_cast %get3A_1090 : vector<1x1x16xf32> to vector<16xf32>
          %mul3A_1092 = arith.mulf %get3A_1001, %get3A_1001 : vector<16xf32>
          %mul3A_1093 = arith.mulf %get3A_1007, %get3A_1007 : vector<16xf32>
          %add3A_1094 = arith.addf %mul3A_1092, %mul3A_1093 : vector<16xf32>
          %mul3A_1095 = arith.mulf %get3A_1013, %get3A_1013 : vector<16xf32>
          %add3A_1096 = arith.addf %add3A_1094, %mul3A_1095 : vector<16xf32>
          %mul3A_1097 = arith.mulf %get3A_1019, %get3A_1019 : vector<16xf32>
          %add3A_1098 = arith.addf %add3A_1096, %mul3A_1097 : vector<16xf32>
          %mul3A_1099 = arith.mulf %get3A_1025, %get3A_1025 : vector<16xf32>
          %add3A_1100 = arith.addf %add3A_1098, %mul3A_1099 : vector<16xf32>
          %mul3A_1101 = arith.mulf %get3A_1031, %get3A_1031 : vector<16xf32>
          %add3A_1102 = arith.addf %add3A_1100, %mul3A_1101 : vector<16xf32>
          %mul3A_1103 = arith.mulf %get3A_1037, %get3A_1037 : vector<16xf32>
          %add3A_1104 = arith.addf %add3A_1102, %mul3A_1103 : vector<16xf32>
          %mul3A_1105 = arith.mulf %get3A_1043, %get3A_1043 : vector<16xf32>
          %add3A_1106 = arith.addf %add3A_1104, %mul3A_1105 : vector<16xf32>
          %mul3A_1107 = arith.mulf %get3A_1049, %get3A_1049 : vector<16xf32>
          %add3A_1108 = arith.addf %add3A_1106, %mul3A_1107 : vector<16xf32>
          %mul3A_1109 = arith.mulf %get3A_1055, %get3A_1055 : vector<16xf32>
          %add3A_1110 = arith.addf %add3A_1108, %mul3A_1109 : vector<16xf32>
          %mul3A_1111 = arith.mulf %get3A_1061, %get3A_1061 : vector<16xf32>
          %add3A_1112 = arith.addf %add3A_1110, %mul3A_1111 : vector<16xf32>
          %mul3A_1113 = arith.mulf %get3A_1067, %get3A_1067 : vector<16xf32>
          %add3A_1114 = arith.addf %add3A_1112, %mul3A_1113 : vector<16xf32>
          %mul3A_1115 = arith.mulf %get3A_1073, %get3A_1073 : vector<16xf32>
          %add3A_1116 = arith.addf %add3A_1114, %mul3A_1115 : vector<16xf32>
          %mul3A_1117 = arith.mulf %get3A_1079, %get3A_1079 : vector<16xf32>
          %add3A_1118 = arith.addf %add3A_1116, %mul3A_1117 : vector<16xf32>
          %mul3A_1119 = arith.mulf %get3A_1085, %get3A_1085 : vector<16xf32>
          %add3A_1120 = arith.addf %add3A_1118, %mul3A_1119 : vector<16xf32>
          %mul3A_1121 = arith.mulf %get3A_1091, %get3A_1091 : vector<16xf32>
          %add3A_1122 = arith.addf %add3A_1120, %mul3A_1121 : vector<16xf32>
          %iota3A_1123 = tpu.iota {dimensions = array<i32: 0>} : vector<16xi32>
          %xor3A_1124 = arith.constant 8 : i32
          %xor3A_1125 = vector.broadcast %xor3A_1124 : i32 to vector<16xi32>
          %xor3A_1126 = arith.xori %iota3A_1123, %xor3A_1125 : vector<16xi32>
          %broadcast_in_dim3A_1127 = vector.shape_cast %xor3A_1126 : vector<16xi32> to vector<16x1xi32>
          %gather3A_1128 = vector.shape_cast %broadcast_in_dim3A_1127 : vector<16x1xi32> to vector<16xi32>
          %gather3A_1129 = tpu.dynamic_gather %add3A_1122[%gather3A_1128] in [0] : vector<16xf32>, vector<16xi32> -> vector<16xf32>
          %add3A_1130 = arith.addf %add3A_1122, %gather3A_1129 : vector<16xf32>
          %xor3A_1131 = arith.constant 4 : i32
          %xor3A_1132 = vector.broadcast %xor3A_1131 : i32 to vector<16xi32>
          %xor3A_1133 = arith.xori %iota3A_1123, %xor3A_1132 : vector<16xi32>
          %broadcast_in_dim3A_1134 = vector.shape_cast %xor3A_1133 : vector<16xi32> to vector<16x1xi32>
          %gather3A_1135 = vector.shape_cast %broadcast_in_dim3A_1134 : vector<16x1xi32> to vector<16xi32>
          %gather3A_1136 = tpu.dynamic_gather %add3A_1130[%gather3A_1135] in [0] : vector<16xf32>, vector<16xi32> -> vector<16xf32>
          %add3A_1137 = arith.addf %add3A_1130, %gather3A_1136 : vector<16xf32>
          %xor3A_1138 = arith.constant 2 : i32
          %xor3A_1139 = vector.broadcast %xor3A_1138 : i32 to vector<16xi32>
          %xor3A_1140 = arith.xori %iota3A_1123, %xor3A_1139 : vector<16xi32>
          %broadcast_in_dim3A_1141 = vector.shape_cast %xor3A_1140 : vector<16xi32> to vector<16x1xi32>
          %gather3A_1142 = vector.shape_cast %broadcast_in_dim3A_1141 : vector<16x1xi32> to vector<16xi32>
          %gather3A_1143 = tpu.dynamic_gather %add3A_1137[%gather3A_1142] in [0] : vector<16xf32>, vector<16xi32> -> vector<16xf32>
          %add3A_1144 = arith.addf %add3A_1137, %gather3A_1143 : vector<16xf32>
          %xor3A_1145 = arith.constant 1 : i32
          %xor3A_1146 = vector.broadcast %xor3A_1145 : i32 to vector<16xi32>
          %xor3A_1147 = arith.xori %iota3A_1123, %xor3A_1146 : vector<16xi32>
          %broadcast_in_dim3A_1148 = vector.shape_cast %xor3A_1147 : vector<16xi32> to vector<16x1xi32>
          %gather3A_1149 = vector.shape_cast %broadcast_in_dim3A_1148 : vector<16x1xi32> to vector<16xi32>
          %gather3A_1150 = tpu.dynamic_gather %add3A_1144[%gather3A_1149] in [0] : vector<16xf32>, vector<16xi32> -> vector<16xf32>
          %add3A_1151 = arith.addf %add3A_1144, %gather3A_1150 : vector<16xf32>
          %bitcast_convert_type3A_1152 = tpu.bitcast %add3A_1151 : vector<16xf32> -> vector<16xi32>
          %shift_right_arithmetic3A_1153 = arith.constant 1 : i32
          %shift_right_arithmetic3A_1154 = vector.broadcast %shift_right_arithmetic3A_1153 : i32 to vector<16xi32>
          %shift_right_arithmetic3A_1155 = arith.shrsi %bitcast_convert_type3A_1152, %shift_right_arithmetic3A_1154 : vector<16xi32>
          %sub3A_1156 = arith.constant 1597463007 : i32
          %sub3A_1157 = vector.broadcast %sub3A_1156 : i32 to vector<16xi32>
          %sub3A_1158 = arith.subi %sub3A_1157, %shift_right_arithmetic3A_1155 : vector<16xi32>
          %bitcast_convert_type3A_1159 = tpu.bitcast %sub3A_1158 : vector<16xi32> -> vector<16xf32>
          %mul3A_1160 = arith.constant 5.000000e-01 : f32
          %mul3A_1161 = vector.broadcast %mul3A_1160 : f32 to vector<16xf32>
          %mul3A_1162 = arith.mulf %mul3A_1161, %add3A_1151 : vector<16xf32>
          %mul3A_1163 = arith.mulf %mul3A_1162, %bitcast_convert_type3A_1159 : vector<16xf32>
          %mul3A_1164 = arith.mulf %mul3A_1163, %bitcast_convert_type3A_1159 : vector<16xf32>
          %sub3A_1165 = arith.constant 1.500000e+00 : f32
          %sub3A_1166 = vector.broadcast %sub3A_1165 : f32 to vector<16xf32>
          %sub3A_1167 = arith.subf %sub3A_1166, %mul3A_1164 : vector<16xf32>
          %mul3A_1168 = arith.mulf %bitcast_convert_type3A_1159, %sub3A_1167 : vector<16xf32>
          %mul3A_1169 = arith.constant 5.000000e-01 : f32
          %mul3A_1170 = vector.broadcast %mul3A_1169 : f32 to vector<16xf32>
          %mul3A_1171 = arith.mulf %mul3A_1170, %add3A_1151 : vector<16xf32>
          %mul3A_1172 = arith.mulf %mul3A_1171, %mul3A_1168 : vector<16xf32>
          %mul3A_1173 = arith.mulf %mul3A_1172, %mul3A_1168 : vector<16xf32>
          %sub3A_1174 = arith.constant 1.500000e+00 : f32
          %sub3A_1175 = vector.broadcast %sub3A_1174 : f32 to vector<16xf32>
          %sub3A_1176 = arith.subf %sub3A_1175, %mul3A_1173 : vector<16xf32>
          %mul3A_1177 = arith.mulf %mul3A_1168, %sub3A_1176 : vector<16xf32>
          %mul3A_1178 = arith.constant 5.000000e-01 : f32
          %mul3A_1179 = vector.broadcast %mul3A_1178 : f32 to vector<16xf32>
          %mul3A_1180 = arith.mulf %mul3A_1179, %add3A_1151 : vector<16xf32>
          %mul3A_1181 = arith.mulf %mul3A_1180, %mul3A_1177 : vector<16xf32>
          %mul3A_1182 = arith.mulf %mul3A_1181, %mul3A_1177 : vector<16xf32>
          %sub3A_1183 = arith.constant 1.500000e+00 : f32
          %sub3A_1184 = vector.broadcast %sub3A_1183 : f32 to vector<16xf32>
          %sub3A_1185 = arith.subf %sub3A_1184, %mul3A_1182 : vector<16xf32>
          %mul3A_1186 = arith.mulf %mul3A_1177, %sub3A_1185 : vector<16xf32>
          %mul3A_1187 = arith.mulf %add3A_1151, %mul3A_1186 : vector<16xf32>
          %max3A_1188 = arith.constant 9.99999996E-13 : f32
          %max3A_1189 = vector.broadcast %max3A_1188 : f32 to vector<16xf32>
          %max3A_1190 = arith.maximumf %mul3A_1187, %max3A_1189 : vector<16xf32>
          %div3A_1191 = arith.divf %add3A_192, %max3A_1190 : vector<16xf32>
          %mul3A_1192 = arith.mulf %get3A_1001, %div3A_1191 : vector<16xf32>
          %swap3A_1193 = arith.constant 0 : i32
          %swap3A_1194 = arith.index_cast %swap3A_1193 : i32 to index
          %swap3A_1195 = arith.index_cast %scan3A_349 : i32 to index
          %swap3A_1196 = arith.constant 512 : index
          %swap3A_1197 = tpu.vector_load %arg11[%swap3A_1194, %swap3A_1195, %swap3A_1196] {strides = array<i32>} : memref<2x40x768xf32, #tpu.memory_space<vmem>>, vector<1x1x16xf32>,
          %swap3A_1198 = vector.shape_cast %swap3A_1197 : vector<1x1x16xf32> to vector<16xf32>
          %swap3A_1199 = vector.shape_cast %mul3A_1192 : vector<16xf32> to vector<1x1x16xf32>
          tpu.vector_store %arg11[%swap3A_1194, %swap3A_1195, %swap3A_1196], %swap3A_1199 {strides = array<i32>} : memref<2x40x768xf32, #tpu.memory_space<vmem>>, vector<1x1x16xf32>,
          %mul3A_1200 = arith.mulf %get3A_1007, %div3A_1191 : vector<16xf32>
          %swap3A_1201 = arith.constant 0 : i32
          %swap3A_1202 = arith.index_cast %swap3A_1201 : i32 to index
          %swap3A_1203 = arith.index_cast %scan3A_349 : i32 to index
          %swap3A_1204 = arith.constant 528 : index
          %swap3A_1205 = tpu.vector_load %arg11[%swap3A_1202, %swap3A_1203, %swap3A_1204] {strides = array<i32>} : memref<2x40x768xf32, #tpu.memory_space<vmem>>, vector<1x1x16xf32>,
          %swap3A_1206 = vector.shape_cast %swap3A_1205 : vector<1x1x16xf32> to vector<16xf32>
          %swap3A_1207 = vector.shape_cast %mul3A_1200 : vector<16xf32> to vector<1x1x16xf32>
          tpu.vector_store %arg11[%swap3A_1202, %swap3A_1203, %swap3A_1204], %swap3A_1207 {strides = array<i32>} : memref<2x40x768xf32, #tpu.memory_space<vmem>>, vector<1x1x16xf32>,
          %mul3A_1208 = arith.mulf %get3A_1013, %div3A_1191 : vector<16xf32>
          %swap3A_1209 = arith.constant 0 : i32
          %swap3A_1210 = arith.index_cast %swap3A_1209 : i32 to index
          %swap3A_1211 = arith.index_cast %scan3A_349 : i32 to index
          %swap3A_1212 = arith.constant 544 : index
          %swap3A_1213 = tpu.vector_load %arg11[%swap3A_1210, %swap3A_1211, %swap3A_1212] {strides = array<i32>} : memref<2x40x768xf32, #tpu.memory_space<vmem>>, vector<1x1x16xf32>,
          %swap3A_1214 = vector.shape_cast %swap3A_1213 : vector<1x1x16xf32> to vector<16xf32>
          %swap3A_1215 = vector.shape_cast %mul3A_1208 : vector<16xf32> to vector<1x1x16xf32>
          tpu.vector_store %arg11[%swap3A_1210, %swap3A_1211, %swap3A_1212], %swap3A_1215 {strides = array<i32>} : memref<2x40x768xf32, #tpu.memory_space<vmem>>, vector<1x1x16xf32>,
          %mul3A_1216 = arith.mulf %get3A_1019, %div3A_1191 : vector<16xf32>
          %swap3A_1217 = arith.constant 0 : i32
          %swap3A_1218 = arith.index_cast %swap3A_1217 : i32 to index
          %swap3A_1219 = arith.index_cast %scan3A_349 : i32 to index
          %swap3A_1220 = arith.constant 560 : index
          %swap3A_1221 = tpu.vector_load %arg11[%swap3A_1218, %swap3A_1219, %swap3A_1220] {strides = array<i32>} : memref<2x40x768xf32, #tpu.memory_space<vmem>>, vector<1x1x16xf32>,
          %swap3A_1222 = vector.shape_cast %swap3A_1221 : vector<1x1x16xf32> to vector<16xf32>
          %swap3A_1223 = vector.shape_cast %mul3A_1216 : vector<16xf32> to vector<1x1x16xf32>
          tpu.vector_store %arg11[%swap3A_1218, %swap3A_1219, %swap3A_1220], %swap3A_1223 {strides = array<i32>} : memref<2x40x768xf32, #tpu.memory_space<vmem>>, vector<1x1x16xf32>,
          %mul3A_1224 = arith.mulf %get3A_1025, %div3A_1191 : vector<16xf32>
          %swap3A_1225 = arith.constant 0 : i32
          %swap3A_1226 = arith.index_cast %swap3A_1225 : i32 to index
          %swap3A_1227 = arith.index_cast %scan3A_349 : i32 to index
          %swap3A_1228 = arith.constant 576 : index
          %swap3A_1229 = tpu.vector_load %arg11[%swap3A_1226, %swap3A_1227, %swap3A_1228] {strides = array<i32>} : memref<2x40x768xf32, #tpu.memory_space<vmem>>, vector<1x1x16xf32>,
          %swap3A_1230 = vector.shape_cast %swap3A_1229 : vector<1x1x16xf32> to vector<16xf32>
          %swap3A_1231 = vector.shape_cast %mul3A_1224 : vector<16xf32> to vector<1x1x16xf32>
          tpu.vector_store %arg11[%swap3A_1226, %swap3A_1227, %swap3A_1228], %swap3A_1231 {strides = array<i32>} : memref<2x40x768xf32, #tpu.memory_space<vmem>>, vector<1x1x16xf32>,
          %mul3A_1232 = arith.mulf %get3A_1031, %div3A_1191 : vector<16xf32>
          %swap3A_1233 = arith.constant 0 : i32
          %swap3A_1234 = arith.index_cast %swap3A_1233 : i32 to index
          %swap3A_1235 = arith.index_cast %scan3A_349 : i32 to index
          %swap3A_1236 = arith.constant 592 : index
          %swap3A_1237 = tpu.vector_load %arg11[%swap3A_1234, %swap3A_1235, %swap3A_1236] {strides = array<i32>} : memref<2x40x768xf32, #tpu.memory_space<vmem>>, vector<1x1x16xf32>,
          %swap3A_1238 = vector.shape_cast %swap3A_1237 : vector<1x1x16xf32> to vector<16xf32>
          %swap3A_1239 = vector.shape_cast %mul3A_1232 : vector<16xf32> to vector<1x1x16xf32>
          tpu.vector_store %arg11[%swap3A_1234, %swap3A_1235, %swap3A_1236], %swap3A_1239 {strides = array<i32>} : memref<2x40x768xf32, #tpu.memory_space<vmem>>, vector<1x1x16xf32>,
          %mul3A_1240 = arith.mulf %get3A_1037, %div3A_1191 : vector<16xf32>
          %swap3A_1241 = arith.constant 0 : i32
          %swap3A_1242 = arith.index_cast %swap3A_1241 : i32 to index
          %swap3A_1243 = arith.index_cast %scan3A_349 : i32 to index
          %swap3A_1244 = arith.constant 608 : index
          %swap3A_1245 = tpu.vector_load %arg11[%swap3A_1242, %swap3A_1243, %swap3A_1244] {strides = array<i32>} : memref<2x40x768xf32, #tpu.memory_space<vmem>>, vector<1x1x16xf32>,
          %swap3A_1246 = vector.shape_cast %swap3A_1245 : vector<1x1x16xf32> to vector<16xf32>
          %swap3A_1247 = vector.shape_cast %mul3A_1240 : vector<16xf32> to vector<1x1x16xf32>
          tpu.vector_store %arg11[%swap3A_1242, %swap3A_1243, %swap3A_1244], %swap3A_1247 {strides = array<i32>} : memref<2x40x768xf32, #tpu.memory_space<vmem>>, vector<1x1x16xf32>,
          %mul3A_1248 = arith.mulf %get3A_1043, %div3A_1191 : vector<16xf32>
          %swap3A_1249 = arith.constant 0 : i32
          %swap3A_1250 = arith.index_cast %swap3A_1249 : i32 to index
          %swap3A_1251 = arith.index_cast %scan3A_349 : i32 to index
          %swap3A_1252 = arith.constant 624 : index
          %swap3A_1253 = tpu.vector_load %arg11[%swap3A_1250, %swap3A_1251, %swap3A_1252] {strides = array<i32>} : memref<2x40x768xf32, #tpu.memory_space<vmem>>, vector<1x1x16xf32>,
          %swap3A_1254 = vector.shape_cast %swap3A_1253 : vector<1x1x16xf32> to vector<16xf32>
          %swap3A_1255 = vector.shape_cast %mul3A_1248 : vector<16xf32> to vector<1x1x16xf32>
          tpu.vector_store %arg11[%swap3A_1250, %swap3A_1251, %swap3A_1252], %swap3A_1255 {strides = array<i32>} : memref<2x40x768xf32, #tpu.memory_space<vmem>>, vector<1x1x16xf32>,
          %mul3A_1256 = arith.mulf %get3A_1049, %div3A_1191 : vector<16xf32>
          %swap3A_1257 = arith.constant 0 : i32
          %swap3A_1258 = arith.index_cast %swap3A_1257 : i32 to index
          %swap3A_1259 = arith.index_cast %scan3A_349 : i32 to index
          %swap3A_1260 = arith.constant 640 : index
          %swap3A_1261 = tpu.vector_load %arg11[%swap3A_1258, %swap3A_1259, %swap3A_1260] {strides = array<i32>} : memref<2x40x768xf32, #tpu.memory_space<vmem>>, vector<1x1x16xf32>,
          %swap3A_1262 = vector.shape_cast %swap3A_1261 : vector<1x1x16xf32> to vector<16xf32>
          %swap3A_1263 = vector.shape_cast %mul3A_1256 : vector<16xf32> to vector<1x1x16xf32>
          tpu.vector_store %arg11[%swap3A_1258, %swap3A_1259, %swap3A_1260], %swap3A_1263 {strides = array<i32>} : memref<2x40x768xf32, #tpu.memory_space<vmem>>, vector<1x1x16xf32>,
          %mul3A_1264 = arith.mulf %get3A_1055, %div3A_1191 : vector<16xf32>
          %swap3A_1265 = arith.constant 0 : i32
          %swap3A_1266 = arith.index_cast %swap3A_1265 : i32 to index
          %swap3A_1267 = arith.index_cast %scan3A_349 : i32 to index
          %swap3A_1268 = arith.constant 656 : index
          %swap3A_1269 = tpu.vector_load %arg11[%swap3A_1266, %swap3A_1267, %swap3A_1268] {strides = array<i32>} : memref<2x40x768xf32, #tpu.memory_space<vmem>>, vector<1x1x16xf32>,
          %swap3A_1270 = vector.shape_cast %swap3A_1269 : vector<1x1x16xf32> to vector<16xf32>
          %swap3A_1271 = vector.shape_cast %mul3A_1264 : vector<16xf32> to vector<1x1x16xf32>
          tpu.vector_store %arg11[%swap3A_1266, %swap3A_1267, %swap3A_1268], %swap3A_1271 {strides = array<i32>} : memref<2x40x768xf32, #tpu.memory_space<vmem>>, vector<1x1x16xf32>,
          %mul3A_1272 = arith.mulf %get3A_1061, %div3A_1191 : vector<16xf32>
          %swap3A_1273 = arith.constant 0 : i32
          %swap3A_1274 = arith.index_cast %swap3A_1273 : i32 to index
          %swap3A_1275 = arith.index_cast %scan3A_349 : i32 to index
          %swap3A_1276 = arith.constant 672 : index
          %swap3A_1277 = tpu.vector_load %arg11[%swap3A_1274, %swap3A_1275, %swap3A_1276] {strides = array<i32>} : memref<2x40x768xf32, #tpu.memory_space<vmem>>, vector<1x1x16xf32>,
          %swap3A_1278 = vector.shape_cast %swap3A_1277 : vector<1x1x16xf32> to vector<16xf32>
          %swap3A_1279 = vector.shape_cast %mul3A_1272 : vector<16xf32> to vector<1x1x16xf32>
          tpu.vector_store %arg11[%swap3A_1274, %swap3A_1275, %swap3A_1276], %swap3A_1279 {strides = array<i32>} : memref<2x40x768xf32, #tpu.memory_space<vmem>>, vector<1x1x16xf32>,
          %mul3A_1280 = arith.mulf %get3A_1067, %div3A_1191 : vector<16xf32>
          %swap3A_1281 = arith.constant 0 : i32
          %swap3A_1282 = arith.index_cast %swap3A_1281 : i32 to index
          %swap3A_1283 = arith.index_cast %scan3A_349 : i32 to index
          %swap3A_1284 = arith.constant 688 : index
          %swap3A_1285 = tpu.vector_load %arg11[%swap3A_1282, %swap3A_1283, %swap3A_1284] {strides = array<i32>} : memref<2x40x768xf32, #tpu.memory_space<vmem>>, vector<1x1x16xf32>,
          %swap3A_1286 = vector.shape_cast %swap3A_1285 : vector<1x1x16xf32> to vector<16xf32>
          %swap3A_1287 = vector.shape_cast %mul3A_1280 : vector<16xf32> to vector<1x1x16xf32>
          tpu.vector_store %arg11[%swap3A_1282, %swap3A_1283, %swap3A_1284], %swap3A_1287 {strides = array<i32>} : memref<2x40x768xf32, #tpu.memory_space<vmem>>, vector<1x1x16xf32>,
          %mul3A_1288 = arith.mulf %get3A_1073, %div3A_1191 : vector<16xf32>
          %swap3A_1289 = arith.constant 0 : i32
          %swap3A_1290 = arith.index_cast %swap3A_1289 : i32 to index
          %swap3A_1291 = arith.index_cast %scan3A_349 : i32 to index
          %swap3A_1292 = arith.constant 704 : index
          %swap3A_1293 = tpu.vector_load %arg11[%swap3A_1290, %swap3A_1291, %swap3A_1292] {strides = array<i32>} : memref<2x40x768xf32, #tpu.memory_space<vmem>>, vector<1x1x16xf32>,
          %swap3A_1294 = vector.shape_cast %swap3A_1293 : vector<1x1x16xf32> to vector<16xf32>
          %swap3A_1295 = vector.shape_cast %mul3A_1288 : vector<16xf32> to vector<1x1x16xf32>
          tpu.vector_store %arg11[%swap3A_1290, %swap3A_1291, %swap3A_1292], %swap3A_1295 {strides = array<i32>} : memref<2x40x768xf32, #tpu.memory_space<vmem>>, vector<1x1x16xf32>,
          %mul3A_1296 = arith.mulf %get3A_1079, %div3A_1191 : vector<16xf32>
          %swap3A_1297 = arith.constant 0 : i32
          %swap3A_1298 = arith.index_cast %swap3A_1297 : i32 to index
          %swap3A_1299 = arith.index_cast %scan3A_349 : i32 to index
          %swap3A_1300 = arith.constant 720 : index
          %swap3A_1301 = tpu.vector_load %arg11[%swap3A_1298, %swap3A_1299, %swap3A_1300] {strides = array<i32>} : memref<2x40x768xf32, #tpu.memory_space<vmem>>, vector<1x1x16xf32>,
          %swap3A_1302 = vector.shape_cast %swap3A_1301 : vector<1x1x16xf32> to vector<16xf32>
          %swap3A_1303 = vector.shape_cast %mul3A_1296 : vector<16xf32> to vector<1x1x16xf32>
          tpu.vector_store %arg11[%swap3A_1298, %swap3A_1299, %swap3A_1300], %swap3A_1303 {strides = array<i32>} : memref<2x40x768xf32, #tpu.memory_space<vmem>>, vector<1x1x16xf32>,
          %mul3A_1304 = arith.mulf %get3A_1085, %div3A_1191 : vector<16xf32>
          %swap3A_1305 = arith.constant 0 : i32
          %swap3A_1306 = arith.index_cast %swap3A_1305 : i32 to index
          %swap3A_1307 = arith.index_cast %scan3A_349 : i32 to index
          %swap3A_1308 = arith.constant 736 : index
          %swap3A_1309 = tpu.vector_load %arg11[%swap3A_1306, %swap3A_1307, %swap3A_1308] {strides = array<i32>} : memref<2x40x768xf32, #tpu.memory_space<vmem>>, vector<1x1x16xf32>,
          %swap3A_1310 = vector.shape_cast %swap3A_1309 : vector<1x1x16xf32> to vector<16xf32>
          %swap3A_1311 = vector.shape_cast %mul3A_1304 : vector<16xf32> to vector<1x1x16xf32>
          tpu.vector_store %arg11[%swap3A_1306, %swap3A_1307, %swap3A_1308], %swap3A_1311 {strides = array<i32>} : memref<2x40x768xf32, #tpu.memory_space<vmem>>, vector<1x1x16xf32>,
          %mul3A_1312 = arith.mulf %get3A_1091, %div3A_1191 : vector<16xf32>
          %swap3A_1313 = arith.constant 0 : i32
          %swap3A_1314 = arith.index_cast %swap3A_1313 : i32 to index
          %swap3A_1315 = arith.index_cast %scan3A_349 : i32 to index
          %swap3A_1316 = arith.constant 752 : index
          %swap3A_1317 = tpu.vector_load %arg11[%swap3A_1314, %swap3A_1315, %swap3A_1316] {strides = array<i32>} : memref<2x40x768xf32, #tpu.memory_space<vmem>>, vector<1x1x16xf32>,
          %swap3A_1318 = vector.shape_cast %swap3A_1317 : vector<1x1x16xf32> to vector<16xf32>
          %swap3A_1319 = vector.shape_cast %mul3A_1312 : vector<16xf32> to vector<1x1x16xf32>
          tpu.vector_store %arg11[%swap3A_1314, %swap3A_1315, %swap3A_1316], %swap3A_1319 {strides = array<i32>} : memref<2x40x768xf32, #tpu.memory_space<vmem>>, vector<1x1x16xf32>,
          %scan3A_1320 = arith.constant 0 : i32
          scf.yield %scan3A_1320 : i32
        }
        %scan3A_330 = arith.constant 40 : i32
        %mul3A_331 = arith.constant 32 : i32
        %mul3A_332 = arith.muli %add3A_279, %mul3A_331 : i32
        %add3A_333 = arith.addi %add3A, %mul3A_332 : i32
        %mul3A_334 = arith.constant 40 : i32
        %mul3A_335 = arith.muli %add3A_333, %mul3A_334 : i32
        %dma_start3A_336 = arith.constant 0 : i32
        %dma_start3A_337 = arith.constant 0 : i32
        %dma_start3A_338 = arith.constant 0 : i32
        %dma_start3A_339 = tpu.memref_slice %arg11[%dma_start3A_336, %dma_start3A_337, %dma_start3A_338] : memref<2x40x768xf32, #tpu.memory_space<vmem>> -> memref<1x40x768xf32, #tpu.memory_space<vmem>>
        %dma_start3A_340 = tpu.memref_squeeze %dma_start3A_339 : memref<1x40x768xf32, #tpu.memory_space<vmem>> -> memref<40x768xf32, #tpu.memory_space<vmem>>
        %dma_start3A_341 = arith.constant 0 : i32
        %dma_start3A_342 = tpu.memref_slice %arg6[%mul3A_335, %dma_start3A_341] : memref<100000x768xf32, #tpu.memory_space<hbm>> -> memref<40x768xf32, #tpu.memory_space<hbm>>
        %dma_start3A_343 = arith.constant 0 : i32
        %dma_start3A_344 = tpu.memref_slice %arg6[%mul3A_335, %dma_start3A_343] : memref<100000x768xf32, #tpu.memory_space<hbm>> -> memref<40x768xf32, #tpu.memory_space<hbm>>
        %dma_start3A_345 = arith.constant 0 : i32
        %dma_start3A_346 = arith.constant 0 : i32
        %dma_start3A_347 = tpu.memref_slice %arg11[%dma_start3A_336, %dma_start3A_345, %dma_start3A_346] : memref<2x40x768xf32, #tpu.memory_space<vmem>> -> memref<1x40x768xf32, #tpu.memory_space<vmem>>
        %dma_start3A_348 = tpu.memref_squeeze %dma_start3A_347 : memref<1x40x768xf32, #tpu.memory_space<vmem>> -> memref<40x768xf32, #tpu.memory_space<vmem>>
        tpu.enqueue_dma source(%dma_start3A_348 : memref<40x768xf32, #tpu.memory_space<vmem>>) target(%dma_start3A_344 : memref<40x768xf32, #tpu.memory_space<hbm>>) target_semaphore(%arg14 : memref<!tpu.dma_semaphore, #tpu.memory_space<semaphore_mem>>)
      } else {
      }
      %mul3A_298 = arith.constant 2 : i32
      %mul3A_299 = arith.muli %mul3A_298, %scan3A_274 : i32
      %add3A_300 = arith.constant 1 : i32
      %add3A_301 = arith.addi %mul3A_299, %add3A_300 : i32
      %lt3A_302 = arith.cmpi slt, %add3A_301, %select_n3A : i32
      %convert_element_type3A_303 = arith.extui %lt3A_302 : i1 to i32
      %cond3A_304 = arith.constant 0 : i32
      %cond3A_305 = arith.cmpi ne, %convert_element_type3A_303, %cond3A_304 : i32
      scf.if %cond3A_305 {
        %mul3A_324 = arith.constant 32 : i32
        %mul3A_325 = arith.muli %add3A_301, %mul3A_324 : i32
        %add3A_326 = arith.addi %add3A, %mul3A_325 : i32
        %mul3A_327 = arith.constant 40 : i32
        %mul3A_328 = arith.muli %add3A_326, %mul3A_327 : i32
        %dma_wait3A_329 = arith.constant 1 : i32
        %dma_wait3A_330 = arith.constant 0 : i32
        %dma_wait3A_331 = arith.constant 0 : i32
        %dma_wait3A_332 = tpu.memref_slice %arg8[%dma_wait3A_329, %dma_wait3A_330, %dma_wait3A_331] : memref<2x40x256xf32, #tpu.memory_space<vmem>> -> memref<1x40x256xf32, #tpu.memory_space<vmem>>
        %dma_wait3A_333 = tpu.memref_squeeze %dma_wait3A_332 : memref<1x40x256xf32, #tpu.memory_space<vmem>> -> memref<40x256xf32, #tpu.memory_space<vmem>>
        %dma_wait3A_334 = arith.constant 0 : i32
        %dma_wait3A_335 = tpu.memref_slice %arg3[%mul3A_328, %dma_wait3A_334] : memref<100000x256xf32, #tpu.memory_space<hbm>> -> memref<40x256xf32, #tpu.memory_space<hbm>>
        %dma_wait3A_336 = arith.constant 0 : i32
        %dma_wait3A_337 = arith.constant 0 : i32
        %dma_wait3A_338 = tpu.memref_slice %arg8[%dma_wait3A_329, %dma_wait3A_336, %dma_wait3A_337] : memref<2x40x256xf32, #tpu.memory_space<vmem>> -> memref<1x40x256xf32, #tpu.memory_space<vmem>>
        %dma_wait3A_339 = tpu.memref_squeeze %dma_wait3A_338 : memref<1x40x256xf32, #tpu.memory_space<vmem>> -> memref<40x256xf32, #tpu.memory_space<vmem>>
        %dma_wait3A_340 = arith.constant 0 : i32
        %dma_wait3A_341 = tpu.memref_slice %arg3[%mul3A_328, %dma_wait3A_340] : memref<100000x256xf32, #tpu.memory_space<hbm>> -> memref<40x256xf32, #tpu.memory_space<hbm>>
        tpu.wait_dma2 semaphore(%arg13 : memref<!tpu.dma_semaphore, #tpu.memory_space<semaphore_mem>>) src(%dma_wait3A_341 : memref<40x256xf32, #tpu.memory_space<hbm>>) dst(%dma_wait3A_339 : memref<40x256xf32, #tpu.memory_space<vmem>>)
        %dma_wait3A_342 = arith.constant 1 : i32
        %dma_wait3A_343 = arith.constant 0 : i32
        %dma_wait3A_344 = arith.constant 0 : i32
        %dma_wait3A_345 = tpu.memref_slice %arg9[%dma_wait3A_342, %dma_wait3A_343, %dma_wait3A_344] : memref<2x40x256xf32, #tpu.memory_space<vmem>> -> memref<1x40x256xf32, #tpu.memory_space<vmem>>
        %dma_wait3A_346 = tpu.memref_squeeze %dma_wait3A_345 : memref<1x40x256xf32, #tpu.memory_space<vmem>> -> memref<40x256xf32, #tpu.memory_space<vmem>>
        %dma_wait3A_347 = arith.constant 0 : i32
        %dma_wait3A_348 = tpu.memref_slice %arg4[%mul3A_328, %dma_wait3A_347] : memref<100000x256xf32, #tpu.memory_space<hbm>> -> memref<40x256xf32, #tpu.memory_space<hbm>>
        %dma_wait3A_349 = arith.constant 0 : i32
        %dma_wait3A_350 = arith.constant 0 : i32
        %dma_wait3A_351 = tpu.memref_slice %arg9[%dma_wait3A_342, %dma_wait3A_349, %dma_wait3A_350] : memref<2x40x256xf32, #tpu.memory_space<vmem>> -> memref<1x40x256xf32, #tpu.memory_space<vmem>>
        %dma_wait3A_352 = tpu.memref_squeeze %dma_wait3A_351 : memref<1x40x256xf32, #tpu.memory_space<vmem>> -> memref<40x256xf32, #tpu.memory_space<vmem>>
        %dma_wait3A_353 = arith.constant 0 : i32
        %dma_wait3A_354 = tpu.memref_slice %arg4[%mul3A_328, %dma_wait3A_353] : memref<100000x256xf32, #tpu.memory_space<hbm>> -> memref<40x256xf32, #tpu.memory_space<hbm>>
        tpu.wait_dma2 semaphore(%arg13 : memref<!tpu.dma_semaphore, #tpu.memory_space<semaphore_mem>>) src(%dma_wait3A_354 : memref<40x256xf32, #tpu.memory_space<hbm>>) dst(%dma_wait3A_352 : memref<40x256xf32, #tpu.memory_space<vmem>>)
        %dma_wait3A_355 = arith.constant 1 : i32
        %dma_wait3A_356 = arith.constant 0 : i32
        %dma_wait3A_357 = arith.constant 0 : i32
        %dma_wait3A_358 = tpu.memref_slice %arg10[%dma_wait3A_355, %dma_wait3A_356, %dma_wait3A_357] : memref<2x40x256xf32, #tpu.memory_space<vmem>> -> memref<1x40x256xf32, #tpu.memory_space<vmem>>
        %dma_wait3A_359 = tpu.memref_squeeze %dma_wait3A_358 : memref<1x40x256xf32, #tpu.memory_space<vmem>> -> memref<40x256xf32, #tpu.memory_space<vmem>>
        %dma_wait3A_360 = arith.constant 0 : i32
        %dma_wait3A_361 = tpu.memref_slice %arg5[%mul3A_328, %dma_wait3A_360] : memref<100000x256xf32, #tpu.memory_space<hbm>> -> memref<40x256xf32, #tpu.memory_space<hbm>>
        %dma_wait3A_362 = arith.constant 0 : i32
        %dma_wait3A_363 = arith.constant 0 : i32
        %dma_wait3A_364 = tpu.memref_slice %arg10[%dma_wait3A_355, %dma_wait3A_362, %dma_wait3A_363] : memref<2x40x256xf32, #tpu.memory_space<vmem>> -> memref<1x40x256xf32, #tpu.memory_space<vmem>>
        %dma_wait3A_365 = tpu.memref_squeeze %dma_wait3A_364 : memref<1x40x256xf32, #tpu.memory_space<vmem>> -> memref<40x256xf32, #tpu.memory_space<vmem>>
        %dma_wait3A_366 = arith.constant 0 : i32
        %dma_wait3A_367 = tpu.memref_slice %arg5[%mul3A_328, %dma_wait3A_366] : memref<100000x256xf32, #tpu.memory_space<hbm>> -> memref<40x256xf32, #tpu.memory_space<hbm>>
        tpu.wait_dma2 semaphore(%arg13 : memref<!tpu.dma_semaphore, #tpu.memory_space<semaphore_mem>>) src(%dma_wait3A_367 : memref<40x256xf32, #tpu.memory_space<hbm>>) dst(%dma_wait3A_365 : memref<40x256xf32, #tpu.memory_space<vmem>>)
      } else {
      }
      %add3A_306 = arith.constant 1 : i32
      %add3A_307 = arith.addi %add3A_301, %add3A_306 : i32
      %lt3A_308 = arith.cmpi slt, %add3A_307, %select_n3A : i32
      %convert_element_type3A_309 = arith.extui %lt3A_308 : i1 to i32
      %cond3A_310 = arith.constant 0 : i32
      %cond3A_311 = arith.cmpi ne, %convert_element_type3A_309, %cond3A_310 : i32
      scf.if %cond3A_311 {
        %add3A_324 = arith.constant 1 : i32
        %add3A_325 = arith.addi %add3A_301, %add3A_324 : i32
        %mul3A_326 = arith.constant 32 : i32
        %mul3A_327 = arith.muli %add3A_325, %mul3A_326 : i32
        %add3A_328 = arith.addi %add3A, %mul3A_327 : i32
        %mul3A_329 = arith.constant 40 : i32
        %mul3A_330 = arith.muli %add3A_328, %mul3A_329 : i32
        %dma_start3A_331 = arith.constant 0 : i32
        %dma_start3A_332 = arith.constant 0 : i32
        %dma_start3A_333 = arith.constant 0 : i32
        %dma_start3A_334 = tpu.memref_slice %arg8[%dma_start3A_331, %dma_start3A_332, %dma_start3A_333] : memref<2x40x256xf32, #tpu.memory_space<vmem>> -> memref<1x40x256xf32, #tpu.memory_space<vmem>>
        %dma_start3A_335 = tpu.memref_squeeze %dma_start3A_334 : memref<1x40x256xf32, #tpu.memory_space<vmem>> -> memref<40x256xf32, #tpu.memory_space<vmem>>
        %dma_start3A_336 = arith.constant 0 : i32
        %dma_start3A_337 = tpu.memref_slice %arg3[%mul3A_330, %dma_start3A_336] : memref<100000x256xf32, #tpu.memory_space<hbm>> -> memref<40x256xf32, #tpu.memory_space<hbm>>
        %dma_start3A_338 = arith.constant 0 : i32
        %dma_start3A_339 = arith.constant 0 : i32
        %dma_start3A_340 = tpu.memref_slice %arg8[%dma_start3A_331, %dma_start3A_338, %dma_start3A_339] : memref<2x40x256xf32, #tpu.memory_space<vmem>> -> memref<1x40x256xf32, #tpu.memory_space<vmem>>
        %dma_start3A_341 = tpu.memref_squeeze %dma_start3A_340 : memref<1x40x256xf32, #tpu.memory_space<vmem>> -> memref<40x256xf32, #tpu.memory_space<vmem>>
        %dma_start3A_342 = arith.constant 0 : i32
        %dma_start3A_343 = tpu.memref_slice %arg3[%mul3A_330, %dma_start3A_342] : memref<100000x256xf32, #tpu.memory_space<hbm>> -> memref<40x256xf32, #tpu.memory_space<hbm>>
        tpu.enqueue_dma source(%dma_start3A_343 : memref<40x256xf32, #tpu.memory_space<hbm>>) target(%dma_start3A_341 : memref<40x256xf32, #tpu.memory_space<vmem>>) target_semaphore(%arg12 : memref<!tpu.dma_semaphore, #tpu.memory_space<semaphore_mem>>)
        %dma_start3A_344 = arith.constant 0 : i32
        %dma_start3A_345 = arith.constant 0 : i32
        %dma_start3A_346 = arith.constant 0 : i32
        %dma_start3A_347 = tpu.memref_slice %arg9[%dma_start3A_344, %dma_start3A_345, %dma_start3A_346] : memref<2x40x256xf32, #tpu.memory_space<vmem>> -> memref<1x40x256xf32, #tpu.memory_space<vmem>>
        %dma_start3A_348 = tpu.memref_squeeze %dma_start3A_347 : memref<1x40x256xf32, #tpu.memory_space<vmem>> -> memref<40x256xf32, #tpu.memory_space<vmem>>
        %dma_start3A_349 = arith.constant 0 : i32
        %dma_start3A_350 = tpu.memref_slice %arg4[%mul3A_330, %dma_start3A_349] : memref<100000x256xf32, #tpu.memory_space<hbm>> -> memref<40x256xf32, #tpu.memory_space<hbm>>
        %dma_start3A_351 = arith.constant 0 : i32
        %dma_start3A_352 = arith.constant 0 : i32
        %dma_start3A_353 = tpu.memref_slice %arg9[%dma_start3A_344, %dma_start3A_351, %dma_start3A_352] : memref<2x40x256xf32, #tpu.memory_space<vmem>> -> memref<1x40x256xf32, #tpu.memory_space<vmem>>
        %dma_start3A_354 = tpu.memref_squeeze %dma_start3A_353 : memref<1x40x256xf32, #tpu.memory_space<vmem>> -> memref<40x256xf32, #tpu.memory_space<vmem>>
        %dma_start3A_355 = arith.constant 0 : i32
        %dma_start3A_356 = tpu.memref_slice %arg4[%mul3A_330, %dma_start3A_355] : memref<100000x256xf32, #tpu.memory_space<hbm>> -> memref<40x256xf32, #tpu.memory_space<hbm>>
        tpu.enqueue_dma source(%dma_start3A_356 : memref<40x256xf32, #tpu.memory_space<hbm>>) target(%dma_start3A_354 : memref<40x256xf32, #tpu.memory_space<vmem>>) target_semaphore(%arg12 : memref<!tpu.dma_semaphore, #tpu.memory_space<semaphore_mem>>)
        %dma_start3A_357 = arith.constant 0 : i32
        %dma_start3A_358 = arith.constant 0 : i32
        %dma_start3A_359 = arith.constant 0 : i32
        %dma_start3A_360 = tpu.memref_slice %arg10[%dma_start3A_357, %dma_start3A_358, %dma_start3A_359] : memref<2x40x256xf32, #tpu.memory_space<vmem>> -> memref<1x40x256xf32, #tpu.memory_space<vmem>>
        %dma_start3A_361 = tpu.memref_squeeze %dma_start3A_360 : memref<1x40x256xf32, #tpu.memory_space<vmem>> -> memref<40x256xf32, #tpu.memory_space<vmem>>
        %dma_start3A_362 = arith.constant 0 : i32
        %dma_start3A_363 = tpu.memref_slice %arg5[%mul3A_330, %dma_start3A_362] : memref<100000x256xf32, #tpu.memory_space<hbm>> -> memref<40x256xf32, #tpu.memory_space<hbm>>
        %dma_start3A_364 = arith.constant 0 : i32
        %dma_start3A_365 = arith.constant 0 : i32
        %dma_start3A_366 = tpu.memref_slice %arg10[%dma_start3A_357, %dma_start3A_364, %dma_start3A_365] : memref<2x40x256xf32, #tpu.memory_space<vmem>> -> memref<1x40x256xf32, #tpu.memory_space<vmem>>
        %dma_start3A_367 = tpu.memref_squeeze %dma_start3A_366 : memref<1x40x256xf32, #tpu.memory_space<vmem>> -> memref<40x256xf32, #tpu.memory_space<vmem>>
        %dma_start3A_368 = arith.constant 0 : i32
        %dma_start3A_369 = tpu.memref_slice %arg5[%mul3A_330, %dma_start3A_368] : memref<100000x256xf32, #tpu.memory_space<hbm>> -> memref<40x256xf32, #tpu.memory_space<hbm>>
        tpu.enqueue_dma source(%dma_start3A_369 : memref<40x256xf32, #tpu.memory_space<hbm>>) target(%dma_start3A_367 : memref<40x256xf32, #tpu.memory_space<vmem>>) target_semaphore(%arg12 : memref<!tpu.dma_semaphore, #tpu.memory_space<semaphore_mem>>)
      } else {
      }
      %ge3A_312 = arith.constant 2 : i32
      %ge3A_313 = arith.cmpi sge, %add3A_301, %ge3A_312 : i32
      %lt3A_314 = arith.cmpi slt, %add3A_301, %select_n3A : i32
      %and3A_315 = arith.andi %ge3A_313, %lt3A_314 : i1
      %convert_element_type3A_316 = arith.extui %and3A_315 : i1 to i32
      %cond3A_317 = arith.constant 0 : i32
      %cond3A_318 = arith.cmpi ne, %convert_element_type3A_316, %cond3A_317 : i32
      scf.if %cond3A_318 {
        %sub3A_324 = arith.constant 2 : i32
        %sub3A_325 = arith.subi %add3A_301, %sub3A_324 : i32
        %mul3A_326 = arith.constant 32 : i32
        %mul3A_327 = arith.muli %sub3A_325, %mul3A_326 : i32
        %add3A_328 = arith.addi %add3A, %mul3A_327 : i32
        %mul3A_329 = arith.constant 40 : i32
        %mul3A_330 = arith.muli %add3A_328, %mul3A_329 : i32
        %dma_wait3A_331 = arith.constant 1 : i32
        %dma_wait3A_332 = arith.constant 0 : i32
        %dma_wait3A_333 = arith.constant 0 : i32
        %dma_wait3A_334 = tpu.memref_slice %arg11[%dma_wait3A_331, %dma_wait3A_332, %dma_wait3A_333] : memref<2x40x768xf32, #tpu.memory_space<vmem>> -> memref<1x40x768xf32, #tpu.memory_space<vmem>>
        %dma_wait3A_335 = tpu.memref_squeeze %dma_wait3A_334 : memref<1x40x768xf32, #tpu.memory_space<vmem>> -> memref<40x768xf32, #tpu.memory_space<vmem>>
        %dma_wait3A_336 = arith.constant 0 : i32
        %dma_wait3A_337 = tpu.memref_slice %arg6[%mul3A_330, %dma_wait3A_336] : memref<100000x768xf32, #tpu.memory_space<hbm>> -> memref<40x768xf32, #tpu.memory_space<hbm>>
        %dma_wait3A_338 = arith.constant 0 : i32
        %dma_wait3A_339 = tpu.memref_slice %arg6[%mul3A_330, %dma_wait3A_338] : memref<100000x768xf32, #tpu.memory_space<hbm>> -> memref<40x768xf32, #tpu.memory_space<hbm>>
        %dma_wait3A_340 = arith.constant 0 : i32
        %dma_wait3A_341 = arith.constant 0 : i32
        %dma_wait3A_342 = tpu.memref_slice %arg11[%dma_wait3A_331, %dma_wait3A_340, %dma_wait3A_341] : memref<2x40x768xf32, #tpu.memory_space<vmem>> -> memref<1x40x768xf32, #tpu.memory_space<vmem>>
        %dma_wait3A_343 = tpu.memref_squeeze %dma_wait3A_342 : memref<1x40x768xf32, #tpu.memory_space<vmem>> -> memref<40x768xf32, #tpu.memory_space<vmem>>
        tpu.wait_dma2 semaphore(%arg15 : memref<!tpu.dma_semaphore, #tpu.memory_space<semaphore_mem>>) src(%dma_wait3A_343 : memref<40x768xf32, #tpu.memory_space<vmem>>) dst(%dma_wait3A_339 : memref<40x768xf32, #tpu.memory_space<hbm>>)
      } else {
      }
      %lt3A_319 = arith.cmpi slt, %add3A_301, %select_n3A : i32
      %convert_element_type3A_320 = arith.extui %lt3A_319 : i1 to i32
      %cond3A_321 = arith.constant 0 : i32
      %cond3A_322 = arith.cmpi ne, %convert_element_type3A_320, %cond3A_321 : i32
      scf.if %cond3A_322 {
        %scan3A_324 = arith.constant 0 : i32
        %scan3A_325 = arith.constant 0 : i32
        %scan3A_326 = arith.constant 40 : i32
        %scan3A_327 = arith.addi %scan3A_325, %scan3A_326 : i32
        %scan3A_328 = arith.constant 1 : i32
        %scan3A_329 = scf.for %scan3A_349 = %scan3A_325 to %scan3A_327 step %scan3A_328 iter_args(%scan3A_350 = %scan3A_324) -> (i32)  : i32 {
          %get3A_351 = arith.constant 1 : i32
          %get3A_352 = arith.index_cast %get3A_351 : i32 to index
          %get3A_353 = arith.index_cast %scan3A_349 : i32 to index
          %get3A_354 = arith.constant 0 : index
          %get3A_355 = tpu.vector_load %arg8[%get3A_352, %get3A_353, %get3A_354] {strides = array<i32>} : memref<2x40x256xf32, #tpu.memory_space<vmem>>, vector<1x1x16xf32>,
          %get3A_356 = vector.shape_cast %get3A_355 : vector<1x1x16xf32> to vector<16xf32>
          %get3A_357 = arith.constant 1 : i32
          %get3A_358 = arith.index_cast %get3A_357 : i32 to index
          %get3A_359 = arith.index_cast %scan3A_349 : i32 to index
          %get3A_360 = arith.constant 16 : index
          %get3A_361 = tpu.vector_load %arg8[%get3A_358, %get3A_359, %get3A_360] {strides = array<i32>} : memref<2x40x256xf32, #tpu.memory_space<vmem>>, vector<1x1x16xf32>,
          %get3A_362 = vector.shape_cast %get3A_361 : vector<1x1x16xf32> to vector<16xf32>
          %get3A_363 = arith.constant 1 : i32
          %get3A_364 = arith.index_cast %get3A_363 : i32 to index
          %get3A_365 = arith.index_cast %scan3A_349 : i32 to index
          %get3A_366 = arith.constant 32 : index
          %get3A_367 = tpu.vector_load %arg8[%get3A_364, %get3A_365, %get3A_366] {strides = array<i32>} : memref<2x40x256xf32, #tpu.memory_space<vmem>>, vector<1x1x16xf32>,
          %get3A_368 = vector.shape_cast %get3A_367 : vector<1x1x16xf32> to vector<16xf32>
          %get3A_369 = arith.constant 1 : i32
          %get3A_370 = arith.index_cast %get3A_369 : i32 to index
          %get3A_371 = arith.index_cast %scan3A_349 : i32 to index
          %get3A_372 = arith.constant 48 : index
          %get3A_373 = tpu.vector_load %arg8[%get3A_370, %get3A_371, %get3A_372] {strides = array<i32>} : memref<2x40x256xf32, #tpu.memory_space<vmem>>, vector<1x1x16xf32>,
          %get3A_374 = vector.shape_cast %get3A_373 : vector<1x1x16xf32> to vector<16xf32>
          %get3A_375 = arith.constant 1 : i32
          %get3A_376 = arith.index_cast %get3A_375 : i32 to index
          %get3A_377 = arith.index_cast %scan3A_349 : i32 to index
          %get3A_378 = arith.constant 64 : index
          %get3A_379 = tpu.vector_load %arg8[%get3A_376, %get3A_377, %get3A_378] {strides = array<i32>} : memref<2x40x256xf32, #tpu.memory_space<vmem>>, vector<1x1x16xf32>,
          %get3A_380 = vector.shape_cast %get3A_379 : vector<1x1x16xf32> to vector<16xf32>
          %get3A_381 = arith.constant 1 : i32
          %get3A_382 = arith.index_cast %get3A_381 : i32 to index
          %get3A_383 = arith.index_cast %scan3A_349 : i32 to index
          %get3A_384 = arith.constant 80 : index
          %get3A_385 = tpu.vector_load %arg8[%get3A_382, %get3A_383, %get3A_384] {strides = array<i32>} : memref<2x40x256xf32, #tpu.memory_space<vmem>>, vector<1x1x16xf32>,
          %get3A_386 = vector.shape_cast %get3A_385 : vector<1x1x16xf32> to vector<16xf32>
          %get3A_387 = arith.constant 1 : i32
          %get3A_388 = arith.index_cast %get3A_387 : i32 to index
          %get3A_389 = arith.index_cast %scan3A_349 : i32 to index
          %get3A_390 = arith.constant 96 : index
          %get3A_391 = tpu.vector_load %arg8[%get3A_388, %get3A_389, %get3A_390] {strides = array<i32>} : memref<2x40x256xf32, #tpu.memory_space<vmem>>, vector<1x1x16xf32>,
          %get3A_392 = vector.shape_cast %get3A_391 : vector<1x1x16xf32> to vector<16xf32>
          %get3A_393 = arith.constant 1 : i32
          %get3A_394 = arith.index_cast %get3A_393 : i32 to index
          %get3A_395 = arith.index_cast %scan3A_349 : i32 to index
          %get3A_396 = arith.constant 112 : index
          %get3A_397 = tpu.vector_load %arg8[%get3A_394, %get3A_395, %get3A_396] {strides = array<i32>} : memref<2x40x256xf32, #tpu.memory_space<vmem>>, vector<1x1x16xf32>,
          %get3A_398 = vector.shape_cast %get3A_397 : vector<1x1x16xf32> to vector<16xf32>
          %get3A_399 = arith.constant 1 : i32
          %get3A_400 = arith.index_cast %get3A_399 : i32 to index
          %get3A_401 = arith.index_cast %scan3A_349 : i32 to index
          %get3A_402 = arith.constant 128 : index
          %get3A_403 = tpu.vector_load %arg8[%get3A_400, %get3A_401, %get3A_402] {strides = array<i32>} : memref<2x40x256xf32, #tpu.memory_space<vmem>>, vector<1x1x16xf32>,
          %get3A_404 = vector.shape_cast %get3A_403 : vector<1x1x16xf32> to vector<16xf32>
          %get3A_405 = arith.constant 1 : i32
          %get3A_406 = arith.index_cast %get3A_405 : i32 to index
          %get3A_407 = arith.index_cast %scan3A_349 : i32 to index
          %get3A_408 = arith.constant 144 : index
          %get3A_409 = tpu.vector_load %arg8[%get3A_406, %get3A_407, %get3A_408] {strides = array<i32>} : memref<2x40x256xf32, #tpu.memory_space<vmem>>, vector<1x1x16xf32>,
          %get3A_410 = vector.shape_cast %get3A_409 : vector<1x1x16xf32> to vector<16xf32>
          %get3A_411 = arith.constant 1 : i32
          %get3A_412 = arith.index_cast %get3A_411 : i32 to index
          %get3A_413 = arith.index_cast %scan3A_349 : i32 to index
          %get3A_414 = arith.constant 160 : index
          %get3A_415 = tpu.vector_load %arg8[%get3A_412, %get3A_413, %get3A_414] {strides = array<i32>} : memref<2x40x256xf32, #tpu.memory_space<vmem>>, vector<1x1x16xf32>,
          %get3A_416 = vector.shape_cast %get3A_415 : vector<1x1x16xf32> to vector<16xf32>
          %get3A_417 = arith.constant 1 : i32
          %get3A_418 = arith.index_cast %get3A_417 : i32 to index
          %get3A_419 = arith.index_cast %scan3A_349 : i32 to index
          %get3A_420 = arith.constant 176 : index
          %get3A_421 = tpu.vector_load %arg8[%get3A_418, %get3A_419, %get3A_420] {strides = array<i32>} : memref<2x40x256xf32, #tpu.memory_space<vmem>>, vector<1x1x16xf32>,
          %get3A_422 = vector.shape_cast %get3A_421 : vector<1x1x16xf32> to vector<16xf32>
          %get3A_423 = arith.constant 1 : i32
          %get3A_424 = arith.index_cast %get3A_423 : i32 to index
          %get3A_425 = arith.index_cast %scan3A_349 : i32 to index
          %get3A_426 = arith.constant 192 : index
          %get3A_427 = tpu.vector_load %arg8[%get3A_424, %get3A_425, %get3A_426] {strides = array<i32>} : memref<2x40x256xf32, #tpu.memory_space<vmem>>, vector<1x1x16xf32>,
          %get3A_428 = vector.shape_cast %get3A_427 : vector<1x1x16xf32> to vector<16xf32>
          %get3A_429 = arith.constant 1 : i32
          %get3A_430 = arith.index_cast %get3A_429 : i32 to index
          %get3A_431 = arith.index_cast %scan3A_349 : i32 to index
          %get3A_432 = arith.constant 208 : index
          %get3A_433 = tpu.vector_load %arg8[%get3A_430, %get3A_431, %get3A_432] {strides = array<i32>} : memref<2x40x256xf32, #tpu.memory_space<vmem>>, vector<1x1x16xf32>,
          %get3A_434 = vector.shape_cast %get3A_433 : vector<1x1x16xf32> to vector<16xf32>
          %get3A_435 = arith.constant 1 : i32
          %get3A_436 = arith.index_cast %get3A_435 : i32 to index
          %get3A_437 = arith.index_cast %scan3A_349 : i32 to index
          %get3A_438 = arith.constant 224 : index
          %get3A_439 = tpu.vector_load %arg8[%get3A_436, %get3A_437, %get3A_438] {strides = array<i32>} : memref<2x40x256xf32, #tpu.memory_space<vmem>>, vector<1x1x16xf32>,
          %get3A_440 = vector.shape_cast %get3A_439 : vector<1x1x16xf32> to vector<16xf32>
          %get3A_441 = arith.constant 1 : i32
          %get3A_442 = arith.index_cast %get3A_441 : i32 to index
          %get3A_443 = arith.index_cast %scan3A_349 : i32 to index
          %get3A_444 = arith.constant 240 : index
          %get3A_445 = tpu.vector_load %arg8[%get3A_442, %get3A_443, %get3A_444] {strides = array<i32>} : memref<2x40x256xf32, #tpu.memory_space<vmem>>, vector<1x1x16xf32>,
          %get3A_446 = vector.shape_cast %get3A_445 : vector<1x1x16xf32> to vector<16xf32>
          %mul3A_447 = arith.mulf %get3A_356, %get3A_356 : vector<16xf32>
          %mul3A_448 = arith.mulf %get3A_362, %get3A_362 : vector<16xf32>
          %add3A_449 = arith.addf %mul3A_447, %mul3A_448 : vector<16xf32>
          %mul3A_450 = arith.mulf %get3A_368, %get3A_368 : vector<16xf32>
          %add3A_451 = arith.addf %add3A_449, %mul3A_450 : vector<16xf32>
          %mul3A_452 = arith.mulf %get3A_374, %get3A_374 : vector<16xf32>
          %add3A_453 = arith.addf %add3A_451, %mul3A_452 : vector<16xf32>
          %mul3A_454 = arith.mulf %get3A_380, %get3A_380 : vector<16xf32>
          %add3A_455 = arith.addf %add3A_453, %mul3A_454 : vector<16xf32>
          %mul3A_456 = arith.mulf %get3A_386, %get3A_386 : vector<16xf32>
          %add3A_457 = arith.addf %add3A_455, %mul3A_456 : vector<16xf32>
          %mul3A_458 = arith.mulf %get3A_392, %get3A_392 : vector<16xf32>
          %add3A_459 = arith.addf %add3A_457, %mul3A_458 : vector<16xf32>
          %mul3A_460 = arith.mulf %get3A_398, %get3A_398 : vector<16xf32>
          %add3A_461 = arith.addf %add3A_459, %mul3A_460 : vector<16xf32>
          %mul3A_462 = arith.mulf %get3A_404, %get3A_404 : vector<16xf32>
          %add3A_463 = arith.addf %add3A_461, %mul3A_462 : vector<16xf32>
          %mul3A_464 = arith.mulf %get3A_410, %get3A_410 : vector<16xf32>
          %add3A_465 = arith.addf %add3A_463, %mul3A_464 : vector<16xf32>
          %mul3A_466 = arith.mulf %get3A_416, %get3A_416 : vector<16xf32>
          %add3A_467 = arith.addf %add3A_465, %mul3A_466 : vector<16xf32>
          %mul3A_468 = arith.mulf %get3A_422, %get3A_422 : vector<16xf32>
          %add3A_469 = arith.addf %add3A_467, %mul3A_468 : vector<16xf32>
          %mul3A_470 = arith.mulf %get3A_428, %get3A_428 : vector<16xf32>
          %add3A_471 = arith.addf %add3A_469, %mul3A_470 : vector<16xf32>
          %mul3A_472 = arith.mulf %get3A_434, %get3A_434 : vector<16xf32>
          %add3A_473 = arith.addf %add3A_471, %mul3A_472 : vector<16xf32>
          %mul3A_474 = arith.mulf %get3A_440, %get3A_440 : vector<16xf32>
          %add3A_475 = arith.addf %add3A_473, %mul3A_474 : vector<16xf32>
          %mul3A_476 = arith.mulf %get3A_446, %get3A_446 : vector<16xf32>
          %add3A_477 = arith.addf %add3A_475, %mul3A_476 : vector<16xf32>
          %iota3A_478 = tpu.iota {dimensions = array<i32: 0>} : vector<16xi32>
          %xor3A_479 = arith.constant 8 : i32
          %xor3A_480 = vector.broadcast %xor3A_479 : i32 to vector<16xi32>
          %xor3A_481 = arith.xori %iota3A_478, %xor3A_480 : vector<16xi32>
          %broadcast_in_dim3A_482 = vector.shape_cast %xor3A_481 : vector<16xi32> to vector<16x1xi32>
          %gather3A_483 = vector.shape_cast %broadcast_in_dim3A_482 : vector<16x1xi32> to vector<16xi32>
          %gather3A_484 = tpu.dynamic_gather %add3A_477[%gather3A_483] in [0] : vector<16xf32>, vector<16xi32> -> vector<16xf32>
          %add3A_485 = arith.addf %add3A_477, %gather3A_484 : vector<16xf32>
          %xor3A_486 = arith.constant 4 : i32
          %xor3A_487 = vector.broadcast %xor3A_486 : i32 to vector<16xi32>
          %xor3A_488 = arith.xori %iota3A_478, %xor3A_487 : vector<16xi32>
          %broadcast_in_dim3A_489 = vector.shape_cast %xor3A_488 : vector<16xi32> to vector<16x1xi32>
          %gather3A_490 = vector.shape_cast %broadcast_in_dim3A_489 : vector<16x1xi32> to vector<16xi32>
          %gather3A_491 = tpu.dynamic_gather %add3A_485[%gather3A_490] in [0] : vector<16xf32>, vector<16xi32> -> vector<16xf32>
          %add3A_492 = arith.addf %add3A_485, %gather3A_491 : vector<16xf32>
          %xor3A_493 = arith.constant 2 : i32
          %xor3A_494 = vector.broadcast %xor3A_493 : i32 to vector<16xi32>
          %xor3A_495 = arith.xori %iota3A_478, %xor3A_494 : vector<16xi32>
          %broadcast_in_dim3A_496 = vector.shape_cast %xor3A_495 : vector<16xi32> to vector<16x1xi32>
          %gather3A_497 = vector.shape_cast %broadcast_in_dim3A_496 : vector<16x1xi32> to vector<16xi32>
          %gather3A_498 = tpu.dynamic_gather %add3A_492[%gather3A_497] in [0] : vector<16xf32>, vector<16xi32> -> vector<16xf32>
          %add3A_499 = arith.addf %add3A_492, %gather3A_498 : vector<16xf32>
          %xor3A_500 = arith.constant 1 : i32
          %xor3A_501 = vector.broadcast %xor3A_500 : i32 to vector<16xi32>
          %xor3A_502 = arith.xori %iota3A_478, %xor3A_501 : vector<16xi32>
          %broadcast_in_dim3A_503 = vector.shape_cast %xor3A_502 : vector<16xi32> to vector<16x1xi32>
          %gather3A_504 = vector.shape_cast %broadcast_in_dim3A_503 : vector<16x1xi32> to vector<16xi32>
          %gather3A_505 = tpu.dynamic_gather %add3A_499[%gather3A_504] in [0] : vector<16xf32>, vector<16xi32> -> vector<16xf32>
          %add3A_506 = arith.addf %add3A_499, %gather3A_505 : vector<16xf32>
          %bitcast_convert_type3A = tpu.bitcast %add3A_506 : vector<16xf32> -> vector<16xi32>
          %shift_right_arithmetic3A = arith.constant 1 : i32
          %shift_right_arithmetic3A_507 = vector.broadcast %shift_right_arithmetic3A : i32 to vector<16xi32>
          %shift_right_arithmetic3A_508 = arith.shrsi %bitcast_convert_type3A, %shift_right_arithmetic3A_507 : vector<16xi32>
          %sub3A_509 = arith.constant 1597463007 : i32
          %sub3A_510 = vector.broadcast %sub3A_509 : i32 to vector<16xi32>
          %sub3A_511 = arith.subi %sub3A_510, %shift_right_arithmetic3A_508 : vector<16xi32>
          %bitcast_convert_type3A_512 = tpu.bitcast %sub3A_511 : vector<16xi32> -> vector<16xf32>
          %mul3A_513 = arith.constant 5.000000e-01 : f32
          %mul3A_514 = vector.broadcast %mul3A_513 : f32 to vector<16xf32>
          %mul3A_515 = arith.mulf %mul3A_514, %add3A_506 : vector<16xf32>
          %mul3A_516 = arith.mulf %mul3A_515, %bitcast_convert_type3A_512 : vector<16xf32>
          %mul3A_517 = arith.mulf %mul3A_516, %bitcast_convert_type3A_512 : vector<16xf32>
          %sub3A_518 = arith.constant 1.500000e+00 : f32
          %sub3A_519 = vector.broadcast %sub3A_518 : f32 to vector<16xf32>
          %sub3A_520 = arith.subf %sub3A_519, %mul3A_517 : vector<16xf32>
          %mul3A_521 = arith.mulf %bitcast_convert_type3A_512, %sub3A_520 : vector<16xf32>
          %mul3A_522 = arith.constant 5.000000e-01 : f32
          %mul3A_523 = vector.broadcast %mul3A_522 : f32 to vector<16xf32>
          %mul3A_524 = arith.mulf %mul3A_523, %add3A_506 : vector<16xf32>
          %mul3A_525 = arith.mulf %mul3A_524, %mul3A_521 : vector<16xf32>
          %mul3A_526 = arith.mulf %mul3A_525, %mul3A_521 : vector<16xf32>
          %sub3A_527 = arith.constant 1.500000e+00 : f32
          %sub3A_528 = vector.broadcast %sub3A_527 : f32 to vector<16xf32>
          %sub3A_529 = arith.subf %sub3A_528, %mul3A_526 : vector<16xf32>
          %mul3A_530 = arith.mulf %mul3A_521, %sub3A_529 : vector<16xf32>
          %mul3A_531 = arith.constant 5.000000e-01 : f32
          %mul3A_532 = vector.broadcast %mul3A_531 : f32 to vector<16xf32>
          %mul3A_533 = arith.mulf %mul3A_532, %add3A_506 : vector<16xf32>
          %mul3A_534 = arith.mulf %mul3A_533, %mul3A_530 : vector<16xf32>
          %mul3A_535 = arith.mulf %mul3A_534, %mul3A_530 : vector<16xf32>
          %sub3A_536 = arith.constant 1.500000e+00 : f32
          %sub3A_537 = vector.broadcast %sub3A_536 : f32 to vector<16xf32>
          %sub3A_538 = arith.subf %sub3A_537, %mul3A_535 : vector<16xf32>
          %mul3A_539 = arith.mulf %mul3A_530, %sub3A_538 : vector<16xf32>
          %mul3A_540 = arith.mulf %add3A_506, %mul3A_539 : vector<16xf32>
          %max3A_541 = arith.constant 9.99999996E-13 : f32
          %max3A_542 = vector.broadcast %max3A_541 : f32 to vector<16xf32>
          %max3A_543 = arith.maximumf %mul3A_540, %max3A_542 : vector<16xf32>
          %div3A_544 = arith.divf %add3A_122, %max3A_543 : vector<16xf32>
          %mul3A_545 = arith.mulf %get3A_356, %div3A_544 : vector<16xf32>
          %swap3A = arith.constant 1 : i32
          %swap3A_546 = arith.index_cast %swap3A : i32 to index
          %swap3A_547 = arith.index_cast %scan3A_349 : i32 to index
          %swap3A_548 = arith.constant 0 : index
          %swap3A_549 = tpu.vector_load %arg11[%swap3A_546, %swap3A_547, %swap3A_548] {strides = array<i32>} : memref<2x40x768xf32, #tpu.memory_space<vmem>>, vector<1x1x16xf32>,
          %swap3A_550 = vector.shape_cast %swap3A_549 : vector<1x1x16xf32> to vector<16xf32>
          %swap3A_551 = vector.shape_cast %mul3A_545 : vector<16xf32> to vector<1x1x16xf32>
          tpu.vector_store %arg11[%swap3A_546, %swap3A_547, %swap3A_548], %swap3A_551 {strides = array<i32>} : memref<2x40x768xf32, #tpu.memory_space<vmem>>, vector<1x1x16xf32>,
          %mul3A_552 = arith.mulf %get3A_362, %div3A_544 : vector<16xf32>
          %swap3A_553 = arith.constant 1 : i32
          %swap3A_554 = arith.index_cast %swap3A_553 : i32 to index
          %swap3A_555 = arith.index_cast %scan3A_349 : i32 to index
          %swap3A_556 = arith.constant 16 : index
          %swap3A_557 = tpu.vector_load %arg11[%swap3A_554, %swap3A_555, %swap3A_556] {strides = array<i32>} : memref<2x40x768xf32, #tpu.memory_space<vmem>>, vector<1x1x16xf32>,
          %swap3A_558 = vector.shape_cast %swap3A_557 : vector<1x1x16xf32> to vector<16xf32>
          %swap3A_559 = vector.shape_cast %mul3A_552 : vector<16xf32> to vector<1x1x16xf32>
          tpu.vector_store %arg11[%swap3A_554, %swap3A_555, %swap3A_556], %swap3A_559 {strides = array<i32>} : memref<2x40x768xf32, #tpu.memory_space<vmem>>, vector<1x1x16xf32>,
          %mul3A_560 = arith.mulf %get3A_368, %div3A_544 : vector<16xf32>
          %swap3A_561 = arith.constant 1 : i32
          %swap3A_562 = arith.index_cast %swap3A_561 : i32 to index
          %swap3A_563 = arith.index_cast %scan3A_349 : i32 to index
          %swap3A_564 = arith.constant 32 : index
          %swap3A_565 = tpu.vector_load %arg11[%swap3A_562, %swap3A_563, %swap3A_564] {strides = array<i32>} : memref<2x40x768xf32, #tpu.memory_space<vmem>>, vector<1x1x16xf32>,
          %swap3A_566 = vector.shape_cast %swap3A_565 : vector<1x1x16xf32> to vector<16xf32>
          %swap3A_567 = vector.shape_cast %mul3A_560 : vector<16xf32> to vector<1x1x16xf32>
          tpu.vector_store %arg11[%swap3A_562, %swap3A_563, %swap3A_564], %swap3A_567 {strides = array<i32>} : memref<2x40x768xf32, #tpu.memory_space<vmem>>, vector<1x1x16xf32>,
          %mul3A_568 = arith.mulf %get3A_374, %div3A_544 : vector<16xf32>
          %swap3A_569 = arith.constant 1 : i32
          %swap3A_570 = arith.index_cast %swap3A_569 : i32 to index
          %swap3A_571 = arith.index_cast %scan3A_349 : i32 to index
          %swap3A_572 = arith.constant 48 : index
          %swap3A_573 = tpu.vector_load %arg11[%swap3A_570, %swap3A_571, %swap3A_572] {strides = array<i32>} : memref<2x40x768xf32, #tpu.memory_space<vmem>>, vector<1x1x16xf32>,
          %swap3A_574 = vector.shape_cast %swap3A_573 : vector<1x1x16xf32> to vector<16xf32>
          %swap3A_575 = vector.shape_cast %mul3A_568 : vector<16xf32> to vector<1x1x16xf32>
          tpu.vector_store %arg11[%swap3A_570, %swap3A_571, %swap3A_572], %swap3A_575 {strides = array<i32>} : memref<2x40x768xf32, #tpu.memory_space<vmem>>, vector<1x1x16xf32>,
          %mul3A_576 = arith.mulf %get3A_380, %div3A_544 : vector<16xf32>
          %swap3A_577 = arith.constant 1 : i32
          %swap3A_578 = arith.index_cast %swap3A_577 : i32 to index
          %swap3A_579 = arith.index_cast %scan3A_349 : i32 to index
          %swap3A_580 = arith.constant 64 : index
          %swap3A_581 = tpu.vector_load %arg11[%swap3A_578, %swap3A_579, %swap3A_580] {strides = array<i32>} : memref<2x40x768xf32, #tpu.memory_space<vmem>>, vector<1x1x16xf32>,
          %swap3A_582 = vector.shape_cast %swap3A_581 : vector<1x1x16xf32> to vector<16xf32>
          %swap3A_583 = vector.shape_cast %mul3A_576 : vector<16xf32> to vector<1x1x16xf32>
          tpu.vector_store %arg11[%swap3A_578, %swap3A_579, %swap3A_580], %swap3A_583 {strides = array<i32>} : memref<2x40x768xf32, #tpu.memory_space<vmem>>, vector<1x1x16xf32>,
          %mul3A_584 = arith.mulf %get3A_386, %div3A_544 : vector<16xf32>
          %swap3A_585 = arith.constant 1 : i32
          %swap3A_586 = arith.index_cast %swap3A_585 : i32 to index
          %swap3A_587 = arith.index_cast %scan3A_349 : i32 to index
          %swap3A_588 = arith.constant 80 : index
          %swap3A_589 = tpu.vector_load %arg11[%swap3A_586, %swap3A_587, %swap3A_588] {strides = array<i32>} : memref<2x40x768xf32, #tpu.memory_space<vmem>>, vector<1x1x16xf32>,
          %swap3A_590 = vector.shape_cast %swap3A_589 : vector<1x1x16xf32> to vector<16xf32>
          %swap3A_591 = vector.shape_cast %mul3A_584 : vector<16xf32> to vector<1x1x16xf32>
          tpu.vector_store %arg11[%swap3A_586, %swap3A_587, %swap3A_588], %swap3A_591 {strides = array<i32>} : memref<2x40x768xf32, #tpu.memory_space<vmem>>, vector<1x1x16xf32>,
          %mul3A_592 = arith.mulf %get3A_392, %div3A_544 : vector<16xf32>
          %swap3A_593 = arith.constant 1 : i32
          %swap3A_594 = arith.index_cast %swap3A_593 : i32 to index
          %swap3A_595 = arith.index_cast %scan3A_349 : i32 to index
          %swap3A_596 = arith.constant 96 : index
          %swap3A_597 = tpu.vector_load %arg11[%swap3A_594, %swap3A_595, %swap3A_596] {strides = array<i32>} : memref<2x40x768xf32, #tpu.memory_space<vmem>>, vector<1x1x16xf32>,
          %swap3A_598 = vector.shape_cast %swap3A_597 : vector<1x1x16xf32> to vector<16xf32>
          %swap3A_599 = vector.shape_cast %mul3A_592 : vector<16xf32> to vector<1x1x16xf32>
          tpu.vector_store %arg11[%swap3A_594, %swap3A_595, %swap3A_596], %swap3A_599 {strides = array<i32>} : memref<2x40x768xf32, #tpu.memory_space<vmem>>, vector<1x1x16xf32>,
          %mul3A_600 = arith.mulf %get3A_398, %div3A_544 : vector<16xf32>
          %swap3A_601 = arith.constant 1 : i32
          %swap3A_602 = arith.index_cast %swap3A_601 : i32 to index
          %swap3A_603 = arith.index_cast %scan3A_349 : i32 to index
          %swap3A_604 = arith.constant 112 : index
          %swap3A_605 = tpu.vector_load %arg11[%swap3A_602, %swap3A_603, %swap3A_604] {strides = array<i32>} : memref<2x40x768xf32, #tpu.memory_space<vmem>>, vector<1x1x16xf32>,
          %swap3A_606 = vector.shape_cast %swap3A_605 : vector<1x1x16xf32> to vector<16xf32>
          %swap3A_607 = vector.shape_cast %mul3A_600 : vector<16xf32> to vector<1x1x16xf32>
          tpu.vector_store %arg11[%swap3A_602, %swap3A_603, %swap3A_604], %swap3A_607 {strides = array<i32>} : memref<2x40x768xf32, #tpu.memory_space<vmem>>, vector<1x1x16xf32>,
          %mul3A_608 = arith.mulf %get3A_404, %div3A_544 : vector<16xf32>
          %swap3A_609 = arith.constant 1 : i32
          %swap3A_610 = arith.index_cast %swap3A_609 : i32 to index
          %swap3A_611 = arith.index_cast %scan3A_349 : i32 to index
          %swap3A_612 = arith.constant 128 : index
          %swap3A_613 = tpu.vector_load %arg11[%swap3A_610, %swap3A_611, %swap3A_612] {strides = array<i32>} : memref<2x40x768xf32, #tpu.memory_space<vmem>>, vector<1x1x16xf32>,
          %swap3A_614 = vector.shape_cast %swap3A_613 : vector<1x1x16xf32> to vector<16xf32>
          %swap3A_615 = vector.shape_cast %mul3A_608 : vector<16xf32> to vector<1x1x16xf32>
          tpu.vector_store %arg11[%swap3A_610, %swap3A_611, %swap3A_612], %swap3A_615 {strides = array<i32>} : memref<2x40x768xf32, #tpu.memory_space<vmem>>, vector<1x1x16xf32>,
          %mul3A_616 = arith.mulf %get3A_410, %div3A_544 : vector<16xf32>
          %swap3A_617 = arith.constant 1 : i32
          %swap3A_618 = arith.index_cast %swap3A_617 : i32 to index
          %swap3A_619 = arith.index_cast %scan3A_349 : i32 to index
          %swap3A_620 = arith.constant 144 : index
          %swap3A_621 = tpu.vector_load %arg11[%swap3A_618, %swap3A_619, %swap3A_620] {strides = array<i32>} : memref<2x40x768xf32, #tpu.memory_space<vmem>>, vector<1x1x16xf32>,
          %swap3A_622 = vector.shape_cast %swap3A_621 : vector<1x1x16xf32> to vector<16xf32>
          %swap3A_623 = vector.shape_cast %mul3A_616 : vector<16xf32> to vector<1x1x16xf32>
          tpu.vector_store %arg11[%swap3A_618, %swap3A_619, %swap3A_620], %swap3A_623 {strides = array<i32>} : memref<2x40x768xf32, #tpu.memory_space<vmem>>, vector<1x1x16xf32>,
          %mul3A_624 = arith.mulf %get3A_416, %div3A_544 : vector<16xf32>
          %swap3A_625 = arith.constant 1 : i32
          %swap3A_626 = arith.index_cast %swap3A_625 : i32 to index
          %swap3A_627 = arith.index_cast %scan3A_349 : i32 to index
          %swap3A_628 = arith.constant 160 : index
          %swap3A_629 = tpu.vector_load %arg11[%swap3A_626, %swap3A_627, %swap3A_628] {strides = array<i32>} : memref<2x40x768xf32, #tpu.memory_space<vmem>>, vector<1x1x16xf32>,
          %swap3A_630 = vector.shape_cast %swap3A_629 : vector<1x1x16xf32> to vector<16xf32>
          %swap3A_631 = vector.shape_cast %mul3A_624 : vector<16xf32> to vector<1x1x16xf32>
          tpu.vector_store %arg11[%swap3A_626, %swap3A_627, %swap3A_628], %swap3A_631 {strides = array<i32>} : memref<2x40x768xf32, #tpu.memory_space<vmem>>, vector<1x1x16xf32>,
          %mul3A_632 = arith.mulf %get3A_422, %div3A_544 : vector<16xf32>
          %swap3A_633 = arith.constant 1 : i32
          %swap3A_634 = arith.index_cast %swap3A_633 : i32 to index
          %swap3A_635 = arith.index_cast %scan3A_349 : i32 to index
          %swap3A_636 = arith.constant 176 : index
          %swap3A_637 = tpu.vector_load %arg11[%swap3A_634, %swap3A_635, %swap3A_636] {strides = array<i32>} : memref<2x40x768xf32, #tpu.memory_space<vmem>>, vector<1x1x16xf32>,
          %swap3A_638 = vector.shape_cast %swap3A_637 : vector<1x1x16xf32> to vector<16xf32>
          %swap3A_639 = vector.shape_cast %mul3A_632 : vector<16xf32> to vector<1x1x16xf32>
          tpu.vector_store %arg11[%swap3A_634, %swap3A_635, %swap3A_636], %swap3A_639 {strides = array<i32>} : memref<2x40x768xf32, #tpu.memory_space<vmem>>, vector<1x1x16xf32>,
          %mul3A_640 = arith.mulf %get3A_428, %div3A_544 : vector<16xf32>
          %swap3A_641 = arith.constant 1 : i32
          %swap3A_642 = arith.index_cast %swap3A_641 : i32 to index
          %swap3A_643 = arith.index_cast %scan3A_349 : i32 to index
          %swap3A_644 = arith.constant 192 : index
          %swap3A_645 = tpu.vector_load %arg11[%swap3A_642, %swap3A_643, %swap3A_644] {strides = array<i32>} : memref<2x40x768xf32, #tpu.memory_space<vmem>>, vector<1x1x16xf32>,
          %swap3A_646 = vector.shape_cast %swap3A_645 : vector<1x1x16xf32> to vector<16xf32>
          %swap3A_647 = vector.shape_cast %mul3A_640 : vector<16xf32> to vector<1x1x16xf32>
          tpu.vector_store %arg11[%swap3A_642, %swap3A_643, %swap3A_644], %swap3A_647 {strides = array<i32>} : memref<2x40x768xf32, #tpu.memory_space<vmem>>, vector<1x1x16xf32>,
          %mul3A_648 = arith.mulf %get3A_434, %div3A_544 : vector<16xf32>
          %swap3A_649 = arith.constant 1 : i32
          %swap3A_650 = arith.index_cast %swap3A_649 : i32 to index
          %swap3A_651 = arith.index_cast %scan3A_349 : i32 to index
          %swap3A_652 = arith.constant 208 : index
          %swap3A_653 = tpu.vector_load %arg11[%swap3A_650, %swap3A_651, %swap3A_652] {strides = array<i32>} : memref<2x40x768xf32, #tpu.memory_space<vmem>>, vector<1x1x16xf32>,
          %swap3A_654 = vector.shape_cast %swap3A_653 : vector<1x1x16xf32> to vector<16xf32>
          %swap3A_655 = vector.shape_cast %mul3A_648 : vector<16xf32> to vector<1x1x16xf32>
          tpu.vector_store %arg11[%swap3A_650, %swap3A_651, %swap3A_652], %swap3A_655 {strides = array<i32>} : memref<2x40x768xf32, #tpu.memory_space<vmem>>, vector<1x1x16xf32>,
          %mul3A_656 = arith.mulf %get3A_440, %div3A_544 : vector<16xf32>
          %swap3A_657 = arith.constant 1 : i32
          %swap3A_658 = arith.index_cast %swap3A_657 : i32 to index
          %swap3A_659 = arith.index_cast %scan3A_349 : i32 to index
          %swap3A_660 = arith.constant 224 : index
          %swap3A_661 = tpu.vector_load %arg11[%swap3A_658, %swap3A_659, %swap3A_660] {strides = array<i32>} : memref<2x40x768xf32, #tpu.memory_space<vmem>>, vector<1x1x16xf32>,
          %swap3A_662 = vector.shape_cast %swap3A_661 : vector<1x1x16xf32> to vector<16xf32>
          %swap3A_663 = vector.shape_cast %mul3A_656 : vector<16xf32> to vector<1x1x16xf32>
          tpu.vector_store %arg11[%swap3A_658, %swap3A_659, %swap3A_660], %swap3A_663 {strides = array<i32>} : memref<2x40x768xf32, #tpu.memory_space<vmem>>, vector<1x1x16xf32>,
          %mul3A_664 = arith.mulf %get3A_446, %div3A_544 : vector<16xf32>
          %swap3A_665 = arith.constant 1 : i32
          %swap3A_666 = arith.index_cast %swap3A_665 : i32 to index
          %swap3A_667 = arith.index_cast %scan3A_349 : i32 to index
          %swap3A_668 = arith.constant 240 : index
          %swap3A_669 = tpu.vector_load %arg11[%swap3A_666, %swap3A_667, %swap3A_668] {strides = array<i32>} : memref<2x40x768xf32, #tpu.memory_space<vmem>>, vector<1x1x16xf32>,
          %swap3A_670 = vector.shape_cast %swap3A_669 : vector<1x1x16xf32> to vector<16xf32>
          %swap3A_671 = vector.shape_cast %mul3A_664 : vector<16xf32> to vector<1x1x16xf32>
          tpu.vector_store %arg11[%swap3A_666, %swap3A_667, %swap3A_668], %swap3A_671 {strides = array<i32>} : memref<2x40x768xf32, #tpu.memory_space<vmem>>, vector<1x1x16xf32>,
          %get3A_672 = arith.constant 1 : i32
          %get3A_673 = arith.index_cast %get3A_672 : i32 to index
          %get3A_674 = arith.index_cast %scan3A_349 : i32 to index
          %get3A_675 = arith.constant 0 : index
          %get3A_676 = tpu.vector_load %arg9[%get3A_673, %get3A_674, %get3A_675] {strides = array<i32>} : memref<2x40x256xf32, #tpu.memory_space<vmem>>, vector<1x1x16xf32>,
          %get3A_677 = vector.shape_cast %get3A_676 : vector<1x1x16xf32> to vector<16xf32>
          %get3A_678 = arith.constant 1 : i32
          %get3A_679 = arith.index_cast %get3A_678 : i32 to index
          %get3A_680 = arith.index_cast %scan3A_349 : i32 to index
          %get3A_681 = arith.constant 16 : index
          %get3A_682 = tpu.vector_load %arg9[%get3A_679, %get3A_680, %get3A_681] {strides = array<i32>} : memref<2x40x256xf32, #tpu.memory_space<vmem>>, vector<1x1x16xf32>,
          %get3A_683 = vector.shape_cast %get3A_682 : vector<1x1x16xf32> to vector<16xf32>
          %get3A_684 = arith.constant 1 : i32
          %get3A_685 = arith.index_cast %get3A_684 : i32 to index
          %get3A_686 = arith.index_cast %scan3A_349 : i32 to index
          %get3A_687 = arith.constant 32 : index
          %get3A_688 = tpu.vector_load %arg9[%get3A_685, %get3A_686, %get3A_687] {strides = array<i32>} : memref<2x40x256xf32, #tpu.memory_space<vmem>>, vector<1x1x16xf32>,
          %get3A_689 = vector.shape_cast %get3A_688 : vector<1x1x16xf32> to vector<16xf32>
          %get3A_690 = arith.constant 1 : i32
          %get3A_691 = arith.index_cast %get3A_690 : i32 to index
          %get3A_692 = arith.index_cast %scan3A_349 : i32 to index
          %get3A_693 = arith.constant 48 : index
          %get3A_694 = tpu.vector_load %arg9[%get3A_691, %get3A_692, %get3A_693] {strides = array<i32>} : memref<2x40x256xf32, #tpu.memory_space<vmem>>, vector<1x1x16xf32>,
          %get3A_695 = vector.shape_cast %get3A_694 : vector<1x1x16xf32> to vector<16xf32>
          %get3A_696 = arith.constant 1 : i32
          %get3A_697 = arith.index_cast %get3A_696 : i32 to index
          %get3A_698 = arith.index_cast %scan3A_349 : i32 to index
          %get3A_699 = arith.constant 64 : index
          %get3A_700 = tpu.vector_load %arg9[%get3A_697, %get3A_698, %get3A_699] {strides = array<i32>} : memref<2x40x256xf32, #tpu.memory_space<vmem>>, vector<1x1x16xf32>,
          %get3A_701 = vector.shape_cast %get3A_700 : vector<1x1x16xf32> to vector<16xf32>
          %get3A_702 = arith.constant 1 : i32
          %get3A_703 = arith.index_cast %get3A_702 : i32 to index
          %get3A_704 = arith.index_cast %scan3A_349 : i32 to index
          %get3A_705 = arith.constant 80 : index
          %get3A_706 = tpu.vector_load %arg9[%get3A_703, %get3A_704, %get3A_705] {strides = array<i32>} : memref<2x40x256xf32, #tpu.memory_space<vmem>>, vector<1x1x16xf32>,
          %get3A_707 = vector.shape_cast %get3A_706 : vector<1x1x16xf32> to vector<16xf32>
          %get3A_708 = arith.constant 1 : i32
          %get3A_709 = arith.index_cast %get3A_708 : i32 to index
          %get3A_710 = arith.index_cast %scan3A_349 : i32 to index
          %get3A_711 = arith.constant 96 : index
          %get3A_712 = tpu.vector_load %arg9[%get3A_709, %get3A_710, %get3A_711] {strides = array<i32>} : memref<2x40x256xf32, #tpu.memory_space<vmem>>, vector<1x1x16xf32>,
          %get3A_713 = vector.shape_cast %get3A_712 : vector<1x1x16xf32> to vector<16xf32>
          %get3A_714 = arith.constant 1 : i32
          %get3A_715 = arith.index_cast %get3A_714 : i32 to index
          %get3A_716 = arith.index_cast %scan3A_349 : i32 to index
          %get3A_717 = arith.constant 112 : index
          %get3A_718 = tpu.vector_load %arg9[%get3A_715, %get3A_716, %get3A_717] {strides = array<i32>} : memref<2x40x256xf32, #tpu.memory_space<vmem>>, vector<1x1x16xf32>,
          %get3A_719 = vector.shape_cast %get3A_718 : vector<1x1x16xf32> to vector<16xf32>
          %get3A_720 = arith.constant 1 : i32
          %get3A_721 = arith.index_cast %get3A_720 : i32 to index
          %get3A_722 = arith.index_cast %scan3A_349 : i32 to index
          %get3A_723 = arith.constant 128 : index
          %get3A_724 = tpu.vector_load %arg9[%get3A_721, %get3A_722, %get3A_723] {strides = array<i32>} : memref<2x40x256xf32, #tpu.memory_space<vmem>>, vector<1x1x16xf32>,
          %get3A_725 = vector.shape_cast %get3A_724 : vector<1x1x16xf32> to vector<16xf32>
          %get3A_726 = arith.constant 1 : i32
          %get3A_727 = arith.index_cast %get3A_726 : i32 to index
          %get3A_728 = arith.index_cast %scan3A_349 : i32 to index
          %get3A_729 = arith.constant 144 : index
          %get3A_730 = tpu.vector_load %arg9[%get3A_727, %get3A_728, %get3A_729] {strides = array<i32>} : memref<2x40x256xf32, #tpu.memory_space<vmem>>, vector<1x1x16xf32>,
          %get3A_731 = vector.shape_cast %get3A_730 : vector<1x1x16xf32> to vector<16xf32>
          %get3A_732 = arith.constant 1 : i32
          %get3A_733 = arith.index_cast %get3A_732 : i32 to index
          %get3A_734 = arith.index_cast %scan3A_349 : i32 to index
          %get3A_735 = arith.constant 160 : index
          %get3A_736 = tpu.vector_load %arg9[%get3A_733, %get3A_734, %get3A_735] {strides = array<i32>} : memref<2x40x256xf32, #tpu.memory_space<vmem>>, vector<1x1x16xf32>,
          %get3A_737 = vector.shape_cast %get3A_736 : vector<1x1x16xf32> to vector<16xf32>
          %get3A_738 = arith.constant 1 : i32
          %get3A_739 = arith.index_cast %get3A_738 : i32 to index
          %get3A_740 = arith.index_cast %scan3A_349 : i32 to index
          %get3A_741 = arith.constant 176 : index
          %get3A_742 = tpu.vector_load %arg9[%get3A_739, %get3A_740, %get3A_741] {strides = array<i32>} : memref<2x40x256xf32, #tpu.memory_space<vmem>>, vector<1x1x16xf32>,
          %get3A_743 = vector.shape_cast %get3A_742 : vector<1x1x16xf32> to vector<16xf32>
          %get3A_744 = arith.constant 1 : i32
          %get3A_745 = arith.index_cast %get3A_744 : i32 to index
          %get3A_746 = arith.index_cast %scan3A_349 : i32 to index
          %get3A_747 = arith.constant 192 : index
          %get3A_748 = tpu.vector_load %arg9[%get3A_745, %get3A_746, %get3A_747] {strides = array<i32>} : memref<2x40x256xf32, #tpu.memory_space<vmem>>, vector<1x1x16xf32>,
          %get3A_749 = vector.shape_cast %get3A_748 : vector<1x1x16xf32> to vector<16xf32>
          %get3A_750 = arith.constant 1 : i32
          %get3A_751 = arith.index_cast %get3A_750 : i32 to index
          %get3A_752 = arith.index_cast %scan3A_349 : i32 to index
          %get3A_753 = arith.constant 208 : index
          %get3A_754 = tpu.vector_load %arg9[%get3A_751, %get3A_752, %get3A_753] {strides = array<i32>} : memref<2x40x256xf32, #tpu.memory_space<vmem>>, vector<1x1x16xf32>,
          %get3A_755 = vector.shape_cast %get3A_754 : vector<1x1x16xf32> to vector<16xf32>
          %get3A_756 = arith.constant 1 : i32
          %get3A_757 = arith.index_cast %get3A_756 : i32 to index
          %get3A_758 = arith.index_cast %scan3A_349 : i32 to index
          %get3A_759 = arith.constant 224 : index
          %get3A_760 = tpu.vector_load %arg9[%get3A_757, %get3A_758, %get3A_759] {strides = array<i32>} : memref<2x40x256xf32, #tpu.memory_space<vmem>>, vector<1x1x16xf32>,
          %get3A_761 = vector.shape_cast %get3A_760 : vector<1x1x16xf32> to vector<16xf32>
          %get3A_762 = arith.constant 1 : i32
          %get3A_763 = arith.index_cast %get3A_762 : i32 to index
          %get3A_764 = arith.index_cast %scan3A_349 : i32 to index
          %get3A_765 = arith.constant 240 : index
          %get3A_766 = tpu.vector_load %arg9[%get3A_763, %get3A_764, %get3A_765] {strides = array<i32>} : memref<2x40x256xf32, #tpu.memory_space<vmem>>, vector<1x1x16xf32>,
          %get3A_767 = vector.shape_cast %get3A_766 : vector<1x1x16xf32> to vector<16xf32>
          %mul3A_768 = arith.mulf %get3A_677, %get3A_677 : vector<16xf32>
          %mul3A_769 = arith.mulf %get3A_683, %get3A_683 : vector<16xf32>
          %add3A_770 = arith.addf %mul3A_768, %mul3A_769 : vector<16xf32>
          %mul3A_771 = arith.mulf %get3A_689, %get3A_689 : vector<16xf32>
          %add3A_772 = arith.addf %add3A_770, %mul3A_771 : vector<16xf32>
          %mul3A_773 = arith.mulf %get3A_695, %get3A_695 : vector<16xf32>
          %add3A_774 = arith.addf %add3A_772, %mul3A_773 : vector<16xf32>
          %mul3A_775 = arith.mulf %get3A_701, %get3A_701 : vector<16xf32>
          %add3A_776 = arith.addf %add3A_774, %mul3A_775 : vector<16xf32>
          %mul3A_777 = arith.mulf %get3A_707, %get3A_707 : vector<16xf32>
          %add3A_778 = arith.addf %add3A_776, %mul3A_777 : vector<16xf32>
          %mul3A_779 = arith.mulf %get3A_713, %get3A_713 : vector<16xf32>
          %add3A_780 = arith.addf %add3A_778, %mul3A_779 : vector<16xf32>
          %mul3A_781 = arith.mulf %get3A_719, %get3A_719 : vector<16xf32>
          %add3A_782 = arith.addf %add3A_780, %mul3A_781 : vector<16xf32>
          %mul3A_783 = arith.mulf %get3A_725, %get3A_725 : vector<16xf32>
          %add3A_784 = arith.addf %add3A_782, %mul3A_783 : vector<16xf32>
          %mul3A_785 = arith.mulf %get3A_731, %get3A_731 : vector<16xf32>
          %add3A_786 = arith.addf %add3A_784, %mul3A_785 : vector<16xf32>
          %mul3A_787 = arith.mulf %get3A_737, %get3A_737 : vector<16xf32>
          %add3A_788 = arith.addf %add3A_786, %mul3A_787 : vector<16xf32>
          %mul3A_789 = arith.mulf %get3A_743, %get3A_743 : vector<16xf32>
          %add3A_790 = arith.addf %add3A_788, %mul3A_789 : vector<16xf32>
          %mul3A_791 = arith.mulf %get3A_749, %get3A_749 : vector<16xf32>
          %add3A_792 = arith.addf %add3A_790, %mul3A_791 : vector<16xf32>
          %mul3A_793 = arith.mulf %get3A_755, %get3A_755 : vector<16xf32>
          %add3A_794 = arith.addf %add3A_792, %mul3A_793 : vector<16xf32>
          %mul3A_795 = arith.mulf %get3A_761, %get3A_761 : vector<16xf32>
          %add3A_796 = arith.addf %add3A_794, %mul3A_795 : vector<16xf32>
          %mul3A_797 = arith.mulf %get3A_767, %get3A_767 : vector<16xf32>
          %add3A_798 = arith.addf %add3A_796, %mul3A_797 : vector<16xf32>
          %iota3A_799 = tpu.iota {dimensions = array<i32: 0>} : vector<16xi32>
          %xor3A_800 = arith.constant 8 : i32
          %xor3A_801 = vector.broadcast %xor3A_800 : i32 to vector<16xi32>
          %xor3A_802 = arith.xori %iota3A_799, %xor3A_801 : vector<16xi32>
          %broadcast_in_dim3A_803 = vector.shape_cast %xor3A_802 : vector<16xi32> to vector<16x1xi32>
          %gather3A_804 = vector.shape_cast %broadcast_in_dim3A_803 : vector<16x1xi32> to vector<16xi32>
          %gather3A_805 = tpu.dynamic_gather %add3A_798[%gather3A_804] in [0] : vector<16xf32>, vector<16xi32> -> vector<16xf32>
          %add3A_806 = arith.addf %add3A_798, %gather3A_805 : vector<16xf32>
          %xor3A_807 = arith.constant 4 : i32
          %xor3A_808 = vector.broadcast %xor3A_807 : i32 to vector<16xi32>
          %xor3A_809 = arith.xori %iota3A_799, %xor3A_808 : vector<16xi32>
          %broadcast_in_dim3A_810 = vector.shape_cast %xor3A_809 : vector<16xi32> to vector<16x1xi32>
          %gather3A_811 = vector.shape_cast %broadcast_in_dim3A_810 : vector<16x1xi32> to vector<16xi32>
          %gather3A_812 = tpu.dynamic_gather %add3A_806[%gather3A_811] in [0] : vector<16xf32>, vector<16xi32> -> vector<16xf32>
          %add3A_813 = arith.addf %add3A_806, %gather3A_812 : vector<16xf32>
          %xor3A_814 = arith.constant 2 : i32
          %xor3A_815 = vector.broadcast %xor3A_814 : i32 to vector<16xi32>
          %xor3A_816 = arith.xori %iota3A_799, %xor3A_815 : vector<16xi32>
          %broadcast_in_dim3A_817 = vector.shape_cast %xor3A_816 : vector<16xi32> to vector<16x1xi32>
          %gather3A_818 = vector.shape_cast %broadcast_in_dim3A_817 : vector<16x1xi32> to vector<16xi32>
          %gather3A_819 = tpu.dynamic_gather %add3A_813[%gather3A_818] in [0] : vector<16xf32>, vector<16xi32> -> vector<16xf32>
          %add3A_820 = arith.addf %add3A_813, %gather3A_819 : vector<16xf32>
          %xor3A_821 = arith.constant 1 : i32
          %xor3A_822 = vector.broadcast %xor3A_821 : i32 to vector<16xi32>
          %xor3A_823 = arith.xori %iota3A_799, %xor3A_822 : vector<16xi32>
          %broadcast_in_dim3A_824 = vector.shape_cast %xor3A_823 : vector<16xi32> to vector<16x1xi32>
          %gather3A_825 = vector.shape_cast %broadcast_in_dim3A_824 : vector<16x1xi32> to vector<16xi32>
          %gather3A_826 = tpu.dynamic_gather %add3A_820[%gather3A_825] in [0] : vector<16xf32>, vector<16xi32> -> vector<16xf32>
          %add3A_827 = arith.addf %add3A_820, %gather3A_826 : vector<16xf32>
          %bitcast_convert_type3A_828 = tpu.bitcast %add3A_827 : vector<16xf32> -> vector<16xi32>
          %shift_right_arithmetic3A_829 = arith.constant 1 : i32
          %shift_right_arithmetic3A_830 = vector.broadcast %shift_right_arithmetic3A_829 : i32 to vector<16xi32>
          %shift_right_arithmetic3A_831 = arith.shrsi %bitcast_convert_type3A_828, %shift_right_arithmetic3A_830 : vector<16xi32>
          %sub3A_832 = arith.constant 1597463007 : i32
          %sub3A_833 = vector.broadcast %sub3A_832 : i32 to vector<16xi32>
          %sub3A_834 = arith.subi %sub3A_833, %shift_right_arithmetic3A_831 : vector<16xi32>
          %bitcast_convert_type3A_835 = tpu.bitcast %sub3A_834 : vector<16xi32> -> vector<16xf32>
          %mul3A_836 = arith.constant 5.000000e-01 : f32
          %mul3A_837 = vector.broadcast %mul3A_836 : f32 to vector<16xf32>
          %mul3A_838 = arith.mulf %mul3A_837, %add3A_827 : vector<16xf32>
          %mul3A_839 = arith.mulf %mul3A_838, %bitcast_convert_type3A_835 : vector<16xf32>
          %mul3A_840 = arith.mulf %mul3A_839, %bitcast_convert_type3A_835 : vector<16xf32>
          %sub3A_841 = arith.constant 1.500000e+00 : f32
          %sub3A_842 = vector.broadcast %sub3A_841 : f32 to vector<16xf32>
          %sub3A_843 = arith.subf %sub3A_842, %mul3A_840 : vector<16xf32>
          %mul3A_844 = arith.mulf %bitcast_convert_type3A_835, %sub3A_843 : vector<16xf32>
          %mul3A_845 = arith.constant 5.000000e-01 : f32
          %mul3A_846 = vector.broadcast %mul3A_845 : f32 to vector<16xf32>
          %mul3A_847 = arith.mulf %mul3A_846, %add3A_827 : vector<16xf32>
          %mul3A_848 = arith.mulf %mul3A_847, %mul3A_844 : vector<16xf32>
          %mul3A_849 = arith.mulf %mul3A_848, %mul3A_844 : vector<16xf32>
          %sub3A_850 = arith.constant 1.500000e+00 : f32
          %sub3A_851 = vector.broadcast %sub3A_850 : f32 to vector<16xf32>
          %sub3A_852 = arith.subf %sub3A_851, %mul3A_849 : vector<16xf32>
          %mul3A_853 = arith.mulf %mul3A_844, %sub3A_852 : vector<16xf32>
          %mul3A_854 = arith.constant 5.000000e-01 : f32
          %mul3A_855 = vector.broadcast %mul3A_854 : f32 to vector<16xf32>
          %mul3A_856 = arith.mulf %mul3A_855, %add3A_827 : vector<16xf32>
          %mul3A_857 = arith.mulf %mul3A_856, %mul3A_853 : vector<16xf32>
          %mul3A_858 = arith.mulf %mul3A_857, %mul3A_853 : vector<16xf32>
          %sub3A_859 = arith.constant 1.500000e+00 : f32
          %sub3A_860 = vector.broadcast %sub3A_859 : f32 to vector<16xf32>
          %sub3A_861 = arith.subf %sub3A_860, %mul3A_858 : vector<16xf32>
          %mul3A_862 = arith.mulf %mul3A_853, %sub3A_861 : vector<16xf32>
          %mul3A_863 = arith.mulf %add3A_827, %mul3A_862 : vector<16xf32>
          %max3A_864 = arith.constant 9.99999996E-13 : f32
          %max3A_865 = vector.broadcast %max3A_864 : f32 to vector<16xf32>
          %max3A_866 = arith.maximumf %mul3A_863, %max3A_865 : vector<16xf32>
          %div3A_867 = arith.divf %add3A_157, %max3A_866 : vector<16xf32>
          %mul3A_868 = arith.mulf %get3A_677, %div3A_867 : vector<16xf32>
          %swap3A_869 = arith.constant 1 : i32
          %swap3A_870 = arith.index_cast %swap3A_869 : i32 to index
          %swap3A_871 = arith.index_cast %scan3A_349 : i32 to index
          %swap3A_872 = arith.constant 256 : index
          %swap3A_873 = tpu.vector_load %arg11[%swap3A_870, %swap3A_871, %swap3A_872] {strides = array<i32>} : memref<2x40x768xf32, #tpu.memory_space<vmem>>, vector<1x1x16xf32>,
          %swap3A_874 = vector.shape_cast %swap3A_873 : vector<1x1x16xf32> to vector<16xf32>
          %swap3A_875 = vector.shape_cast %mul3A_868 : vector<16xf32> to vector<1x1x16xf32>
          tpu.vector_store %arg11[%swap3A_870, %swap3A_871, %swap3A_872], %swap3A_875 {strides = array<i32>} : memref<2x40x768xf32, #tpu.memory_space<vmem>>, vector<1x1x16xf32>,
          %mul3A_876 = arith.mulf %get3A_683, %div3A_867 : vector<16xf32>
          %swap3A_877 = arith.constant 1 : i32
          %swap3A_878 = arith.index_cast %swap3A_877 : i32 to index
          %swap3A_879 = arith.index_cast %scan3A_349 : i32 to index
          %swap3A_880 = arith.constant 272 : index
          %swap3A_881 = tpu.vector_load %arg11[%swap3A_878, %swap3A_879, %swap3A_880] {strides = array<i32>} : memref<2x40x768xf32, #tpu.memory_space<vmem>>, vector<1x1x16xf32>,
          %swap3A_882 = vector.shape_cast %swap3A_881 : vector<1x1x16xf32> to vector<16xf32>
          %swap3A_883 = vector.shape_cast %mul3A_876 : vector<16xf32> to vector<1x1x16xf32>
          tpu.vector_store %arg11[%swap3A_878, %swap3A_879, %swap3A_880], %swap3A_883 {strides = array<i32>} : memref<2x40x768xf32, #tpu.memory_space<vmem>>, vector<1x1x16xf32>,
          %mul3A_884 = arith.mulf %get3A_689, %div3A_867 : vector<16xf32>
          %swap3A_885 = arith.constant 1 : i32
          %swap3A_886 = arith.index_cast %swap3A_885 : i32 to index
          %swap3A_887 = arith.index_cast %scan3A_349 : i32 to index
          %swap3A_888 = arith.constant 288 : index
          %swap3A_889 = tpu.vector_load %arg11[%swap3A_886, %swap3A_887, %swap3A_888] {strides = array<i32>} : memref<2x40x768xf32, #tpu.memory_space<vmem>>, vector<1x1x16xf32>,
          %swap3A_890 = vector.shape_cast %swap3A_889 : vector<1x1x16xf32> to vector<16xf32>
          %swap3A_891 = vector.shape_cast %mul3A_884 : vector<16xf32> to vector<1x1x16xf32>
          tpu.vector_store %arg11[%swap3A_886, %swap3A_887, %swap3A_888], %swap3A_891 {strides = array<i32>} : memref<2x40x768xf32, #tpu.memory_space<vmem>>, vector<1x1x16xf32>,
          %mul3A_892 = arith.mulf %get3A_695, %div3A_867 : vector<16xf32>
          %swap3A_893 = arith.constant 1 : i32
          %swap3A_894 = arith.index_cast %swap3A_893 : i32 to index
          %swap3A_895 = arith.index_cast %scan3A_349 : i32 to index
          %swap3A_896 = arith.constant 304 : index
          %swap3A_897 = tpu.vector_load %arg11[%swap3A_894, %swap3A_895, %swap3A_896] {strides = array<i32>} : memref<2x40x768xf32, #tpu.memory_space<vmem>>, vector<1x1x16xf32>,
          %swap3A_898 = vector.shape_cast %swap3A_897 : vector<1x1x16xf32> to vector<16xf32>
          %swap3A_899 = vector.shape_cast %mul3A_892 : vector<16xf32> to vector<1x1x16xf32>
          tpu.vector_store %arg11[%swap3A_894, %swap3A_895, %swap3A_896], %swap3A_899 {strides = array<i32>} : memref<2x40x768xf32, #tpu.memory_space<vmem>>, vector<1x1x16xf32>,
          %mul3A_900 = arith.mulf %get3A_701, %div3A_867 : vector<16xf32>
          %swap3A_901 = arith.constant 1 : i32
          %swap3A_902 = arith.index_cast %swap3A_901 : i32 to index
          %swap3A_903 = arith.index_cast %scan3A_349 : i32 to index
          %swap3A_904 = arith.constant 320 : index
          %swap3A_905 = tpu.vector_load %arg11[%swap3A_902, %swap3A_903, %swap3A_904] {strides = array<i32>} : memref<2x40x768xf32, #tpu.memory_space<vmem>>, vector<1x1x16xf32>,
          %swap3A_906 = vector.shape_cast %swap3A_905 : vector<1x1x16xf32> to vector<16xf32>
          %swap3A_907 = vector.shape_cast %mul3A_900 : vector<16xf32> to vector<1x1x16xf32>
          tpu.vector_store %arg11[%swap3A_902, %swap3A_903, %swap3A_904], %swap3A_907 {strides = array<i32>} : memref<2x40x768xf32, #tpu.memory_space<vmem>>, vector<1x1x16xf32>,
          %mul3A_908 = arith.mulf %get3A_707, %div3A_867 : vector<16xf32>
          %swap3A_909 = arith.constant 1 : i32
          %swap3A_910 = arith.index_cast %swap3A_909 : i32 to index
          %swap3A_911 = arith.index_cast %scan3A_349 : i32 to index
          %swap3A_912 = arith.constant 336 : index
          %swap3A_913 = tpu.vector_load %arg11[%swap3A_910, %swap3A_911, %swap3A_912] {strides = array<i32>} : memref<2x40x768xf32, #tpu.memory_space<vmem>>, vector<1x1x16xf32>,
          %swap3A_914 = vector.shape_cast %swap3A_913 : vector<1x1x16xf32> to vector<16xf32>
          %swap3A_915 = vector.shape_cast %mul3A_908 : vector<16xf32> to vector<1x1x16xf32>
          tpu.vector_store %arg11[%swap3A_910, %swap3A_911, %swap3A_912], %swap3A_915 {strides = array<i32>} : memref<2x40x768xf32, #tpu.memory_space<vmem>>, vector<1x1x16xf32>,
          %mul3A_916 = arith.mulf %get3A_713, %div3A_867 : vector<16xf32>
          %swap3A_917 = arith.constant 1 : i32
          %swap3A_918 = arith.index_cast %swap3A_917 : i32 to index
          %swap3A_919 = arith.index_cast %scan3A_349 : i32 to index
          %swap3A_920 = arith.constant 352 : index
          %swap3A_921 = tpu.vector_load %arg11[%swap3A_918, %swap3A_919, %swap3A_920] {strides = array<i32>} : memref<2x40x768xf32, #tpu.memory_space<vmem>>, vector<1x1x16xf32>,
          %swap3A_922 = vector.shape_cast %swap3A_921 : vector<1x1x16xf32> to vector<16xf32>
          %swap3A_923 = vector.shape_cast %mul3A_916 : vector<16xf32> to vector<1x1x16xf32>
          tpu.vector_store %arg11[%swap3A_918, %swap3A_919, %swap3A_920], %swap3A_923 {strides = array<i32>} : memref<2x40x768xf32, #tpu.memory_space<vmem>>, vector<1x1x16xf32>,
          %mul3A_924 = arith.mulf %get3A_719, %div3A_867 : vector<16xf32>
          %swap3A_925 = arith.constant 1 : i32
          %swap3A_926 = arith.index_cast %swap3A_925 : i32 to index
          %swap3A_927 = arith.index_cast %scan3A_349 : i32 to index
          %swap3A_928 = arith.constant 368 : index
          %swap3A_929 = tpu.vector_load %arg11[%swap3A_926, %swap3A_927, %swap3A_928] {strides = array<i32>} : memref<2x40x768xf32, #tpu.memory_space<vmem>>, vector<1x1x16xf32>,
          %swap3A_930 = vector.shape_cast %swap3A_929 : vector<1x1x16xf32> to vector<16xf32>
          %swap3A_931 = vector.shape_cast %mul3A_924 : vector<16xf32> to vector<1x1x16xf32>
          tpu.vector_store %arg11[%swap3A_926, %swap3A_927, %swap3A_928], %swap3A_931 {strides = array<i32>} : memref<2x40x768xf32, #tpu.memory_space<vmem>>, vector<1x1x16xf32>,
          %mul3A_932 = arith.mulf %get3A_725, %div3A_867 : vector<16xf32>
          %swap3A_933 = arith.constant 1 : i32
          %swap3A_934 = arith.index_cast %swap3A_933 : i32 to index
          %swap3A_935 = arith.index_cast %scan3A_349 : i32 to index
          %swap3A_936 = arith.constant 384 : index
          %swap3A_937 = tpu.vector_load %arg11[%swap3A_934, %swap3A_935, %swap3A_936] {strides = array<i32>} : memref<2x40x768xf32, #tpu.memory_space<vmem>>, vector<1x1x16xf32>,
          %swap3A_938 = vector.shape_cast %swap3A_937 : vector<1x1x16xf32> to vector<16xf32>
          %swap3A_939 = vector.shape_cast %mul3A_932 : vector<16xf32> to vector<1x1x16xf32>
          tpu.vector_store %arg11[%swap3A_934, %swap3A_935, %swap3A_936], %swap3A_939 {strides = array<i32>} : memref<2x40x768xf32, #tpu.memory_space<vmem>>, vector<1x1x16xf32>,
          %mul3A_940 = arith.mulf %get3A_731, %div3A_867 : vector<16xf32>
          %swap3A_941 = arith.constant 1 : i32
          %swap3A_942 = arith.index_cast %swap3A_941 : i32 to index
          %swap3A_943 = arith.index_cast %scan3A_349 : i32 to index
          %swap3A_944 = arith.constant 400 : index
          %swap3A_945 = tpu.vector_load %arg11[%swap3A_942, %swap3A_943, %swap3A_944] {strides = array<i32>} : memref<2x40x768xf32, #tpu.memory_space<vmem>>, vector<1x1x16xf32>,
          %swap3A_946 = vector.shape_cast %swap3A_945 : vector<1x1x16xf32> to vector<16xf32>
          %swap3A_947 = vector.shape_cast %mul3A_940 : vector<16xf32> to vector<1x1x16xf32>
          tpu.vector_store %arg11[%swap3A_942, %swap3A_943, %swap3A_944], %swap3A_947 {strides = array<i32>} : memref<2x40x768xf32, #tpu.memory_space<vmem>>, vector<1x1x16xf32>,
          %mul3A_948 = arith.mulf %get3A_737, %div3A_867 : vector<16xf32>
          %swap3A_949 = arith.constant 1 : i32
          %swap3A_950 = arith.index_cast %swap3A_949 : i32 to index
          %swap3A_951 = arith.index_cast %scan3A_349 : i32 to index
          %swap3A_952 = arith.constant 416 : index
          %swap3A_953 = tpu.vector_load %arg11[%swap3A_950, %swap3A_951, %swap3A_952] {strides = array<i32>} : memref<2x40x768xf32, #tpu.memory_space<vmem>>, vector<1x1x16xf32>,
          %swap3A_954 = vector.shape_cast %swap3A_953 : vector<1x1x16xf32> to vector<16xf32>
          %swap3A_955 = vector.shape_cast %mul3A_948 : vector<16xf32> to vector<1x1x16xf32>
          tpu.vector_store %arg11[%swap3A_950, %swap3A_951, %swap3A_952], %swap3A_955 {strides = array<i32>} : memref<2x40x768xf32, #tpu.memory_space<vmem>>, vector<1x1x16xf32>,
          %mul3A_956 = arith.mulf %get3A_743, %div3A_867 : vector<16xf32>
          %swap3A_957 = arith.constant 1 : i32
          %swap3A_958 = arith.index_cast %swap3A_957 : i32 to index
          %swap3A_959 = arith.index_cast %scan3A_349 : i32 to index
          %swap3A_960 = arith.constant 432 : index
          %swap3A_961 = tpu.vector_load %arg11[%swap3A_958, %swap3A_959, %swap3A_960] {strides = array<i32>} : memref<2x40x768xf32, #tpu.memory_space<vmem>>, vector<1x1x16xf32>,
          %swap3A_962 = vector.shape_cast %swap3A_961 : vector<1x1x16xf32> to vector<16xf32>
          %swap3A_963 = vector.shape_cast %mul3A_956 : vector<16xf32> to vector<1x1x16xf32>
          tpu.vector_store %arg11[%swap3A_958, %swap3A_959, %swap3A_960], %swap3A_963 {strides = array<i32>} : memref<2x40x768xf32, #tpu.memory_space<vmem>>, vector<1x1x16xf32>,
          %mul3A_964 = arith.mulf %get3A_749, %div3A_867 : vector<16xf32>
          %swap3A_965 = arith.constant 1 : i32
          %swap3A_966 = arith.index_cast %swap3A_965 : i32 to index
          %swap3A_967 = arith.index_cast %scan3A_349 : i32 to index
          %swap3A_968 = arith.constant 448 : index
          %swap3A_969 = tpu.vector_load %arg11[%swap3A_966, %swap3A_967, %swap3A_968] {strides = array<i32>} : memref<2x40x768xf32, #tpu.memory_space<vmem>>, vector<1x1x16xf32>,
          %swap3A_970 = vector.shape_cast %swap3A_969 : vector<1x1x16xf32> to vector<16xf32>
          %swap3A_971 = vector.shape_cast %mul3A_964 : vector<16xf32> to vector<1x1x16xf32>
          tpu.vector_store %arg11[%swap3A_966, %swap3A_967, %swap3A_968], %swap3A_971 {strides = array<i32>} : memref<2x40x768xf32, #tpu.memory_space<vmem>>, vector<1x1x16xf32>,
          %mul3A_972 = arith.mulf %get3A_755, %div3A_867 : vector<16xf32>
          %swap3A_973 = arith.constant 1 : i32
          %swap3A_974 = arith.index_cast %swap3A_973 : i32 to index
          %swap3A_975 = arith.index_cast %scan3A_349 : i32 to index
          %swap3A_976 = arith.constant 464 : index
          %swap3A_977 = tpu.vector_load %arg11[%swap3A_974, %swap3A_975, %swap3A_976] {strides = array<i32>} : memref<2x40x768xf32, #tpu.memory_space<vmem>>, vector<1x1x16xf32>,
          %swap3A_978 = vector.shape_cast %swap3A_977 : vector<1x1x16xf32> to vector<16xf32>
          %swap3A_979 = vector.shape_cast %mul3A_972 : vector<16xf32> to vector<1x1x16xf32>
          tpu.vector_store %arg11[%swap3A_974, %swap3A_975, %swap3A_976], %swap3A_979 {strides = array<i32>} : memref<2x40x768xf32, #tpu.memory_space<vmem>>, vector<1x1x16xf32>,
          %mul3A_980 = arith.mulf %get3A_761, %div3A_867 : vector<16xf32>
          %swap3A_981 = arith.constant 1 : i32
          %swap3A_982 = arith.index_cast %swap3A_981 : i32 to index
          %swap3A_983 = arith.index_cast %scan3A_349 : i32 to index
          %swap3A_984 = arith.constant 480 : index
          %swap3A_985 = tpu.vector_load %arg11[%swap3A_982, %swap3A_983, %swap3A_984] {strides = array<i32>} : memref<2x40x768xf32, #tpu.memory_space<vmem>>, vector<1x1x16xf32>,
          %swap3A_986 = vector.shape_cast %swap3A_985 : vector<1x1x16xf32> to vector<16xf32>
          %swap3A_987 = vector.shape_cast %mul3A_980 : vector<16xf32> to vector<1x1x16xf32>
          tpu.vector_store %arg11[%swap3A_982, %swap3A_983, %swap3A_984], %swap3A_987 {strides = array<i32>} : memref<2x40x768xf32, #tpu.memory_space<vmem>>, vector<1x1x16xf32>,
          %mul3A_988 = arith.mulf %get3A_767, %div3A_867 : vector<16xf32>
          %swap3A_989 = arith.constant 1 : i32
          %swap3A_990 = arith.index_cast %swap3A_989 : i32 to index
          %swap3A_991 = arith.index_cast %scan3A_349 : i32 to index
          %swap3A_992 = arith.constant 496 : index
          %swap3A_993 = tpu.vector_load %arg11[%swap3A_990, %swap3A_991, %swap3A_992] {strides = array<i32>} : memref<2x40x768xf32, #tpu.memory_space<vmem>>, vector<1x1x16xf32>,
          %swap3A_994 = vector.shape_cast %swap3A_993 : vector<1x1x16xf32> to vector<16xf32>
          %swap3A_995 = vector.shape_cast %mul3A_988 : vector<16xf32> to vector<1x1x16xf32>
          tpu.vector_store %arg11[%swap3A_990, %swap3A_991, %swap3A_992], %swap3A_995 {strides = array<i32>} : memref<2x40x768xf32, #tpu.memory_space<vmem>>, vector<1x1x16xf32>,
          %get3A_996 = arith.constant 1 : i32
          %get3A_997 = arith.index_cast %get3A_996 : i32 to index
          %get3A_998 = arith.index_cast %scan3A_349 : i32 to index
          %get3A_999 = arith.constant 0 : index
          %get3A_1000 = tpu.vector_load %arg10[%get3A_997, %get3A_998, %get3A_999] {strides = array<i32>} : memref<2x40x256xf32, #tpu.memory_space<vmem>>, vector<1x1x16xf32>,
          %get3A_1001 = vector.shape_cast %get3A_1000 : vector<1x1x16xf32> to vector<16xf32>
          %get3A_1002 = arith.constant 1 : i32
          %get3A_1003 = arith.index_cast %get3A_1002 : i32 to index
          %get3A_1004 = arith.index_cast %scan3A_349 : i32 to index
          %get3A_1005 = arith.constant 16 : index
          %get3A_1006 = tpu.vector_load %arg10[%get3A_1003, %get3A_1004, %get3A_1005] {strides = array<i32>} : memref<2x40x256xf32, #tpu.memory_space<vmem>>, vector<1x1x16xf32>,
          %get3A_1007 = vector.shape_cast %get3A_1006 : vector<1x1x16xf32> to vector<16xf32>
          %get3A_1008 = arith.constant 1 : i32
          %get3A_1009 = arith.index_cast %get3A_1008 : i32 to index
          %get3A_1010 = arith.index_cast %scan3A_349 : i32 to index
          %get3A_1011 = arith.constant 32 : index
          %get3A_1012 = tpu.vector_load %arg10[%get3A_1009, %get3A_1010, %get3A_1011] {strides = array<i32>} : memref<2x40x256xf32, #tpu.memory_space<vmem>>, vector<1x1x16xf32>,
          %get3A_1013 = vector.shape_cast %get3A_1012 : vector<1x1x16xf32> to vector<16xf32>
          %get3A_1014 = arith.constant 1 : i32
          %get3A_1015 = arith.index_cast %get3A_1014 : i32 to index
          %get3A_1016 = arith.index_cast %scan3A_349 : i32 to index
          %get3A_1017 = arith.constant 48 : index
          %get3A_1018 = tpu.vector_load %arg10[%get3A_1015, %get3A_1016, %get3A_1017] {strides = array<i32>} : memref<2x40x256xf32, #tpu.memory_space<vmem>>, vector<1x1x16xf32>,
          %get3A_1019 = vector.shape_cast %get3A_1018 : vector<1x1x16xf32> to vector<16xf32>
          %get3A_1020 = arith.constant 1 : i32
          %get3A_1021 = arith.index_cast %get3A_1020 : i32 to index
          %get3A_1022 = arith.index_cast %scan3A_349 : i32 to index
          %get3A_1023 = arith.constant 64 : index
          %get3A_1024 = tpu.vector_load %arg10[%get3A_1021, %get3A_1022, %get3A_1023] {strides = array<i32>} : memref<2x40x256xf32, #tpu.memory_space<vmem>>, vector<1x1x16xf32>,
          %get3A_1025 = vector.shape_cast %get3A_1024 : vector<1x1x16xf32> to vector<16xf32>
          %get3A_1026 = arith.constant 1 : i32
          %get3A_1027 = arith.index_cast %get3A_1026 : i32 to index
          %get3A_1028 = arith.index_cast %scan3A_349 : i32 to index
          %get3A_1029 = arith.constant 80 : index
          %get3A_1030 = tpu.vector_load %arg10[%get3A_1027, %get3A_1028, %get3A_1029] {strides = array<i32>} : memref<2x40x256xf32, #tpu.memory_space<vmem>>, vector<1x1x16xf32>,
          %get3A_1031 = vector.shape_cast %get3A_1030 : vector<1x1x16xf32> to vector<16xf32>
          %get3A_1032 = arith.constant 1 : i32
          %get3A_1033 = arith.index_cast %get3A_1032 : i32 to index
          %get3A_1034 = arith.index_cast %scan3A_349 : i32 to index
          %get3A_1035 = arith.constant 96 : index
          %get3A_1036 = tpu.vector_load %arg10[%get3A_1033, %get3A_1034, %get3A_1035] {strides = array<i32>} : memref<2x40x256xf32, #tpu.memory_space<vmem>>, vector<1x1x16xf32>,
          %get3A_1037 = vector.shape_cast %get3A_1036 : vector<1x1x16xf32> to vector<16xf32>
          %get3A_1038 = arith.constant 1 : i32
          %get3A_1039 = arith.index_cast %get3A_1038 : i32 to index
          %get3A_1040 = arith.index_cast %scan3A_349 : i32 to index
          %get3A_1041 = arith.constant 112 : index
          %get3A_1042 = tpu.vector_load %arg10[%get3A_1039, %get3A_1040, %get3A_1041] {strides = array<i32>} : memref<2x40x256xf32, #tpu.memory_space<vmem>>, vector<1x1x16xf32>,
          %get3A_1043 = vector.shape_cast %get3A_1042 : vector<1x1x16xf32> to vector<16xf32>
          %get3A_1044 = arith.constant 1 : i32
          %get3A_1045 = arith.index_cast %get3A_1044 : i32 to index
          %get3A_1046 = arith.index_cast %scan3A_349 : i32 to index
          %get3A_1047 = arith.constant 128 : index
          %get3A_1048 = tpu.vector_load %arg10[%get3A_1045, %get3A_1046, %get3A_1047] {strides = array<i32>} : memref<2x40x256xf32, #tpu.memory_space<vmem>>, vector<1x1x16xf32>,
          %get3A_1049 = vector.shape_cast %get3A_1048 : vector<1x1x16xf32> to vector<16xf32>
          %get3A_1050 = arith.constant 1 : i32
          %get3A_1051 = arith.index_cast %get3A_1050 : i32 to index
          %get3A_1052 = arith.index_cast %scan3A_349 : i32 to index
          %get3A_1053 = arith.constant 144 : index
          %get3A_1054 = tpu.vector_load %arg10[%get3A_1051, %get3A_1052, %get3A_1053] {strides = array<i32>} : memref<2x40x256xf32, #tpu.memory_space<vmem>>, vector<1x1x16xf32>,
          %get3A_1055 = vector.shape_cast %get3A_1054 : vector<1x1x16xf32> to vector<16xf32>
          %get3A_1056 = arith.constant 1 : i32
          %get3A_1057 = arith.index_cast %get3A_1056 : i32 to index
          %get3A_1058 = arith.index_cast %scan3A_349 : i32 to index
          %get3A_1059 = arith.constant 160 : index
          %get3A_1060 = tpu.vector_load %arg10[%get3A_1057, %get3A_1058, %get3A_1059] {strides = array<i32>} : memref<2x40x256xf32, #tpu.memory_space<vmem>>, vector<1x1x16xf32>,
          %get3A_1061 = vector.shape_cast %get3A_1060 : vector<1x1x16xf32> to vector<16xf32>
          %get3A_1062 = arith.constant 1 : i32
          %get3A_1063 = arith.index_cast %get3A_1062 : i32 to index
          %get3A_1064 = arith.index_cast %scan3A_349 : i32 to index
          %get3A_1065 = arith.constant 176 : index
          %get3A_1066 = tpu.vector_load %arg10[%get3A_1063, %get3A_1064, %get3A_1065] {strides = array<i32>} : memref<2x40x256xf32, #tpu.memory_space<vmem>>, vector<1x1x16xf32>,
          %get3A_1067 = vector.shape_cast %get3A_1066 : vector<1x1x16xf32> to vector<16xf32>
          %get3A_1068 = arith.constant 1 : i32
          %get3A_1069 = arith.index_cast %get3A_1068 : i32 to index
          %get3A_1070 = arith.index_cast %scan3A_349 : i32 to index
          %get3A_1071 = arith.constant 192 : index
          %get3A_1072 = tpu.vector_load %arg10[%get3A_1069, %get3A_1070, %get3A_1071] {strides = array<i32>} : memref<2x40x256xf32, #tpu.memory_space<vmem>>, vector<1x1x16xf32>,
          %get3A_1073 = vector.shape_cast %get3A_1072 : vector<1x1x16xf32> to vector<16xf32>
          %get3A_1074 = arith.constant 1 : i32
          %get3A_1075 = arith.index_cast %get3A_1074 : i32 to index
          %get3A_1076 = arith.index_cast %scan3A_349 : i32 to index
          %get3A_1077 = arith.constant 208 : index
          %get3A_1078 = tpu.vector_load %arg10[%get3A_1075, %get3A_1076, %get3A_1077] {strides = array<i32>} : memref<2x40x256xf32, #tpu.memory_space<vmem>>, vector<1x1x16xf32>,
          %get3A_1079 = vector.shape_cast %get3A_1078 : vector<1x1x16xf32> to vector<16xf32>
          %get3A_1080 = arith.constant 1 : i32
          %get3A_1081 = arith.index_cast %get3A_1080 : i32 to index
          %get3A_1082 = arith.index_cast %scan3A_349 : i32 to index
          %get3A_1083 = arith.constant 224 : index
          %get3A_1084 = tpu.vector_load %arg10[%get3A_1081, %get3A_1082, %get3A_1083] {strides = array<i32>} : memref<2x40x256xf32, #tpu.memory_space<vmem>>, vector<1x1x16xf32>,
          %get3A_1085 = vector.shape_cast %get3A_1084 : vector<1x1x16xf32> to vector<16xf32>
          %get3A_1086 = arith.constant 1 : i32
          %get3A_1087 = arith.index_cast %get3A_1086 : i32 to index
          %get3A_1088 = arith.index_cast %scan3A_349 : i32 to index
          %get3A_1089 = arith.constant 240 : index
          %get3A_1090 = tpu.vector_load %arg10[%get3A_1087, %get3A_1088, %get3A_1089] {strides = array<i32>} : memref<2x40x256xf32, #tpu.memory_space<vmem>>, vector<1x1x16xf32>,
          %get3A_1091 = vector.shape_cast %get3A_1090 : vector<1x1x16xf32> to vector<16xf32>
          %mul3A_1092 = arith.mulf %get3A_1001, %get3A_1001 : vector<16xf32>
          %mul3A_1093 = arith.mulf %get3A_1007, %get3A_1007 : vector<16xf32>
          %add3A_1094 = arith.addf %mul3A_1092, %mul3A_1093 : vector<16xf32>
          %mul3A_1095 = arith.mulf %get3A_1013, %get3A_1013 : vector<16xf32>
          %add3A_1096 = arith.addf %add3A_1094, %mul3A_1095 : vector<16xf32>
          %mul3A_1097 = arith.mulf %get3A_1019, %get3A_1019 : vector<16xf32>
          %add3A_1098 = arith.addf %add3A_1096, %mul3A_1097 : vector<16xf32>
          %mul3A_1099 = arith.mulf %get3A_1025, %get3A_1025 : vector<16xf32>
          %add3A_1100 = arith.addf %add3A_1098, %mul3A_1099 : vector<16xf32>
          %mul3A_1101 = arith.mulf %get3A_1031, %get3A_1031 : vector<16xf32>
          %add3A_1102 = arith.addf %add3A_1100, %mul3A_1101 : vector<16xf32>
          %mul3A_1103 = arith.mulf %get3A_1037, %get3A_1037 : vector<16xf32>
          %add3A_1104 = arith.addf %add3A_1102, %mul3A_1103 : vector<16xf32>
          %mul3A_1105 = arith.mulf %get3A_1043, %get3A_1043 : vector<16xf32>
          %add3A_1106 = arith.addf %add3A_1104, %mul3A_1105 : vector<16xf32>
          %mul3A_1107 = arith.mulf %get3A_1049, %get3A_1049 : vector<16xf32>
          %add3A_1108 = arith.addf %add3A_1106, %mul3A_1107 : vector<16xf32>
          %mul3A_1109 = arith.mulf %get3A_1055, %get3A_1055 : vector<16xf32>
          %add3A_1110 = arith.addf %add3A_1108, %mul3A_1109 : vector<16xf32>
          %mul3A_1111 = arith.mulf %get3A_1061, %get3A_1061 : vector<16xf32>
          %add3A_1112 = arith.addf %add3A_1110, %mul3A_1111 : vector<16xf32>
          %mul3A_1113 = arith.mulf %get3A_1067, %get3A_1067 : vector<16xf32>
          %add3A_1114 = arith.addf %add3A_1112, %mul3A_1113 : vector<16xf32>
          %mul3A_1115 = arith.mulf %get3A_1073, %get3A_1073 : vector<16xf32>
          %add3A_1116 = arith.addf %add3A_1114, %mul3A_1115 : vector<16xf32>
          %mul3A_1117 = arith.mulf %get3A_1079, %get3A_1079 : vector<16xf32>
          %add3A_1118 = arith.addf %add3A_1116, %mul3A_1117 : vector<16xf32>
          %mul3A_1119 = arith.mulf %get3A_1085, %get3A_1085 : vector<16xf32>
          %add3A_1120 = arith.addf %add3A_1118, %mul3A_1119 : vector<16xf32>
          %mul3A_1121 = arith.mulf %get3A_1091, %get3A_1091 : vector<16xf32>
          %add3A_1122 = arith.addf %add3A_1120, %mul3A_1121 : vector<16xf32>
          %iota3A_1123 = tpu.iota {dimensions = array<i32: 0>} : vector<16xi32>
          %xor3A_1124 = arith.constant 8 : i32
          %xor3A_1125 = vector.broadcast %xor3A_1124 : i32 to vector<16xi32>
          %xor3A_1126 = arith.xori %iota3A_1123, %xor3A_1125 : vector<16xi32>
          %broadcast_in_dim3A_1127 = vector.shape_cast %xor3A_1126 : vector<16xi32> to vector<16x1xi32>
          %gather3A_1128 = vector.shape_cast %broadcast_in_dim3A_1127 : vector<16x1xi32> to vector<16xi32>
          %gather3A_1129 = tpu.dynamic_gather %add3A_1122[%gather3A_1128] in [0] : vector<16xf32>, vector<16xi32> -> vector<16xf32>
          %add3A_1130 = arith.addf %add3A_1122, %gather3A_1129 : vector<16xf32>
          %xor3A_1131 = arith.constant 4 : i32
          %xor3A_1132 = vector.broadcast %xor3A_1131 : i32 to vector<16xi32>
          %xor3A_1133 = arith.xori %iota3A_1123, %xor3A_1132 : vector<16xi32>
          %broadcast_in_dim3A_1134 = vector.shape_cast %xor3A_1133 : vector<16xi32> to vector<16x1xi32>
          %gather3A_1135 = vector.shape_cast %broadcast_in_dim3A_1134 : vector<16x1xi32> to vector<16xi32>
          %gather3A_1136 = tpu.dynamic_gather %add3A_1130[%gather3A_1135] in [0] : vector<16xf32>, vector<16xi32> -> vector<16xf32>
          %add3A_1137 = arith.addf %add3A_1130, %gather3A_1136 : vector<16xf32>
          %xor3A_1138 = arith.constant 2 : i32
          %xor3A_1139 = vector.broadcast %xor3A_1138 : i32 to vector<16xi32>
          %xor3A_1140 = arith.xori %iota3A_1123, %xor3A_1139 : vector<16xi32>
          %broadcast_in_dim3A_1141 = vector.shape_cast %xor3A_1140 : vector<16xi32> to vector<16x1xi32>
          %gather3A_1142 = vector.shape_cast %broadcast_in_dim3A_1141 : vector<16x1xi32> to vector<16xi32>
          %gather3A_1143 = tpu.dynamic_gather %add3A_1137[%gather3A_1142] in [0] : vector<16xf32>, vector<16xi32> -> vector<16xf32>
          %add3A_1144 = arith.addf %add3A_1137, %gather3A_1143 : vector<16xf32>
          %xor3A_1145 = arith.constant 1 : i32
          %xor3A_1146 = vector.broadcast %xor3A_1145 : i32 to vector<16xi32>
          %xor3A_1147 = arith.xori %iota3A_1123, %xor3A_1146 : vector<16xi32>
          %broadcast_in_dim3A_1148 = vector.shape_cast %xor3A_1147 : vector<16xi32> to vector<16x1xi32>
          %gather3A_1149 = vector.shape_cast %broadcast_in_dim3A_1148 : vector<16x1xi32> to vector<16xi32>
          %gather3A_1150 = tpu.dynamic_gather %add3A_1144[%gather3A_1149] in [0] : vector<16xf32>, vector<16xi32> -> vector<16xf32>
          %add3A_1151 = arith.addf %add3A_1144, %gather3A_1150 : vector<16xf32>
          %bitcast_convert_type3A_1152 = tpu.bitcast %add3A_1151 : vector<16xf32> -> vector<16xi32>
          %shift_right_arithmetic3A_1153 = arith.constant 1 : i32
          %shift_right_arithmetic3A_1154 = vector.broadcast %shift_right_arithmetic3A_1153 : i32 to vector<16xi32>
          %shift_right_arithmetic3A_1155 = arith.shrsi %bitcast_convert_type3A_1152, %shift_right_arithmetic3A_1154 : vector<16xi32>
          %sub3A_1156 = arith.constant 1597463007 : i32
          %sub3A_1157 = vector.broadcast %sub3A_1156 : i32 to vector<16xi32>
          %sub3A_1158 = arith.subi %sub3A_1157, %shift_right_arithmetic3A_1155 : vector<16xi32>
          %bitcast_convert_type3A_1159 = tpu.bitcast %sub3A_1158 : vector<16xi32> -> vector<16xf32>
          %mul3A_1160 = arith.constant 5.000000e-01 : f32
          %mul3A_1161 = vector.broadcast %mul3A_1160 : f32 to vector<16xf32>
          %mul3A_1162 = arith.mulf %mul3A_1161, %add3A_1151 : vector<16xf32>
          %mul3A_1163 = arith.mulf %mul3A_1162, %bitcast_convert_type3A_1159 : vector<16xf32>
          %mul3A_1164 = arith.mulf %mul3A_1163, %bitcast_convert_type3A_1159 : vector<16xf32>
          %sub3A_1165 = arith.constant 1.500000e+00 : f32
          %sub3A_1166 = vector.broadcast %sub3A_1165 : f32 to vector<16xf32>
          %sub3A_1167 = arith.subf %sub3A_1166, %mul3A_1164 : vector<16xf32>
          %mul3A_1168 = arith.mulf %bitcast_convert_type3A_1159, %sub3A_1167 : vector<16xf32>
          %mul3A_1169 = arith.constant 5.000000e-01 : f32
          %mul3A_1170 = vector.broadcast %mul3A_1169 : f32 to vector<16xf32>
          %mul3A_1171 = arith.mulf %mul3A_1170, %add3A_1151 : vector<16xf32>
          %mul3A_1172 = arith.mulf %mul3A_1171, %mul3A_1168 : vector<16xf32>
          %mul3A_1173 = arith.mulf %mul3A_1172, %mul3A_1168 : vector<16xf32>
          %sub3A_1174 = arith.constant 1.500000e+00 : f32
          %sub3A_1175 = vector.broadcast %sub3A_1174 : f32 to vector<16xf32>
          %sub3A_1176 = arith.subf %sub3A_1175, %mul3A_1173 : vector<16xf32>
          %mul3A_1177 = arith.mulf %mul3A_1168, %sub3A_1176 : vector<16xf32>
          %mul3A_1178 = arith.constant 5.000000e-01 : f32
          %mul3A_1179 = vector.broadcast %mul3A_1178 : f32 to vector<16xf32>
          %mul3A_1180 = arith.mulf %mul3A_1179, %add3A_1151 : vector<16xf32>
          %mul3A_1181 = arith.mulf %mul3A_1180, %mul3A_1177 : vector<16xf32>
          %mul3A_1182 = arith.mulf %mul3A_1181, %mul3A_1177 : vector<16xf32>
          %sub3A_1183 = arith.constant 1.500000e+00 : f32
          %sub3A_1184 = vector.broadcast %sub3A_1183 : f32 to vector<16xf32>
          %sub3A_1185 = arith.subf %sub3A_1184, %mul3A_1182 : vector<16xf32>
          %mul3A_1186 = arith.mulf %mul3A_1177, %sub3A_1185 : vector<16xf32>
          %mul3A_1187 = arith.mulf %add3A_1151, %mul3A_1186 : vector<16xf32>
          %max3A_1188 = arith.constant 9.99999996E-13 : f32
          %max3A_1189 = vector.broadcast %max3A_1188 : f32 to vector<16xf32>
          %max3A_1190 = arith.maximumf %mul3A_1187, %max3A_1189 : vector<16xf32>
          %div3A_1191 = arith.divf %add3A_192, %max3A_1190 : vector<16xf32>
          %mul3A_1192 = arith.mulf %get3A_1001, %div3A_1191 : vector<16xf32>
          %swap3A_1193 = arith.constant 1 : i32
          %swap3A_1194 = arith.index_cast %swap3A_1193 : i32 to index
          %swap3A_1195 = arith.index_cast %scan3A_349 : i32 to index
          %swap3A_1196 = arith.constant 512 : index
          %swap3A_1197 = tpu.vector_load %arg11[%swap3A_1194, %swap3A_1195, %swap3A_1196] {strides = array<i32>} : memref<2x40x768xf32, #tpu.memory_space<vmem>>, vector<1x1x16xf32>,
          %swap3A_1198 = vector.shape_cast %swap3A_1197 : vector<1x1x16xf32> to vector<16xf32>
          %swap3A_1199 = vector.shape_cast %mul3A_1192 : vector<16xf32> to vector<1x1x16xf32>
          tpu.vector_store %arg11[%swap3A_1194, %swap3A_1195, %swap3A_1196], %swap3A_1199 {strides = array<i32>} : memref<2x40x768xf32, #tpu.memory_space<vmem>>, vector<1x1x16xf32>,
          %mul3A_1200 = arith.mulf %get3A_1007, %div3A_1191 : vector<16xf32>
          %swap3A_1201 = arith.constant 1 : i32
          %swap3A_1202 = arith.index_cast %swap3A_1201 : i32 to index
          %swap3A_1203 = arith.index_cast %scan3A_349 : i32 to index
          %swap3A_1204 = arith.constant 528 : index
          %swap3A_1205 = tpu.vector_load %arg11[%swap3A_1202, %swap3A_1203, %swap3A_1204] {strides = array<i32>} : memref<2x40x768xf32, #tpu.memory_space<vmem>>, vector<1x1x16xf32>,
          %swap3A_1206 = vector.shape_cast %swap3A_1205 : vector<1x1x16xf32> to vector<16xf32>
          %swap3A_1207 = vector.shape_cast %mul3A_1200 : vector<16xf32> to vector<1x1x16xf32>
          tpu.vector_store %arg11[%swap3A_1202, %swap3A_1203, %swap3A_1204], %swap3A_1207 {strides = array<i32>} : memref<2x40x768xf32, #tpu.memory_space<vmem>>, vector<1x1x16xf32>,
          %mul3A_1208 = arith.mulf %get3A_1013, %div3A_1191 : vector<16xf32>
          %swap3A_1209 = arith.constant 1 : i32
          %swap3A_1210 = arith.index_cast %swap3A_1209 : i32 to index
          %swap3A_1211 = arith.index_cast %scan3A_349 : i32 to index
          %swap3A_1212 = arith.constant 544 : index
          %swap3A_1213 = tpu.vector_load %arg11[%swap3A_1210, %swap3A_1211, %swap3A_1212] {strides = array<i32>} : memref<2x40x768xf32, #tpu.memory_space<vmem>>, vector<1x1x16xf32>,
          %swap3A_1214 = vector.shape_cast %swap3A_1213 : vector<1x1x16xf32> to vector<16xf32>
          %swap3A_1215 = vector.shape_cast %mul3A_1208 : vector<16xf32> to vector<1x1x16xf32>
          tpu.vector_store %arg11[%swap3A_1210, %swap3A_1211, %swap3A_1212], %swap3A_1215 {strides = array<i32>} : memref<2x40x768xf32, #tpu.memory_space<vmem>>, vector<1x1x16xf32>,
          %mul3A_1216 = arith.mulf %get3A_1019, %div3A_1191 : vector<16xf32>
          %swap3A_1217 = arith.constant 1 : i32
          %swap3A_1218 = arith.index_cast %swap3A_1217 : i32 to index
          %swap3A_1219 = arith.index_cast %scan3A_349 : i32 to index
          %swap3A_1220 = arith.constant 560 : index
          %swap3A_1221 = tpu.vector_load %arg11[%swap3A_1218, %swap3A_1219, %swap3A_1220] {strides = array<i32>} : memref<2x40x768xf32, #tpu.memory_space<vmem>>, vector<1x1x16xf32>,
          %swap3A_1222 = vector.shape_cast %swap3A_1221 : vector<1x1x16xf32> to vector<16xf32>
          %swap3A_1223 = vector.shape_cast %mul3A_1216 : vector<16xf32> to vector<1x1x16xf32>
          tpu.vector_store %arg11[%swap3A_1218, %swap3A_1219, %swap3A_1220], %swap3A_1223 {strides = array<i32>} : memref<2x40x768xf32, #tpu.memory_space<vmem>>, vector<1x1x16xf32>,
          %mul3A_1224 = arith.mulf %get3A_1025, %div3A_1191 : vector<16xf32>
          %swap3A_1225 = arith.constant 1 : i32
          %swap3A_1226 = arith.index_cast %swap3A_1225 : i32 to index
          %swap3A_1227 = arith.index_cast %scan3A_349 : i32 to index
          %swap3A_1228 = arith.constant 576 : index
          %swap3A_1229 = tpu.vector_load %arg11[%swap3A_1226, %swap3A_1227, %swap3A_1228] {strides = array<i32>} : memref<2x40x768xf32, #tpu.memory_space<vmem>>, vector<1x1x16xf32>,
          %swap3A_1230 = vector.shape_cast %swap3A_1229 : vector<1x1x16xf32> to vector<16xf32>
          %swap3A_1231 = vector.shape_cast %mul3A_1224 : vector<16xf32> to vector<1x1x16xf32>
          tpu.vector_store %arg11[%swap3A_1226, %swap3A_1227, %swap3A_1228], %swap3A_1231 {strides = array<i32>} : memref<2x40x768xf32, #tpu.memory_space<vmem>>, vector<1x1x16xf32>,
          %mul3A_1232 = arith.mulf %get3A_1031, %div3A_1191 : vector<16xf32>
          %swap3A_1233 = arith.constant 1 : i32
          %swap3A_1234 = arith.index_cast %swap3A_1233 : i32 to index
          %swap3A_1235 = arith.index_cast %scan3A_349 : i32 to index
          %swap3A_1236 = arith.constant 592 : index
          %swap3A_1237 = tpu.vector_load %arg11[%swap3A_1234, %swap3A_1235, %swap3A_1236] {strides = array<i32>} : memref<2x40x768xf32, #tpu.memory_space<vmem>>, vector<1x1x16xf32>,
          %swap3A_1238 = vector.shape_cast %swap3A_1237 : vector<1x1x16xf32> to vector<16xf32>
          %swap3A_1239 = vector.shape_cast %mul3A_1232 : vector<16xf32> to vector<1x1x16xf32>
          tpu.vector_store %arg11[%swap3A_1234, %swap3A_1235, %swap3A_1236], %swap3A_1239 {strides = array<i32>} : memref<2x40x768xf32, #tpu.memory_space<vmem>>, vector<1x1x16xf32>,
          %mul3A_1240 = arith.mulf %get3A_1037, %div3A_1191 : vector<16xf32>
          %swap3A_1241 = arith.constant 1 : i32
          %swap3A_1242 = arith.index_cast %swap3A_1241 : i32 to index
          %swap3A_1243 = arith.index_cast %scan3A_349 : i32 to index
          %swap3A_1244 = arith.constant 608 : index
          %swap3A_1245 = tpu.vector_load %arg11[%swap3A_1242, %swap3A_1243, %swap3A_1244] {strides = array<i32>} : memref<2x40x768xf32, #tpu.memory_space<vmem>>, vector<1x1x16xf32>,
          %swap3A_1246 = vector.shape_cast %swap3A_1245 : vector<1x1x16xf32> to vector<16xf32>
          %swap3A_1247 = vector.shape_cast %mul3A_1240 : vector<16xf32> to vector<1x1x16xf32>
          tpu.vector_store %arg11[%swap3A_1242, %swap3A_1243, %swap3A_1244], %swap3A_1247 {strides = array<i32>} : memref<2x40x768xf32, #tpu.memory_space<vmem>>, vector<1x1x16xf32>,
          %mul3A_1248 = arith.mulf %get3A_1043, %div3A_1191 : vector<16xf32>
          %swap3A_1249 = arith.constant 1 : i32
          %swap3A_1250 = arith.index_cast %swap3A_1249 : i32 to index
          %swap3A_1251 = arith.index_cast %scan3A_349 : i32 to index
          %swap3A_1252 = arith.constant 624 : index
          %swap3A_1253 = tpu.vector_load %arg11[%swap3A_1250, %swap3A_1251, %swap3A_1252] {strides = array<i32>} : memref<2x40x768xf32, #tpu.memory_space<vmem>>, vector<1x1x16xf32>,
          %swap3A_1254 = vector.shape_cast %swap3A_1253 : vector<1x1x16xf32> to vector<16xf32>
          %swap3A_1255 = vector.shape_cast %mul3A_1248 : vector<16xf32> to vector<1x1x16xf32>
          tpu.vector_store %arg11[%swap3A_1250, %swap3A_1251, %swap3A_1252], %swap3A_1255 {strides = array<i32>} : memref<2x40x768xf32, #tpu.memory_space<vmem>>, vector<1x1x16xf32>,
          %mul3A_1256 = arith.mulf %get3A_1049, %div3A_1191 : vector<16xf32>
          %swap3A_1257 = arith.constant 1 : i32
          %swap3A_1258 = arith.index_cast %swap3A_1257 : i32 to index
          %swap3A_1259 = arith.index_cast %scan3A_349 : i32 to index
          %swap3A_1260 = arith.constant 640 : index
          %swap3A_1261 = tpu.vector_load %arg11[%swap3A_1258, %swap3A_1259, %swap3A_1260] {strides = array<i32>} : memref<2x40x768xf32, #tpu.memory_space<vmem>>, vector<1x1x16xf32>,
          %swap3A_1262 = vector.shape_cast %swap3A_1261 : vector<1x1x16xf32> to vector<16xf32>
          %swap3A_1263 = vector.shape_cast %mul3A_1256 : vector<16xf32> to vector<1x1x16xf32>
          tpu.vector_store %arg11[%swap3A_1258, %swap3A_1259, %swap3A_1260], %swap3A_1263 {strides = array<i32>} : memref<2x40x768xf32, #tpu.memory_space<vmem>>, vector<1x1x16xf32>,
          %mul3A_1264 = arith.mulf %get3A_1055, %div3A_1191 : vector<16xf32>
          %swap3A_1265 = arith.constant 1 : i32
          %swap3A_1266 = arith.index_cast %swap3A_1265 : i32 to index
          %swap3A_1267 = arith.index_cast %scan3A_349 : i32 to index
          %swap3A_1268 = arith.constant 656 : index
          %swap3A_1269 = tpu.vector_load %arg11[%swap3A_1266, %swap3A_1267, %swap3A_1268] {strides = array<i32>} : memref<2x40x768xf32, #tpu.memory_space<vmem>>, vector<1x1x16xf32>,
          %swap3A_1270 = vector.shape_cast %swap3A_1269 : vector<1x1x16xf32> to vector<16xf32>
          %swap3A_1271 = vector.shape_cast %mul3A_1264 : vector<16xf32> to vector<1x1x16xf32>
          tpu.vector_store %arg11[%swap3A_1266, %swap3A_1267, %swap3A_1268], %swap3A_1271 {strides = array<i32>} : memref<2x40x768xf32, #tpu.memory_space<vmem>>, vector<1x1x16xf32>,
          %mul3A_1272 = arith.mulf %get3A_1061, %div3A_1191 : vector<16xf32>
          %swap3A_1273 = arith.constant 1 : i32
          %swap3A_1274 = arith.index_cast %swap3A_1273 : i32 to index
          %swap3A_1275 = arith.index_cast %scan3A_349 : i32 to index
          %swap3A_1276 = arith.constant 672 : index
          %swap3A_1277 = tpu.vector_load %arg11[%swap3A_1274, %swap3A_1275, %swap3A_1276] {strides = array<i32>} : memref<2x40x768xf32, #tpu.memory_space<vmem>>, vector<1x1x16xf32>,
          %swap3A_1278 = vector.shape_cast %swap3A_1277 : vector<1x1x16xf32> to vector<16xf32>
          %swap3A_1279 = vector.shape_cast %mul3A_1272 : vector<16xf32> to vector<1x1x16xf32>
          tpu.vector_store %arg11[%swap3A_1274, %swap3A_1275, %swap3A_1276], %swap3A_1279 {strides = array<i32>} : memref<2x40x768xf32, #tpu.memory_space<vmem>>, vector<1x1x16xf32>,
          %mul3A_1280 = arith.mulf %get3A_1067, %div3A_1191 : vector<16xf32>
          %swap3A_1281 = arith.constant 1 : i32
          %swap3A_1282 = arith.index_cast %swap3A_1281 : i32 to index
          %swap3A_1283 = arith.index_cast %scan3A_349 : i32 to index
          %swap3A_1284 = arith.constant 688 : index
          %swap3A_1285 = tpu.vector_load %arg11[%swap3A_1282, %swap3A_1283, %swap3A_1284] {strides = array<i32>} : memref<2x40x768xf32, #tpu.memory_space<vmem>>, vector<1x1x16xf32>,
          %swap3A_1286 = vector.shape_cast %swap3A_1285 : vector<1x1x16xf32> to vector<16xf32>
          %swap3A_1287 = vector.shape_cast %mul3A_1280 : vector<16xf32> to vector<1x1x16xf32>
          tpu.vector_store %arg11[%swap3A_1282, %swap3A_1283, %swap3A_1284], %swap3A_1287 {strides = array<i32>} : memref<2x40x768xf32, #tpu.memory_space<vmem>>, vector<1x1x16xf32>,
          %mul3A_1288 = arith.mulf %get3A_1073, %div3A_1191 : vector<16xf32>
          %swap3A_1289 = arith.constant 1 : i32
          %swap3A_1290 = arith.index_cast %swap3A_1289 : i32 to index
          %swap3A_1291 = arith.index_cast %scan3A_349 : i32 to index
          %swap3A_1292 = arith.constant 704 : index
          %swap3A_1293 = tpu.vector_load %arg11[%swap3A_1290, %swap3A_1291, %swap3A_1292] {strides = array<i32>} : memref<2x40x768xf32, #tpu.memory_space<vmem>>, vector<1x1x16xf32>,
          %swap3A_1294 = vector.shape_cast %swap3A_1293 : vector<1x1x16xf32> to vector<16xf32>
          %swap3A_1295 = vector.shape_cast %mul3A_1288 : vector<16xf32> to vector<1x1x16xf32>
          tpu.vector_store %arg11[%swap3A_1290, %swap3A_1291, %swap3A_1292], %swap3A_1295 {strides = array<i32>} : memref<2x40x768xf32, #tpu.memory_space<vmem>>, vector<1x1x16xf32>,
          %mul3A_1296 = arith.mulf %get3A_1079, %div3A_1191 : vector<16xf32>
          %swap3A_1297 = arith.constant 1 : i32
          %swap3A_1298 = arith.index_cast %swap3A_1297 : i32 to index
          %swap3A_1299 = arith.index_cast %scan3A_349 : i32 to index
          %swap3A_1300 = arith.constant 720 : index
          %swap3A_1301 = tpu.vector_load %arg11[%swap3A_1298, %swap3A_1299, %swap3A_1300] {strides = array<i32>} : memref<2x40x768xf32, #tpu.memory_space<vmem>>, vector<1x1x16xf32>,
          %swap3A_1302 = vector.shape_cast %swap3A_1301 : vector<1x1x16xf32> to vector<16xf32>
          %swap3A_1303 = vector.shape_cast %mul3A_1296 : vector<16xf32> to vector<1x1x16xf32>
          tpu.vector_store %arg11[%swap3A_1298, %swap3A_1299, %swap3A_1300], %swap3A_1303 {strides = array<i32>} : memref<2x40x768xf32, #tpu.memory_space<vmem>>, vector<1x1x16xf32>,
          %mul3A_1304 = arith.mulf %get3A_1085, %div3A_1191 : vector<16xf32>
          %swap3A_1305 = arith.constant 1 : i32
          %swap3A_1306 = arith.index_cast %swap3A_1305 : i32 to index
          %swap3A_1307 = arith.index_cast %scan3A_349 : i32 to index
          %swap3A_1308 = arith.constant 736 : index
          %swap3A_1309 = tpu.vector_load %arg11[%swap3A_1306, %swap3A_1307, %swap3A_1308] {strides = array<i32>} : memref<2x40x768xf32, #tpu.memory_space<vmem>>, vector<1x1x16xf32>,
          %swap3A_1310 = vector.shape_cast %swap3A_1309 : vector<1x1x16xf32> to vector<16xf32>
          %swap3A_1311 = vector.shape_cast %mul3A_1304 : vector<16xf32> to vector<1x1x16xf32>
          tpu.vector_store %arg11[%swap3A_1306, %swap3A_1307, %swap3A_1308], %swap3A_1311 {strides = array<i32>} : memref<2x40x768xf32, #tpu.memory_space<vmem>>, vector<1x1x16xf32>,
          %mul3A_1312 = arith.mulf %get3A_1091, %div3A_1191 : vector<16xf32>
          %swap3A_1313 = arith.constant 1 : i32
          %swap3A_1314 = arith.index_cast %swap3A_1313 : i32 to index
          %swap3A_1315 = arith.index_cast %scan3A_349 : i32 to index
          %swap3A_1316 = arith.constant 752 : index
          %swap3A_1317 = tpu.vector_load %arg11[%swap3A_1314, %swap3A_1315, %swap3A_1316] {strides = array<i32>} : memref<2x40x768xf32, #tpu.memory_space<vmem>>, vector<1x1x16xf32>,
          %swap3A_1318 = vector.shape_cast %swap3A_1317 : vector<1x1x16xf32> to vector<16xf32>
          %swap3A_1319 = vector.shape_cast %mul3A_1312 : vector<16xf32> to vector<1x1x16xf32>
          tpu.vector_store %arg11[%swap3A_1314, %swap3A_1315, %swap3A_1316], %swap3A_1319 {strides = array<i32>} : memref<2x40x768xf32, #tpu.memory_space<vmem>>, vector<1x1x16xf32>,
          %scan3A_1320 = arith.constant 0 : i32
          scf.yield %scan3A_1320 : i32
        }
        %scan3A_330 = arith.constant 40 : i32
        %mul3A_331 = arith.constant 32 : i32
        %mul3A_332 = arith.muli %add3A_301, %mul3A_331 : i32
        %add3A_333 = arith.addi %add3A, %mul3A_332 : i32
        %mul3A_334 = arith.constant 40 : i32
        %mul3A_335 = arith.muli %add3A_333, %mul3A_334 : i32
        %dma_start3A_336 = arith.constant 1 : i32
        %dma_start3A_337 = arith.constant 0 : i32
        %dma_start3A_338 = arith.constant 0 : i32
        %dma_start3A_339 = tpu.memref_slice %arg11[%dma_start3A_336, %dma_start3A_337, %dma_start3A_338] : memref<2x40x768xf32, #tpu.memory_space<vmem>> -> memref<1x40x768xf32, #tpu.memory_space<vmem>>
        %dma_start3A_340 = tpu.memref_squeeze %dma_start3A_339 : memref<1x40x768xf32, #tpu.memory_space<vmem>> -> memref<40x768xf32, #tpu.memory_space<vmem>>
        %dma_start3A_341 = arith.constant 0 : i32
        %dma_start3A_342 = tpu.memref_slice %arg6[%mul3A_335, %dma_start3A_341] : memref<100000x768xf32, #tpu.memory_space<hbm>> -> memref<40x768xf32, #tpu.memory_space<hbm>>
        %dma_start3A_343 = arith.constant 0 : i32
        %dma_start3A_344 = tpu.memref_slice %arg6[%mul3A_335, %dma_start3A_343] : memref<100000x768xf32, #tpu.memory_space<hbm>> -> memref<40x768xf32, #tpu.memory_space<hbm>>
        %dma_start3A_345 = arith.constant 0 : i32
        %dma_start3A_346 = arith.constant 0 : i32
        %dma_start3A_347 = tpu.memref_slice %arg11[%dma_start3A_336, %dma_start3A_345, %dma_start3A_346] : memref<2x40x768xf32, #tpu.memory_space<vmem>> -> memref<1x40x768xf32, #tpu.memory_space<vmem>>
        %dma_start3A_348 = tpu.memref_squeeze %dma_start3A_347 : memref<1x40x768xf32, #tpu.memory_space<vmem>> -> memref<40x768xf32, #tpu.memory_space<vmem>>
        tpu.enqueue_dma source(%dma_start3A_348 : memref<40x768xf32, #tpu.memory_space<vmem>>) target(%dma_start3A_344 : memref<40x768xf32, #tpu.memory_space<hbm>>) target_semaphore(%arg15 : memref<!tpu.dma_semaphore, #tpu.memory_space<semaphore_mem>>)
      } else {
      }
      %scan3A_323 = arith.constant 0 : i32
      scf.yield %scan3A_323 : i32
    }
    %scan3A_240 = arith.constant 40 : i32
    %add3A_241 = arith.constant 0 : i32
    %add3A_242 = arith.addi %add3A, %add3A_241 : i32
    %mul3A_243 = arith.constant 40 : i32
    %mul3A_244 = arith.muli %add3A_242, %mul3A_243 : i32
    %dma_wait3A = arith.constant 0 : i32
    %dma_wait3A_245 = arith.constant 0 : i32
    %dma_wait3A_246 = arith.constant 0 : i32
    %dma_wait3A_247 = tpu.memref_slice %arg11[%dma_wait3A, %dma_wait3A_245, %dma_wait3A_246] : memref<2x40x768xf32, #tpu.memory_space<vmem>> -> memref<1x40x768xf32, #tpu.memory_space<vmem>>
    %dma_wait3A_248 = tpu.memref_squeeze %dma_wait3A_247 : memref<1x40x768xf32, #tpu.memory_space<vmem>> -> memref<40x768xf32, #tpu.memory_space<vmem>>
    %dma_wait3A_249 = arith.constant 0 : i32
    %dma_wait3A_250 = tpu.memref_slice %arg6[%mul3A_244, %dma_wait3A_249] : memref<100000x768xf32, #tpu.memory_space<hbm>> -> memref<40x768xf32, #tpu.memory_space<hbm>>
    %dma_wait3A_251 = arith.constant 0 : i32
    %dma_wait3A_252 = tpu.memref_slice %arg6[%mul3A_244, %dma_wait3A_251] : memref<100000x768xf32, #tpu.memory_space<hbm>> -> memref<40x768xf32, #tpu.memory_space<hbm>>
    %dma_wait3A_253 = arith.constant 0 : i32
    %dma_wait3A_254 = arith.constant 0 : i32
    %dma_wait3A_255 = tpu.memref_slice %arg11[%dma_wait3A, %dma_wait3A_253, %dma_wait3A_254] : memref<2x40x768xf32, #tpu.memory_space<vmem>> -> memref<1x40x768xf32, #tpu.memory_space<vmem>>
    %dma_wait3A_256 = tpu.memref_squeeze %dma_wait3A_255 : memref<1x40x768xf32, #tpu.memory_space<vmem>> -> memref<40x768xf32, #tpu.memory_space<vmem>>
    tpu.wait_dma2 semaphore(%arg14 : memref<!tpu.dma_semaphore, #tpu.memory_space<semaphore_mem>>) src(%dma_wait3A_256 : memref<40x768xf32, #tpu.memory_space<vmem>>) dst(%dma_wait3A_252 : memref<40x768xf32, #tpu.memory_space<hbm>>)
    %add3A_257 = arith.constant 0 : i32
    %add3A_258 = arith.addi %add3A, %add3A_257 : i32
    %mul3A_259 = arith.constant 40 : i32
    %mul3A_260 = arith.muli %add3A_258, %mul3A_259 : i32
    %dma_wait3A_261 = arith.constant 1 : i32
    %dma_wait3A_262 = arith.constant 0 : i32
    %dma_wait3A_263 = arith.constant 0 : i32
    %dma_wait3A_264 = tpu.memref_slice %arg11[%dma_wait3A_261, %dma_wait3A_262, %dma_wait3A_263] : memref<2x40x768xf32, #tpu.memory_space<vmem>> -> memref<1x40x768xf32, #tpu.memory_space<vmem>>
    %dma_wait3A_265 = tpu.memref_squeeze %dma_wait3A_264 : memref<1x40x768xf32, #tpu.memory_space<vmem>> -> memref<40x768xf32, #tpu.memory_space<vmem>>
    %dma_wait3A_266 = arith.constant 0 : i32
    %dma_wait3A_267 = tpu.memref_slice %arg6[%mul3A_260, %dma_wait3A_266] : memref<100000x768xf32, #tpu.memory_space<hbm>> -> memref<40x768xf32, #tpu.memory_space<hbm>>
    %dma_wait3A_268 = arith.constant 0 : i32
    %dma_wait3A_269 = tpu.memref_slice %arg6[%mul3A_260, %dma_wait3A_268] : memref<100000x768xf32, #tpu.memory_space<hbm>> -> memref<40x768xf32, #tpu.memory_space<hbm>>
    %dma_wait3A_270 = arith.constant 0 : i32
    %dma_wait3A_271 = arith.constant 0 : i32
    %dma_wait3A_272 = tpu.memref_slice %arg11[%dma_wait3A_261, %dma_wait3A_270, %dma_wait3A_271] : memref<2x40x768xf32, #tpu.memory_space<vmem>> -> memref<1x40x768xf32, #tpu.memory_space<vmem>>
    %dma_wait3A_273 = tpu.memref_squeeze %dma_wait3A_272 : memref<1x40x768xf32, #tpu.memory_space<vmem>> -> memref<40x768xf32, #tpu.memory_space<vmem>>
    tpu.wait_dma2 semaphore(%arg15 : memref<!tpu.dma_semaphore, #tpu.memory_space<semaphore_mem>>) src(%dma_wait3A_273 : memref<40x768xf32, #tpu.memory_space<vmem>>) dst(%dma_wait3A_269 : memref<40x768xf32, #tpu.memory_space<hbm>>)
    return
  }
}

</mosaic_0001>

<sc_bundles>
// kernel: kernel.3.cloned.1.call-start
scs
__scs_entry_jumppad:
0x0: {  	(pc) =	sbr.rel $0x88, $3  }
0x1: {  	(tag) =	ssettag $0x0;
	lr =	simm.s32 $0x1  }
0x2: {  	[smem:$0x3F9D] =	sst lr;
	_ =	strace $0xD0000000  }
0x3: {  	_ = 	snop  }
0x4: {  	_ = 	snop  }
0x5: {  	_ = 	snop  }
0x6: {  	_ = 	snop  }
0x7: {  	_ = 	snop  }
__scs_overlays_trampoline_lowered:
0x8: {  	[smem:$0x3FAC] =	sst s0  }
0x9: {  	[smem:$0x3FAD] =	sst s1  }
0xa: {  	[smem:$0x3FAE] =	sst s2  }
0xb: {  	[smem:$0x3FAF] =	sst s3  }
0xc: {  	[smem:$0x3FB0] =	sst s4  }
0xd: {  	[smem:$0x3FB1] =	sst s5  }
0xe: {  	[smem:$0x3FB2] =	sst s6  }
0xf: {  	[smem:$0x3FB3] =	sst s7  }
0x10: {  	[smem:$0x3FB4] =	sst s8  }
0x11: {  	[smem:$0x3FB5] =	sst s9;
	s0 =	simm.s32 @!p0 $0x0  }
0x12: {  	s1 =	sld [smem:$0x3F9B];
	s0 =	simm.s32 @p0 $0x1  }
0x13: {  	[smem:$0x3FB6] =	sst s0;
	s0 =	simm.s32 @!p1 $0x0  }
0x14: {  	s2 =	sld [smem:$0x3F9A];
	s0 =	simm.s32 @p1 $0x1  }
0x15: {  	[smem:$0x3FB7] =	sst s0;
	s0 =	simm.s32 @!p2 $0x0  }
0x16: {  	s3 =	sld [smem:$0x3FDB];
	s0 =	simm.s32 @p2 $0x1  }
0x17: {  	s4 =	simm.s32 $0x1BF5;
	[smem:$0x3FB9] =	sst s0  }
0x18: {  	s0 =	sld [smem:$0x3F9C];
	_ =	swait.ge [sflag:s4], $0x0  }
0x19: {  	s7 =	sld [smem:$0x3F9D]  }
0x1a: {  	s8 =	sadd.s32 $0xFFFFE003, lr  }
0x1b: {  	s9 =	sadd.s32 $0xFFFFFEF7, lr;
	s5 =	simm.s32 $0xFFFFFFFF;
	p2 =	slt.u32 s8, $0xFFFFF086  }
0x1c: {  	p1 =	slt.u32 s9, $0xF7A;
	s5 =	simm.s32 @!p2 $0x0  }
0x1d: {  	s5 =	simm.s32 @p1 $0x1;
	p0 =	seq.s32 s7, s2  }
0x1e: {  	s7 =	smul.u32 @!p0 $0xF7A, s2;
	p2 =	seq.s32 @!p0 s5, $0x0  }
0x1f: {  	s9 =	smul.u32 $0xF7A, s1;
	s8 =	simm.s32 @!p0 $0x1BF5;
	p2 =	por !p2, p0  }
0x20: {  	[sflag:s8] =	ssyncset.s32 @!p0 $0xFFFFF086;
	s6 =	sadd.s32 @!p0 s3, s7;
	s7 =	simm.s32 @!p0 $0x108  }
0x21: {  	s3 =	sadd.s32 s3, s9;
	s6 =	sadd.s32 @!p0 $0x88, s6;
	s7 =	simm.s32 @p2 $0x1082  }
0x22: {  	[simem:s7], [sflag:s8] =	dma.local @!p0 [hbm:s6], $0xF7A  }
0x23: {  	s9 =	sor.u32 $0xD0000000, s2;
	s6 =	simm.s32 $0x108;
	_ =	swait.ge @!p0 [sflag:s8], $0x0  }
0x24: {  	s3 =	sadd.s32 $0x88, s3;
	s6 =	simm.s32 @!p1 $0x1082;
	[sflag:s4] =	ssyncset.s32 $0xFFFFF086  }
0x25: {  	[simem:s6], [sflag:s4] =	dma.local [hbm:s3], $0xF7A  }
0x26: {  	[smem:$0x3F9D] =	sst s1;
	(tag) =	ssettag s2;
	_ =	strace s9  }
0x27: {  	s1 =	sld [smem:$0x3FAD]  }
0x28: {  	s2 =	sld [smem:$0x3FAE]  }
0x29: {  	s4 =	sld [smem:$0x3FB0]  }
0x2a: {  	p0 =	seq.s32 s5, $0x0;
	s5 =	sld [smem:$0x3FB1]  }
0x2b: {  	s6 =	sld [smem:$0x3FB2]  }
0x2c: {  	s7 =	sld [smem:$0x3FB3]  }
0x2d: {  	s3 =	simm.s32 $0x108;
	s8 =	sld [smem:$0x3FB4]  }
0x2e: {  	s3 =	simm.s32 @!p0 $0x1082;
	s9 =	sld [smem:$0x3FB5]  }
0x2f: {  	lr =	sadd.s32 s0, s3;
	s0 =	sld [smem:$0x3FAC]  }
0x30: {  	s3 =	sld [smem:$0x3FAF]  }
0x31: {  	[smem:$0x3FB8] =	sst s10  }
0x32: {  	s10 =	sld [smem:$0x3FB6];
	_ =	sdelay $0x3  }
0x33: {  	p0 =	seq.s32 s10, $0x1;
	s10 =	sld [smem:$0x3FB8];
	_ =	sdelay $0x3  }
0x34: {  	[smem:$0x3FB8] =	sst s10  }
0x35: {  	s10 =	sld [smem:$0x3FB7];
	_ =	sdelay $0x3  }
0x36: {  	p1 =	seq.s32 s10, $0x1;
	s10 =	sld [smem:$0x3FB8];
	_ =	sdelay $0x3  }
0x37: {  	[smem:$0x3FB8] =	sst s10  }
0x38: {  	s10 =	sld [smem:$0x3FB9]  }
0x39: {  	_ = 	snop;
	(pc) =	sbr.ind lr, $3  }
0x3a: {  	_ = 	snop  }
0x3b: {  	_ = 	snop  }
0x3c: {  	p2 =	seq.s32 s10, $0x1;
	s10 =	sld [smem:$0x3FB8]  }
0x3d: {  	_ =	shalt  }
0x3e: {  	_ =	shalt  }
0x3f: {  	_ =	shalt  }
0x40: {  	_ =	shalt  }
0x41: {  	_ =	shalt  }
0x42: {  	_ =	shalt  }
0x43: {  	_ =	shalt  }
0x44: {  	_ =	shalt  }
0x45: {  	_ =	shalt  }
0x46: {  	_ =	shalt  }
0x47: {  	_ =	shalt  }
0x48: {  	_ =	shalt  }
0x49: {  	_ =	shalt  }
0x4a: {  	_ =	shalt  }
0x4b: {  	_ =	shalt  }
0x4c: {  	_ =	shalt  }
0x4d: {  	_ =	shalt  }
0x4e: {  	_ =	shalt  }
0x4f: {  	_ =	shalt  }
0x50: {  	_ =	shalt  }
0x51: {  	_ =	shalt  }
0x52: {  	_ =	shalt  }
0x53: {  	_ =	shalt  }
0x54: {  	_ =	shalt  }
0x55: {  	_ =	shalt  }
0x56: {  	_ =	shalt  }
0x57: {  	_ =	shalt  }
0x58: {  	_ =	shalt  }
0x59: {  	_ =	shalt  }
0x5a: {  	_ =	shalt  }
0x5b: {  	_ =	shalt  }
0x5c: {  	_ =	shalt  }
0x5d: {  	_ =	shalt  }
0x5e: {  	_ =	shalt  }
0x5f: {  	_ =	shalt  }
0x60: {  	_ =	shalt  }
0x61: {  	_ =	shalt  }
0x62: {  	_ =	shalt  }
0x63: {  	_ =	shalt  }
0x64: {  	_ =	shalt  }
0x65: {  	_ =	shalt  }
0x66: {  	_ =	shalt  }
0x67: {  	_ =	shalt  }
0x68: {  	_ =	shalt  }
0x69: {  	_ =	shalt  }
0x6a: {  	_ =	shalt  }
0x6b: {  	_ =	shalt  }
0x6c: {  	_ =	shalt  }
0x6d: {  	_ =	shalt  }
0x6e: {  	_ =	shalt  }
0x6f: {  	_ =	shalt  }
0x70: {  	_ =	shalt  }
0x71: {  	_ =	shalt  }
0x72: {  	_ =	shalt  }
0x73: {  	_ =	shalt  }
0x74: {  	_ =	shalt  }
0x75: {  	_ =	shalt  }
0x76: {  	_ =	shalt  }
0x77: {  	_ =	shalt  }
0x78: {  	_ =	shalt  }
0x79: {  	_ =	shalt  }
0x7a: {  	_ =	shalt  }
0x7b: {  	_ =	shalt  }
0x7c: {  	_ =	shalt  }
0x7d: {  	_ =	shalt  }
0x7e: {  	_ =	shalt  }
0x7f: {  	_ =	shalt  }
0x80: {  	_ =	shalt  }
0x81: {  	_ =	shalt  }
0x82: {  	_ =	shalt  }
0x83: {  	_ =	shalt  }
0x84: {  	_ =	shalt  }
0x85: {  	_ =	shalt  }
0x86: {  	_ =	shalt  }
0x87: {  	_ =	shalt  }
.Lfunc_end0:
.L_simem_size_0:
called_computation_lowered:
.L_overlay_start_0:
0x88: {  	s2 =	sld [smem:$0x3FD9]  }
0x89: {  	s3 =	sld [smem:$0x3FFE];
	_ =	sdelay $0x1  }
0x8a: {  	s1 =	srdreg.scid  }
0x8b: {  	s0 =	sand.u32 $0x1, s1  }
0x8c: {  	s17 =	sshll.u32 s0, $0xA;
	s2 =	sadd.s32 s3, s2  }
0x8d: {  	s2 =	sadd.s32 s2, s17  }
0x8e: {  	[smem:$0x3FC4] =	sst s2  }
0x8f: {  	_ = 	snop  }
0x90: {  	s2 =	sld [smem:$0x3FC9]  }
0x91: {  	s18 =	sld [smem:$0x3FC8]  }
0x92: {  	s4 =	sld [smem:$0x3FC7]  }
0x93: {  	s5 =	sld [smem:$0x3FD0];
	(tm) =	ssettm $0x1  }
0x94: {  	s6 =	sld [smem:$0x3FFB];
	_ =	sdelay $0x3  }
0x95: {  	_ =	strace s6  }
0x96: {  	s6 =	sld [smem:$0x3FFC];
	_ =	sdelay $0x3  }
0x97: {  	_ =	strace s6  }
0x98: {  	s6 =	sld [smem:$0x3FFD];
	_ =	sdelay $0x3  }
0x99: {  	_ =	strace s6  }
0x9a: {  	_ =	strace $0x8FFFFFFF  }
0x9b: {  	s19 =	sld [smem:$0x3FDB];
	_ =	sdelay $0x1  }
0x9c: {  	s7 =	simm.s32 $_scs_section_size  }
0x9d: {  	s8 =	simm.s32 $_size__tile_overlayer_lowered;
	s9 =	simm.s32 $_tile_overlayer_lowered  }
0x9e: {  	s22 =	simm.s32 $0x1BFF;
	s21 =	sshll.u32 s9, $0x1;
	s6 =	sadd.s32 s7, s19  }
0x9f: {  	s10 =	simm.s32 $0x0;
	s20 =	sshll.u32 s8, $0x1;
	s8 =	sadd.s32 s21, s6  }
0xa0: {  	[timem:s10], [sflag:s22] =	dma.local [hbm:s8], s20  }
0xa1: {  	_ =	swait.ge [sflag:s22], s20  }
0xa2: {  	s7 =	ssub.s32 $0x0, s20;
	[sflag:s22] =	ssyncset.done $0x0  }
0xa3: {  	[sflag:s22] =	ssyncadd.s32 s7;
	_ =	sdelay $0x1  }
0xa4: {  	s23 =	simm.s32 $0x1B8B  }
0xa5: {  	_ =	swait.ge [sflag:s23], $0x1  }
0xa6: {  	[sflag:s23] =	ssyncset.done $0x0  }
0xa7: {  	s25 =	simm.s32 $0x1B8E;
	s24 =	sld [smem:$0x3FFE];
	[sflag:s23] =	ssyncadd.s32 $0xFFFFFFFF  }
0xa8: {  	s26 =	simm.s32 $execute0_lowered;
	[smem:$0x3FD2] =	sst s25  }
0xa9: {  	s8 =	sshll.u32 s26, $0x1;
	_ =	strace $0x80000046;
	[dreg:$0x1] =	wrdreg $0xFFFFFFFF  }
0xaa: {  	s28 =	simm.s32 $_size_execute0_lowered;
	s6 =	sadd.s32 s6, s8;
	[dreg:$0x0] =	wrdreg $0x0  }
0xab: {  	s8 =	sshll.u32 s28, $0x1;
	[dreg:$0x2] =	wrdreg s6  }
0xac: {  	[dreg:$0x3] =	wrdreg s8  }
0xad: {  	[dreg:$0x4] =	wrdreg $0xC0  }
0xae: {  	_ =	task [dreg:s10], $0x5FFFF  }
0xaf: {  	[dreg:$0x1] =	wrdreg $0xFFFFFFFF  }
0xb0: {  	[dreg:$0x0] =	wrdreg $0x60  }
0xb1: {  	[dreg:$0x2] =	wrdreg s24  }
0xb2: {  	[dreg:$0x3] =	wrdreg s2  }
0xb3: {  	[dreg:$0x4] =	wrdreg s18  }
0xb4: {  	[dreg:$0x5] =	wrdreg s4  }
0xb5: {  	[dreg:$0x6] =	wrdreg s5  }
0xb6: {  	[dreg:$0x7] =	wrdreg $0x9  }
0xb7: {  	_ =	task.clear_ibuf [dreg:s10], $0x8FFFF;
	_ =	strace $0x90000046  }
0xb8: {  	s29 =	simm.s32 $0x9;
	_ =	strace $0x80000048  }
0xb9: {  	_ =	swait.ge [sflag:s29], $0x1  }
0xba: {  	[sflag:s29] =	ssyncadd.s32 $0xFFFFFFFF  }
0xbb: {  	_ =	strace $0x90000048  }
0xbc: {  	_ =	sfence  }
0xbd: {  	s30 =	sld [smem:$0x0];
	_ =	sdelay $0x2  }
0xbe: {  	s31 =	sshll.u32 s1, $0xD;
	s1 =	sshrl.u32 s1, $0x2  }
0xbf: {  	s3 =	sand.u32 $0x4000, s31;
	s1 =	sadd.s32 s1, s30  }
0xc0: {  	s0 =	sor.u32 s3, s0;
	s1 =	sshll.u32 s1, $0x11  }
0xc1: {  	s0 =	sor.u32 s1, s0  }
0xc2: {  	s0 =	sadd.s32 $0x8F2B, s0  }
0xc3: {  	[sflag:s0] =	ssyncadd.remote.s32 $0x1  }
0xc4: {  	_ =	sfence.sel $0xFFFF  }
0xc5: {  	[dreg:$0x0] =	wrdreg $0xFFFFFFFF;
	(pc) =	sbr.abs _section_cstart, $3  }
0xc6: {  	[dreg:$0x1] =	wrdreg $0xFFFFFFFF  }
0xc7: {  	_ =	task.clear_ibuf [dreg:s10], $0x2FFFF;
	_ =	strace $0x9FFFFFFF  }
0xc8: {  	(tm) =	ssettm $0x7FFFFFFF  }
0xc9: {  	_ =	shalt  }
tec
execute0_lowered:
.L_overlay_start_1:
0x0: {  	(tag) =	ssettag $0x1  }
0x1: {  	s8 =	rddreg [dreg:$0x0]  }
0x2: {  	s0 =	rddreg [dreg:$0x1]  }
0x3: {  	s1 =	rddreg [dreg:$0x2]  }
0x4: {  	s3 =	rddreg [dreg:$0x3]  }
0x5: {  	v0 =	vimm.s32 $0xFEDCBA98;
	v1 =	vimm.s32 $0x76543210;
	s4 =	rddreg [dreg:$0x4];
	v2 =	vimm.s32 $0xBA98FEDC  }
0x6: {  	s2 =	rddreg [dreg:$0x5];
	v3 =	vimm.s32 $0x32107654;
	v4 =	vimm.s32 $0xDCFE98BA;
	v5 =	vimm.s32 $0x54761032  }
0x7: {  	s7 =	srdreg.scid;
	s5 =	stileid.u32;
	v6 =	vimm.s32 $0xEFCDAB89;
	v7 =	vimm.s32 $0x67452301;
	vm0 =	vmmov $0x7  }
0x8: {  	s6 =	simm.s32 $0x0;
	s14 =	simm.s32 $0x5;
	s15 =	simm.s32 $0x80;
	v0 =	vunpack.c.l.s4.s8 v0;
	v1 =	vunpack.c.l.s4.s8 v1;
	v2 =	vunpack.c.l.s4.s8 v2  }
0x9: {  	s16 =	simm.s32 $0x5080;
	s17 =	simm.s32 $0xA080;
	s18 =	simm.s32 $0xF080;
	v3 =	vunpack.c.l.s4.s8 v3;
	v4 =	vunpack.c.l.s4.s8 v4;
	v5 =	vunpack.c.l.s4.s8 v5  }
0xa: {  	s19 =	simm.s32 $0x16880;
	s20 =	simm.s32 $0x3;
	s21 =	simm.s32 $0x4;
	v6 =	vunpack.c.l.s4.s8 v6;
	v7 =	vunpack.c.l.s4.s8 v7;
	v0 =	vunpack.c.0.s8.s32 v0  }
0xb: {  	s22 =	simm.s32 $0x0;
	s9 =	sand.u32 $0x1, s7;
	s31 =	sshll.u32 s5, $0x1;
	v2 =	vunpack.c.0.s8.s32 v2;
	v3 =	vunpack.c.0.s8.s32 v3;
	v4 =	vunpack.c.0.s8.s32 v4  }
.Ltmp0:
0xc: {  	[smem:$0x7FF] =	sst s6;
	s7 =	sor.u32 s9, s31;
	v5 =	vunpack.c.0.s8.s32 v5;
	v6 =	vunpack.c.0.s8.s32 v6;
	v7 =	vunpack.c.0.s8.s32 v7;
	(pc) =	sbr.rel .LBB2_1-.Ltmp0, $4  }
0xd: {  	vm1 =	vmmov $0x1;
	s8 =	sadd.s32 $0x400, s8;
	s9 =	ssub.s32 $0x2, s9;
	s12 =	smul.u32 $0x500, s7;
	v1 =	vunpack.c.0.s8.s32 v1;
	v2 =	vcombine.low v3, v2  }
0xe: {  	_ =	strace $0x80000047;
	s10 =	sshrl.u32 s9, $0x1;
	s11 =	ssub.s32 $0x9E3, s7;
	v3 =	vcombine.low v5, v4;
	v4 =	vcombine.low v7, v6;
	v0 =	vand.u32 $0xF, v0  }
0xf: {  	vm2 =	vcmask $0x308;
	vm3 =	vcmask $0x70C;
	s13 =	ssub.s32 s9, s10;
	s9 =	sshrl.u32 s11, $0x5;
	s10 =	sadd.s32 s0, s12;
	v0 =	vcombine.low v0, v1  }
0x10: {  	s11 =	sadd.s32 s1, s12;
	s12 =	sadd.s32 s3, s12;
	s13 =	smax.u32 s13, $0x1;
	v1 =	vand.u32 $0xF, v2;
	v2 =	vand.u32 $0xF, v3;
	v3 =	vand.u32 $0xF, v4  }
.LBB2_9:
0x11: {  	s22 =	sadd.s32 $0x1, s22  }
0x12: {  	_ =	swait.ge [sflag:s20], $0x7800;
	p0 =	sne.s32 s22, s13  }
.Ltmp1:
0x13: {  	[sflag:s20] =	ssyncset.done $0x0;
	(pc) =	sbr.rel @!p0 .LBB2_10-.Ltmp1, $4  }
0x14: {  	[sflag:s20] =	ssyncadd.s32 $0xFFFF8800  }
0x15: {  	_ =	swait.ge [sflag:s21], $0x7800  }
0x16: {  	[sflag:s21] =	ssyncset.done $0x0  }
0x17: {  	[sflag:s21] =	ssyncadd.s32 $0xFFFF8800  }
.LBB2_1:
0x18: {  	[tilespmem:s6], [sflag:$0x5] =	stream.linear.gather [hbm4b:s8+s6], $0x80, $0x38;
	[tilespmem:$0x1E080] =	vst v63  }
0x19: {  	_ =	swait.ge [sflag:s14], $0x80  }
0x1a: {  	[sflag:s14] =	ssyncset.done $0x0  }
0x1b: {  	[sflag:s14] =	ssyncadd.s32 $0xFFFFFF80  }
0x1c: {  	v4 =	vld [tilespmem:$0x0];
	_ =	sdelay $0x4  }
0x1d: {  	v4 =	vnsel vm0, $0xF149F2CA, v4  }
0x1e: {  	v5 =	vperm.xlane v4, v0;
	_ =	sdelay $0x1  }
0x1f: {  	v5 =	vmax.f32 v4, v5  }
0x20: {  	v6 =	vperm.xlane v5, v1;
	_ =	sdelay $0x1  }
0x21: {  	v5 =	vmax.f32 v5, v6  }
0x22: {  	v6 =	vperm.xlane v5, v2;
	_ =	sdelay $0x1  }
0x23: {  	v5 =	vmax.f32 v5, v6  }
0x24: {  	v6 =	vperm.xlane v5, v3;
	_ =	sdelay $0x1  }
0x25: {  	v5 =	vmax.f32 v5, v6  }
0x26: {  	v4 =	vsub.f32 v4, v5;
	_ =	sdelay $0x1  }
0x27: {  	v4 =	vmul.f32 $1.442695020e+00, v4;
	_ =	sdelay $0x1  }
0x28: {  	(erf) = vpow2.f32 v4;
	_ =	sdelay $0x8  }
0x29: {  	v4 =	vpop (erf)  }
0x2a: {  	v4 =	vnsel vm0, $0x0, v4  }
0x2b: {  	v5 =	vperm.xlane v4, v0;
	_ =	sdelay $0x1  }
0x2c: {  	v5 =	vadd.f32 v4, v5;
	_ =	sdelay $0x1  }
0x2d: {  	v6 =	vperm.xlane v5, v1;
	_ =	sdelay $0x1  }
0x2e: {  	v5 =	vadd.f32 v5, v6;
	_ =	sdelay $0x1  }
0x2f: {  	v6 =	vperm.xlane v5, v2;
	_ =	sdelay $0x1  }
0x30: {  	v5 =	vadd.f32 v5, v6;
	_ =	sdelay $0x1  }
0x31: {  	v6 =	vperm.xlane v5, v3;
	_ =	sdelay $0x1  }
0x32: {  	v5 =	vadd.f32 v5, v6;
	_ =	sdelay $0x1  }
0x33: {  	(erf) = vrcp.f32 v5;
	_ =	sdelay $0x8  }
0x34: {  	v5 =	vpop (erf)  }
0x35: {  	v4 =	vmul.f32 v5, v4;
	_ =	sdelay $0x1  }
0x36: {  	v5 =	vnsel vm1, $0x0, v4  }
0x37: {  	v7 =	vsel vm2, $0x0, v4;
	v4 =	vsel vm3, $0x0, v4;
	v6 =	vperm.xlane v5, v0  }
0x38: {  	v8 =	vperm.xlane v7, v0;
	v9 =	vperm.xlane v4, v0  }
0x39: {  	v5 =	vadd.f32 v5, v6  }
0x3a: {  	v6 =	vadd.f32 v7, v8;
	v4 =	vadd.f32 v9, v4  }
0x3b: {  	v7 =	vperm.xlane v5, v1  }
0x3c: {  	v8 =	vperm.xlane v6, v1;
	v9 =	vperm.xlane v4, v1  }
0x3d: {  	v5 =	vadd.f32 v5, v7  }
0x3e: {  	v6 =	vadd.f32 v6, v8;
	v4 =	vadd.f32 v9, v4  }
0x3f: {  	v7 =	vperm.xlane v5, v2  }
0x40: {  	v8 =	vperm.xlane v6, v2;
	v9 =	vperm.xlane v4, v2  }
0x41: {  	[tilespmem:s15], [sflag:$0x1] =	stream.linear.gather [hbm4b:s10+s6], $0x2800, $0x38;
	v5 =	vadd.f32 v5, v7;
	[tilespmem:$0x1E080] =	vst v63  }
.Ltmp2:
0x42: {  	v6 =	vadd.f32 v6, v8;
	v7 =	vadd.f32 v9, v4;
	(pc) =	sbr.rel .LBB2_2-.Ltmp2, $4  }
0x43: {  	v4 =	vperm.xlane v5, v3  }
0x44: {  	[tilespmem:s16], [sflag:$0x1] =	stream.linear.gather [hbm4b:s11+s6], $0x2800, $0x38;
	v8 =	vperm.xlane v6, v3;
	v9 =	vperm.xlane v7, v3;
	[tilespmem:$0x1E080] =	vst v63  }
0x45: {  	s23 =	simm.s32 $0x0;
	v4 =	vadd.f32 v5, v4  }
0x46: {  	[tilespmem:s17], [sflag:$0x1] =	stream.linear.gather [hbm4b:s12+s6], $0x2800, $0x38;
	v5 =	vadd.f32 v6, v8;
	v6 =	vadd.f32 v9, v7;
	[tilespmem:$0x1E080] =	vst v63  }
.LBB2_8:
0x47: {  	s23 =	sadd.s32 $0x1, s23  }
0x48: {  	p0 =	sne.s32 s23, $0x28  }
.Ltmp3:
0x49: {  	_ = 	snop;
	(pc) =	sbr.rel @!p0 .LBB2_9-.Ltmp3, $1  }
0x4a: {  	_ =	sdelay $0x3  }
.LBB2_2:
0x4b: {  	s25 =	sshll.u32 s23, $0x1  }
0x4c: {  	p2 =	sge.u32 s25, s9  }
0x4d: {  	s26 =	simm.s32 @!p2 $0x1  }
0x4e: {  	_ =	swait.ge @!p2 [sflag:s26], $0x2800  }
0x4f: {  	[sflag:s26] =	ssyncset.done @!p2 $0x0  }
0x50: {  	s24 =	sor.u32 $0x1, s25;
	[sflag:s26] =	ssyncadd.s32 @!p2 $0xFFFFD800  }
0x51: {  	p0 =	sge.u32 s24, s9;
	_ =	swait.ge @!p2 [sflag:s26], $0x2800  }
0x52: {  	s28 =	sshll.u32 @!p0 s24, $0x5;
	[sflag:s26] =	ssyncset.done @!p2 $0x0  }
0x53: {  	s28 =	sor.u32 @!p0 s7, s28;
	[sflag:s26] =	ssyncadd.s32 @!p2 $0xFFFFD800  }
0x54: {  	s28 =	smul.u32 @!p0 $0x500, s28;
	_ =	swait.ge @!p2 [sflag:s26], $0x2800  }
0x55: {  	s29 =	simm.s32 @!p0 $0x0;
	[sflag:s26] =	ssyncset.done @!p2 $0x0  }
0x56: {  	s30 =	simm.s32 @!p0 $0x2880;
	[sflag:s26] =	ssyncadd.s32 @!p2 $0xFFFFD800;
	s26 =	sadd.s32 @!p0 s0, s28  }
0x57: {  	[tilespmem:s30], [sflag:$0x2] =	stream.linear.gather @!p0 [hbm4b:s26+s29], $0x2800, $0x38;
	[tilespmem:$0x1E080] =	vst v63  }
0x58: {  	p1 =	seq.s32 s23, $0x0;
	s26 =	sadd.s32 @!p0 s1, s28;
	s30 =	simm.s32 @!p0 $0x7880  }
0x59: {  	[tilespmem:s30], [sflag:$0x2] =	stream.linear.gather @!p0 [hbm4b:s26+s29], $0x2800, $0x38;
	[tilespmem:$0x1E080] =	vst v63  }
0x5a: {  	p3 =	sge.u32 @!p1 s25, s9;
	s26 =	sadd.s32 @!p0 s3, s28;
	s28 =	simm.s32 @!p0 $0xC880  }
0x5b: {  	[tilespmem:s28], [sflag:$0x2] =	stream.linear.gather @!p0 [hbm4b:s26+s29], $0x2800, $0x38;
	[tilespmem:$0x1E080] =	vst v63  }
.Ltmp4:
0x5c: {  	p3 =	por p3, p1;
	(pc) =	sbr.rel @p2 .LBB2_5-.Ltmp4, $4  }
0x5d: {  	s26 =	simm.s32 @!p3 $0x3  }
0x5e: {  	_ =	swait.ge @!p3 [sflag:s26], $0x7800  }
0x5f: {  	[sflag:s26] =	ssyncset.done @!p3 $0x0  }
0x60: {  	s28 =	simm.s32 $0x0;
	[sflag:s26] =	ssyncadd.s32 @!p3 $0xFFFF8800;
	s26 =	simm.s32 $0x0  }
.LBB2_3:
0x61: {  	s31 =	sshrl.u32 s28, $0x3  }
0x62: {  	s30 =	sand.u32 $0x380, s26;
	s29 =	sshll.u32 s31, $0xB  }
0x63: {  	s29 =	sor.u32 s30, s29  }
0x64: {  	v7 =	vld [tilespmem:s29+$0x80]  }
0x65: {  	v8 =	vld [tilespmem:s29+$0x90];
	_ =	sdelay $0x1  }
0x66: {  	v9 =	vld [tilespmem:s29+$0xA0];
	_ =	sdelay $0x1  }
0x67: {  	v10 =	vld [tilespmem:s29+$0xB0]  }
0x68: {  	v11 =	vmul.f32 v7, v7;
	v12 =	vmul.f32 v8, v8  }
0x69: {  	v13 =	vld [tilespmem:s29+$0xC0]  }
0x6a: {  	v23 =	vmul.f32 v9, v9;
	v11 =	vadd.f32 v12, v11  }
0x6b: {  	v14 =	vld [tilespmem:s29+$0xD0]  }
0x6c: {  	v24 =	vmul.f32 v10, v10;
	v11 =	vadd.f32 v23, v11  }
0x6d: {  	v15 =	vld [tilespmem:s29+$0xE0]  }
0x6e: {  	v25 =	vmul.f32 v13, v13;
	v11 =	vadd.f32 v24, v11  }
0x6f: {  	v16 =	vld [tilespmem:s29+$0xF0]  }
0x70: {  	v26 =	vmul.f32 v14, v14;
	v11 =	vadd.f32 v25, v11  }
0x71: {  	v17 =	vld [tilespmem:s29+$0x480]  }
0x72: {  	v27 =	vmul.f32 v15, v15;
	v11 =	vadd.f32 v26, v11  }
0x73: {  	v18 =	vld [tilespmem:s29+$0x490]  }
0x74: {  	v28 =	vmul.f32 v16, v16;
	v11 =	vadd.f32 v27, v11  }
0x75: {  	v19 =	vld [tilespmem:s29+$0x4A0]  }
0x76: {  	v29 =	vmul.f32 v17, v17;
	v11 =	vadd.f32 v28, v11  }
0x77: {  	v20 =	vld [tilespmem:s29+$0x4B0]  }
0x78: {  	v30 =	vmul.f32 v18, v18;
	v11 =	vadd.f32 v29, v11  }
0x79: {  	v21 =	vld [tilespmem:s29+$0x4C0]  }
0x7a: {  	v31 =	vmul.f32 v19, v19;
	v11 =	vadd.f32 v30, v11  }
0x7b: {  	v22 =	vld [tilespmem:s29+$0x4D0]  }
0x7c: {  	v32 =	vmul.f32 v20, v20;
	v11 =	vadd.f32 v31, v11  }
0x7d: {  	v23 =	vld [tilespmem:s29+$0x4E0]  }
0x7e: {  	v33 =	vmul.f32 v21, v21;
	v11 =	vadd.f32 v32, v11  }
0x7f: {  	v24 =	vld [tilespmem:s29+$0x4F0]  }
0x80: {  	v34 =	vmul.f32 v22, v22;
	v11 =	vadd.f32 v33, v11;
	_ =	sdelay $0x1  }
0x81: {  	v35 =	vmul.f32 v23, v23;
	v11 =	vadd.f32 v34, v11;
	_ =	sdelay $0x1  }
0x82: {  	v36 =	vmul.f32 v24, v24;
	v11 =	vadd.f32 v35, v11;
	_ =	sdelay $0x1  }
0x83: {  	v11 =	vadd.f32 v36, v11;
	_ =	sdelay $0x1  }
0x84: {  	v12 =	vperm.xlane v11, v0;
	_ =	sdelay $0x1  }
0x85: {  	v11 =	vadd.f32 v11, v12;
	_ =	sdelay $0x1  }
0x86: {  	v12 =	vperm.xlane v11, v1;
	_ =	sdelay $0x1  }
0x87: {  	v11 =	vadd.f32 v11, v12;
	_ =	sdelay $0x1  }
0x88: {  	v12 =	vperm.xlane v11, v2;
	_ =	sdelay $0x1  }
0x89: {  	v11 =	vadd.f32 v11, v12;
	_ =	sdelay $0x1  }
0x8a: {  	v12 =	vperm.xlane v11, v3;
	_ =	sdelay $0x1  }
0x8b: {  	v11 =	vadd.f32 v11, v12;
	_ =	sdelay $0x1  }
0x8c: {  	v12 =	vshra.s32 v11, $0x1;
	v25 =	vmul.f32 $5.000000000e-01, v11  }
0x8d: {  	v12 =	vsub.s32 $0x5F3759DF, v12  }
0x8e: {  	v26 =	vmul.f32 v12, v25;
	_ =	sdelay $0x1  }
0x8f: {  	v26 =	vmul.f32 v12, v26;
	_ =	sdelay $0x1  }
0x90: {  	v26 =	vsub.f32 $1.500000000e+00, v26;
	_ =	sdelay $0x1  }
0x91: {  	v12 =	vmul.f32 v12, v26;
	_ =	sdelay $0x1  }
0x92: {  	v26 =	vmul.f32 v12, v25;
	_ =	sdelay $0x1  }
0x93: {  	v26 =	vmul.f32 v26, v12;
	_ =	sdelay $0x1  }
0x94: {  	v26 =	vsub.f32 $1.500000000e+00, v26;
	_ =	sdelay $0x1  }
0x95: {  	v12 =	vmul.f32 v26, v12;
	_ =	sdelay $0x1  }
0x96: {  	v25 =	vmul.f32 v12, v25;
	_ =	sdelay $0x1  }
0x97: {  	v25 =	vmul.f32 v25, v12;
	_ =	sdelay $0x1  }
0x98: {  	v25 =	vsub.f32 $1.500000000e+00, v25;
	_ =	sdelay $0x1  }
0x99: {  	v12 =	vmul.f32 v25, v12;
	_ =	sdelay $0x1  }
0x9a: {  	v11 =	vmul.f32 v12, v11;
	_ =	sdelay $0x1  }
0x9b: {  	v11 =	vmax.f32 v11, $9.999999960e-13  }
0x9c: {  	(erf) = vrcp.f32 v11;
	_ =	sdelay $0x8  }
0x9d: {  	v11 =	vpop (erf)  }
0x9e: {  	s31 =	smul.u32 $0x6000, s31;
	v11 =	vmul.f32 v11, v4;
	_ =	sdelay $0x1  }
0x9f: {  	s31 =	sshra.s32 s31, $0x2;
	v7 =	vmul.f32 v11, v7  }
0xa0: {  	s30 =	sor.u32 s30, s31;
	v8 =	vmul.f32 v11, v8  }
0xa1: {  	[tilespmem:s30+$0xF080] =	vst v7;
	v7 =	vmul.f32 v11, v9  }
0xa2: {  	[tilespmem:s30+$0xF090] =	vst v8;
	v8 =	vmul.f32 v11, v10  }
0xa3: {  	[tilespmem:s30+$0xF0A0] =	vst v7;
	v7 =	vmul.f32 v11, v13  }
0xa4: {  	[tilespmem:s30+$0xF0B0] =	vst v8;
	v8 =	vmul.f32 v11, v14  }
0xa5: {  	[tilespmem:s30+$0xF0C0] =	vst v7;
	v7 =	vmul.f32 v11, v15  }
0xa6: {  	[tilespmem:s30+$0xF0D0] =	vst v8;
	v8 =	vmul.f32 v11, v16  }
0xa7: {  	[tilespmem:s30+$0xF0E0] =	vst v7;
	v7 =	vmul.f32 v11, v17  }
0xa8: {  	[tilespmem:s30+$0xF0F0] =	vst v8;
	v8 =	vmul.f32 v11, v18  }
0xa9: {  	[tilespmem:s30+$0xF480] =	vst v7;
	v7 =	vmul.f32 v11, v19  }
0xaa: {  	[tilespmem:s30+$0xF490] =	vst v8;
	v8 =	vmul.f32 v11, v20  }
0xab: {  	[tilespmem:s30+$0xF4A0] =	vst v7;
	v7 =	vmul.f32 v11, v21  }
0xac: {  	[tilespmem:s30+$0xF4B0] =	vst v8;
	v8 =	vmul.f32 v11, v22  }
0xad: {  	[tilespmem:s30+$0xF4C0] =	vst v7;
	v7 =	vmul.f32 v11, v23  }
0xae: {  	[tilespmem:s30+$0xF4D0] =	vst v8;
	v8 =	vmul.f32 v11, v24  }
0xaf: {  	[tilespmem:s30+$0xF4E0] =	vst v7  }
0xb0: {  	[tilespmem:s30+$0xF4F0] =	vst v8  }
0xb1: {  	v7 =	vld [tilespmem:s29+$0x5080]  }
0xb2: {  	v8 =	vld [tilespmem:s29+$0x5090];
	_ =	sdelay $0x1  }
0xb3: {  	v37 =	vld [tilespmem:s29+$0x50A0];
	_ =	sdelay $0x1  }
0xb4: {  	v38 =	vld [tilespmem:s29+$0x50B0]  }
0xb5: {  	v39 =	vmul.f32 v7, v7;
	v40 =	vmul.f32 v8, v8  }
0xb6: {  	v41 =	vld [tilespmem:s29+$0x50C0]  }
0xb7: {  	v42 =	vmul.f32 v37, v37;
	v11 =	vadd.f32 v40, v39  }
0xb8: {  	v43 =	vld [tilespmem:s29+$0x50D0]  }
0xb9: {  	v44 =	vmul.f32 v38, v38;
	v11 =	vadd.f32 v42, v11  }
0xba: {  	v45 =	vld [tilespmem:s29+$0x50E0]  }
0xbb: {  	v46 =	vmul.f32 v41, v41;
	v11 =	vadd.f32 v44, v11  }
0xbc: {  	v47 =	vld [tilespmem:s29+$0x50F0]  }
0xbd: {  	v48 =	vmul.f32 v43, v43;
	v11 =	vadd.f32 v46, v11  }
0xbe: {  	v49 =	vld [tilespmem:s29+$0x5480]  }
0xbf: {  	v50 =	vmul.f32 v45, v45;
	v11 =	vadd.f32 v48, v11  }
0xc0: {  	v51 =	vld [tilespmem:s29+$0x5490]  }
0xc1: {  	v52 =	vmul.f32 v47, v47;
	v11 =	vadd.f32 v50, v11  }
0xc2: {  	v53 =	vld [tilespmem:s29+$0x54A0]  }
0xc3: {  	v54 =	vmul.f32 v49, v49;
	v11 =	vadd.f32 v52, v11  }
0xc4: {  	v55 =	vld [tilespmem:s29+$0x54B0]  }
0xc5: {  	v56 =	vmul.f32 v51, v51;
	v11 =	vadd.f32 v54, v11  }
0xc6: {  	v57 =	vld [tilespmem:s29+$0x54C0]  }
0xc7: {  	v58 =	vmul.f32 v53, v53;
	v11 =	vadd.f32 v56, v11  }
0xc8: {  	v59 =	vld [tilespmem:s29+$0x54D0]  }
0xc9: {  	v60 =	vmul.f32 v55, v55;
	v11 =	vadd.f32 v58, v11  }
0xca: {  	v61 =	vld [tilespmem:s29+$0x54E0]  }
0xcb: {  	v62 =	vmul.f32 v57, v57;
	v11 =	vadd.f32 v60, v11  }
0xcc: {  	v63 =	vld [tilespmem:s29+$0x54F0]  }
0xcd: {  	v27 =	vmul.f32 v59, v59;
	v11 =	vadd.f32 v62, v11;
	_ =	sdelay $0x1  }
0xce: {  	v28 =	vmul.f32 v61, v61;
	v11 =	vadd.f32 v27, v11;
	_ =	sdelay $0x1  }
0xcf: {  	v29 =	vmul.f32 v63, v63;
	v11 =	vadd.f32 v28, v11;
	_ =	sdelay $0x1  }
0xd0: {  	v11 =	vadd.f32 v29, v11;
	_ =	sdelay $0x1  }
0xd1: {  	v12 =	vperm.xlane v11, v0;
	_ =	sdelay $0x1  }
0xd2: {  	v11 =	vadd.f32 v11, v12;
	_ =	sdelay $0x1  }
0xd3: {  	v12 =	vperm.xlane v11, v1;
	_ =	sdelay $0x1  }
0xd4: {  	v11 =	vadd.f32 v11, v12;
	_ =	sdelay $0x1  }
0xd5: {  	v12 =	vperm.xlane v11, v2;
	_ =	sdelay $0x1  }
0xd6: {  	v11 =	vadd.f32 v11, v12;
	_ =	sdelay $0x1  }
0xd7: {  	v12 =	vperm.xlane v11, v3;
	_ =	sdelay $0x1  }
0xd8: {  	v11 =	vadd.f32 v11, v12;
	_ =	sdelay $0x1  }
0xd9: {  	v12 =	vshra.s32 v11, $0x1;
	v30 =	vmul.f32 $5.000000000e-01, v11  }
0xda: {  	v12 =	vsub.s32 $0x5F3759DF, v12  }
0xdb: {  	v31 =	vmul.f32 v12, v30;
	_ =	sdelay $0x1  }
0xdc: {  	v26 =	vmul.f32 v12, v31;
	_ =	sdelay $0x1  }
0xdd: {  	v26 =	vsub.f32 $1.500000000e+00, v26;
	_ =	sdelay $0x1  }
0xde: {  	v12 =	vmul.f32 v12, v26;
	_ =	sdelay $0x1  }
0xdf: {  	v26 =	vmul.f32 v12, v30;
	_ =	sdelay $0x1  }
0xe0: {  	v26 =	vmul.f32 v26, v12;
	_ =	sdelay $0x1  }
0xe1: {  	v26 =	vsub.f32 $1.500000000e+00, v26;
	_ =	sdelay $0x1  }
0xe2: {  	v12 =	vmul.f32 v26, v12;
	_ =	sdelay $0x1  }
0xe3: {  	v25 =	vmul.f32 v12, v30;
	_ =	sdelay $0x1  }
0xe4: {  	v25 =	vmul.f32 v25, v12;
	_ =	sdelay $0x1  }
0xe5: {  	v25 =	vsub.f32 $1.500000000e+00, v25;
	_ =	sdelay $0x1  }
0xe6: {  	v12 =	vmul.f32 v25, v12;
	_ =	sdelay $0x1  }
0xe7: {  	v11 =	vmul.f32 v12, v11;
	_ =	sdelay $0x1  }
0xe8: {  	v11 =	vmax.f32 v11, $9.999999960e-13  }
0xe9: {  	(erf) = vrcp.f32 v11;
	_ =	sdelay $0x8  }
0xea: {  	v11 =	vpop (erf)  }
0xeb: {  	v11 =	vmul.f32 v11, v5;
	_ =	sdelay $0x1  }
0xec: {  	v7 =	vmul.f32 v11, v7  }
0xed: {  	v8 =	vmul.f32 v11, v8  }
0xee: {  	[tilespmem:s30+$0xF880] =	vst v7;
	v7 =	vmul.f32 v11, v37  }
0xef: {  	[tilespmem:s30+$0xF890] =	vst v8;
	v8 =	vmul.f32 v11, v38  }
0xf0: {  	[tilespmem:s30+$0xF8A0] =	vst v7;
	v7 =	vmul.f32 v11, v41  }
0xf1: {  	[tilespmem:s30+$0xF8B0] =	vst v8;
	v8 =	vmul.f32 v11, v43  }
0xf2: {  	[tilespmem:s30+$0xF8C0] =	vst v7;
	v7 =	vmul.f32 v11, v45  }
0xf3: {  	[tilespmem:s30+$0xF8D0] =	vst v8;
	v8 =	vmul.f32 v11, v47  }
0xf4: {  	[tilespmem:s30+$0xF8E0] =	vst v7;
	v7 =	vmul.f32 v11, v49  }
0xf5: {  	[tilespmem:s30+$0xF8F0] =	vst v8;
	v8 =	vmul.f32 v11, v51  }
0xf6: {  	[tilespmem:s30+$0xFC80] =	vst v7;
	v7 =	vmul.f32 v11, v53  }
0xf7: {  	[tilespmem:s30+$0xFC90] =	vst v8;
	v8 =	vmul.f32 v11, v55  }
0xf8: {  	[tilespmem:s30+$0xFCA0] =	vst v7;
	v7 =	vmul.f32 v11, v57  }
0xf9: {  	[tilespmem:s30+$0xFCB0] =	vst v8;
	v8 =	vmul.f32 v11, v59  }
0xfa: {  	[tilespmem:s30+$0xFCC0] =	vst v7;
	v7 =	vmul.f32 v11, v61  }
0xfb: {  	[tilespmem:s30+$0xFCD0] =	vst v8;
	v8 =	vmul.f32 v11, v63  }
0xfc: {  	[tilespmem:s30+$0xFCE0] =	vst v7  }
0xfd: {  	[tilespmem:s30+$0xFCF0] =	vst v8  }
0xfe: {  	v7 =	vld [tilespmem:s29+$0xA080]  }
0xff: {  	v8 =	vld [tilespmem:s29+$0xA090];
	_ =	sdelay $0x1  }
0x100: {  	v32 =	vld [tilespmem:s29+$0xA0A0];
	_ =	sdelay $0x1  }
0x101: {  	v33 =	vld [tilespmem:s29+$0xA0B0]  }
0x102: {  	v34 =	vmul.f32 v7, v7;
	v35 =	vmul.f32 v8, v8  }
0x103: {  	v36 =	vld [tilespmem:s29+$0xA0C0]  }
0x104: {  	v37 =	vmul.f32 v32, v32;
	v11 =	vadd.f32 v35, v34  }
0x105: {  	v38 =	vld [tilespmem:s29+$0xA0D0]  }
0x106: {  	v39 =	vmul.f32 v33, v33;
	v11 =	vadd.f32 v37, v11  }
0x107: {  	v40 =	vld [tilespmem:s29+$0xA0E0]  }
0x108: {  	v41 =	vmul.f32 v36, v36;
	v11 =	vadd.f32 v39, v11  }
0x109: {  	v42 =	vld [tilespmem:s29+$0xA0F0]  }
0x10a: {  	v43 =	vmul.f32 v38, v38;
	v11 =	vadd.f32 v41, v11  }
0x10b: {  	v44 =	vld [tilespmem:s29+$0xA480]  }
0x10c: {  	v45 =	vmul.f32 v40, v40;
	v11 =	vadd.f32 v43, v11  }
0x10d: {  	v46 =	vld [tilespmem:s29+$0xA490]  }
0x10e: {  	v47 =	vmul.f32 v42, v42;
	v11 =	vadd.f32 v45, v11  }
0x10f: {  	v48 =	vld [tilespmem:s29+$0xA4A0]  }
0x110: {  	v49 =	vmul.f32 v44, v44;
	v11 =	vadd.f32 v47, v11  }
0x111: {  	v50 =	vld [tilespmem:s29+$0xA4B0]  }
0x112: {  	v51 =	vmul.f32 v46, v46;
	v11 =	vadd.f32 v49, v11  }
0x113: {  	v52 =	vld [tilespmem:s29+$0xA4C0]  }
0x114: {  	v53 =	vmul.f32 v48, v48;
	v11 =	vadd.f32 v51, v11  }
0x115: {  	v54 =	vld [tilespmem:s29+$0xA4D0]  }
0x116: {  	v55 =	vmul.f32 v50, v50;
	v11 =	vadd.f32 v53, v11  }
0x117: {  	v56 =	vld [tilespmem:s29+$0xA4E0]  }
0x118: {  	v57 =	vmul.f32 v52, v52;
	v11 =	vadd.f32 v55, v11  }
0x119: {  	v58 =	vld [tilespmem:s29+$0xA4F0]  }
0x11a: {  	v59 =	vmul.f32 v54, v54;
	v11 =	vadd.f32 v57, v11;
	_ =	sdelay $0x1  }
0x11b: {  	v60 =	vmul.f32 v56, v56;
	v11 =	vadd.f32 v59, v11;
	_ =	sdelay $0x1  }
0x11c: {  	v61 =	vmul.f32 v58, v58;
	v11 =	vadd.f32 v60, v11;
	_ =	sdelay $0x1  }
0x11d: {  	v11 =	vadd.f32 v61, v11;
	_ =	sdelay $0x1  }
0x11e: {  	v12 =	vperm.xlane v11, v0;
	_ =	sdelay $0x1  }
0x11f: {  	v11 =	vadd.f32 v11, v12;
	_ =	sdelay $0x1  }
0x120: {  	v12 =	vperm.xlane v11, v1;
	_ =	sdelay $0x1  }
0x121: {  	v11 =	vadd.f32 v11, v12;
	_ =	sdelay $0x1  }
0x122: {  	v12 =	vperm.xlane v11, v2;
	_ =	sdelay $0x1  }
0x123: {  	v11 =	vadd.f32 v11, v12;
	_ =	sdelay $0x1  }
0x124: {  	v12 =	vperm.xlane v11, v3;
	_ =	sdelay $0x1  }
0x125: {  	v11 =	vadd.f32 v11, v12;
	_ =	sdelay $0x1  }
0x126: {  	v12 =	vshra.s32 v11, $0x1;
	v62 =	vmul.f32 $5.000000000e-01, v11  }
0x127: {  	v12 =	vsub.s32 $0x5F3759DF, v12  }
0x128: {  	v63 =	vmul.f32 v12, v62;
	_ =	sdelay $0x1  }
0x129: {  	v26 =	vmul.f32 v12, v63;
	_ =	sdelay $0x1  }
0x12a: {  	v26 =	vsub.f32 $1.500000000e+00, v26;
	_ =	sdelay $0x1  }
0x12b: {  	v12 =	vmul.f32 v12, v26;
	_ =	sdelay $0x1  }
0x12c: {  	v26 =	vmul.f32 v12, v62;
	_ =	sdelay $0x1  }
0x12d: {  	v26 =	vmul.f32 v26, v12;
	_ =	sdelay $0x1  }
0x12e: {  	v26 =	vsub.f32 $1.500000000e+00, v26;
	_ =	sdelay $0x1  }
0x12f: {  	v12 =	vmul.f32 v26, v12;
	_ =	sdelay $0x1  }
0x130: {  	v25 =	vmul.f32 v12, v62;
	_ =	sdelay $0x1  }
0x131: {  	v25 =	vmul.f32 v25, v12;
	_ =	sdelay $0x1  }
0x132: {  	v25 =	vsub.f32 $1.500000000e+00, v25;
	_ =	sdelay $0x1  }
0x133: {  	v12 =	vmul.f32 v25, v12;
	_ =	sdelay $0x1  }
0x134: {  	v11 =	vmul.f32 v12, v11;
	_ =	sdelay $0x1  }
0x135: {  	v11 =	vmax.f32 v11, $9.999999960e-13  }
0x136: {  	(erf) = vrcp.f32 v11;
	_ =	sdelay $0x8  }
0x137: {  	v11 =	vpop (erf)  }
0x138: {  	v11 =	vmul.f32 v11, v6;
	_ =	sdelay $0x1  }
0x139: {  	v7 =	vmul.f32 v11, v7  }
0x13a: {  	v8 =	vmul.f32 v11, v8  }
0x13b: {  	s31 =	sadd.s32 $0x10080, s30;
	[tilespmem:s30+$0x10080] =	vst v7;
	v7 =	vmul.f32 v11, v32  }
0x13c: {  	[tilespmem:s31+$0x10] =	vst v8;
	v8 =	vmul.f32 v11, v33  }
0x13d: {  	[tilespmem:s31+$0x20] =	vst v7;
	v7 =	vmul.f32 v11, v36  }
0x13e: {  	[tilespmem:s31+$0x30] =	vst v8;
	v8 =	vmul.f32 v11, v38  }
0x13f: {  	[tilespmem:s31+$0x40] =	vst v7;
	v7 =	vmul.f32 v11, v40  }
0x140: {  	[tilespmem:s31+$0x50] =	vst v8;
	v8 =	vmul.f32 v11, v42  }
0x141: {  	[tilespmem:s31+$0x60] =	vst v7;
	v7 =	vmul.f32 v11, v44  }
0x142: {  	[tilespmem:s31+$0x70] =	vst v8;
	v8 =	vmul.f32 v11, v46  }
0x143: {  	s31 =	sadd.s32 $0x10480, s30;
	[tilespmem:s30+$0x10480] =	vst v7;
	v7 =	vmul.f32 v11, v48  }
0x144: {  	[tilespmem:s31+$0x10] =	vst v8;
	v8 =	vmul.f32 v11, v50  }
0x145: {  	p2 =	sne.s32 s28, $0x27;
	[tilespmem:s31+$0x20] =	vst v7;
	v7 =	vmul.f32 v11, v52  }
.Ltmp5:
0x146: {  	[tilespmem:s31+$0x30] =	vst v8;
	v8 =	vmul.f32 v11, v54;
	(pc) =	sbr.rel @p2 .LBB2_3-.Ltmp5, $4  }
0x147: {  	[tilespmem:s31+$0x40] =	vst v7;
	v7 =	vmul.f32 v11, v56  }
0x148: {  	[tilespmem:s31+$0x50] =	vst v8;
	v8 =	vmul.f32 v11, v58  }
0x149: {  	[tilespmem:s31+$0x60] =	vst v7  }
0x14a: {  	s26 =	sadd.s32 $0x80, s26;
	s28 =	sadd.s32 $0x1, s28;
	[tilespmem:s31+$0x70] =	vst v8  }
0x14b: {  	s26 =	sshll.u32 s23, $0x6  }
0x14c: {  	s26 =	sor.u32 s7, s26  }
0x14d: {  	s26 =	smul.u32 $0xF00, s26;
	_ =	sdelay $0x1  }
0x14e: {  	s26 =	sadd.s32 s4, s26  }
0x14f: {  	[hbm4b:s26+s6] =	stream.linear.scatter [tilespmem:s18], [sflag:$0x3], $0x7800, $0x38;
	[tilespmem:$0x1E080] =	vst v63  }
.LBB2_5:
0x150: {  	s26 =	simm.s32 @!p0 $0x2  }
0x151: {  	_ =	swait.ge @!p0 [sflag:s26], $0x2800  }
0x152: {  	[sflag:s26] =	ssyncset.done @!p0 $0x0  }
0x153: {  	s25 =	sadd.s32 $0x2, s25;
	[sflag:s26] =	ssyncadd.s32 @!p0 $0xFFFFD800  }
0x154: {  	p2 =	sge.u32 s25, s9;
	_ =	swait.ge @!p0 [sflag:s26], $0x2800  }
0x155: {  	s25 =	sshll.u32 @!p2 s25, $0x5;
	[sflag:s26] =	ssyncset.done @!p0 $0x0  }
0x156: {  	s25 =	sor.u32 @!p2 s7, s25;
	[sflag:s26] =	ssyncadd.s32 @!p0 $0xFFFFD800  }
0x157: {  	s25 =	smul.u32 @!p2 $0x500, s25;
	_ =	swait.ge @!p0 [sflag:s26], $0x2800  }
0x158: {  	s28 =	simm.s32 @!p2 $0x0;
	[sflag:s26] =	ssyncset.done @!p0 $0x0  }
0x159: {  	s29 =	simm.s32 @!p2 $0x80;
	[sflag:s26] =	ssyncadd.s32 @!p0 $0xFFFFD800;
	s26 =	sadd.s32 @!p2 s0, s25  }
0x15a: {  	[tilespmem:s29], [sflag:$0x1] =	stream.linear.gather @!p2 [hbm4b:s26+s28], $0x2800, $0x38;
	[tilespmem:$0x1E080] =	vst v63  }
0x15b: {  	s26 =	sadd.s32 @!p2 s1, s25;
	s29 =	simm.s32 @!p2 $0x5080  }
0x15c: {  	[tilespmem:s29], [sflag:$0x1] =	stream.linear.gather @!p2 [hbm4b:s26+s28], $0x2800, $0x38;
	[tilespmem:$0x1E080] =	vst v63  }
0x15d: {  	s25 =	sadd.s32 @!p2 s3, s25;
	s26 =	simm.s32 @!p2 $0xA080  }
0x15e: {  	[tilespmem:s26], [sflag:$0x1] =	stream.linear.gather @!p2 [hbm4b:s25+s28], $0x2800, $0x38;
	[tilespmem:$0x1E080] =	vst v63  }
0x15f: {  	p2 =	sge.u32 @!p1 s24, s9  }
.Ltmp6:
0x160: {  	p1 =	por p2, p1;
	(pc) =	sbr.rel @p0 .LBB2_8-.Ltmp6, $4  }
0x161: {  	s25 =	simm.s32 @!p1 $0x4  }
0x162: {  	_ =	swait.ge @!p1 [sflag:s25], $0x7800  }
0x163: {  	[sflag:s25] =	ssyncset.done @!p1 $0x0  }
0x164: {  	s26 =	simm.s32 $0x0;
	[sflag:s25] =	ssyncadd.s32 @!p1 $0xFFFF8800;
	s25 =	simm.s32 $0x0  }
.LBB2_6:
0x165: {  	s30 =	sshrl.u32 s26, $0x3  }
0x166: {  	s29 =	sand.u32 $0x380, s25;
	s28 =	sshll.u32 s30, $0xB  }
0x167: {  	s28 =	sor.u32 s29, s28  }
0x168: {  	v7 =	vld [tilespmem:s28+$0x2880]  }
0x169: {  	v8 =	vld [tilespmem:s28+$0x2890];
	_ =	sdelay $0x1  }
0x16a: {  	v9 =	vld [tilespmem:s28+$0x28A0];
	_ =	sdelay $0x1  }
0x16b: {  	v10 =	vld [tilespmem:s28+$0x28B0]  }
0x16c: {  	v11 =	vmul.f32 v7, v7;
	v12 =	vmul.f32 v8, v8  }
0x16d: {  	v13 =	vld [tilespmem:s28+$0x28C0]  }
0x16e: {  	v23 =	vmul.f32 v9, v9;
	v11 =	vadd.f32 v12, v11  }
0x16f: {  	v14 =	vld [tilespmem:s28+$0x28D0]  }
0x170: {  	v24 =	vmul.f32 v10, v10;
	v11 =	vadd.f32 v23, v11  }
0x171: {  	v15 =	vld [tilespmem:s28+$0x28E0]  }
0x172: {  	v25 =	vmul.f32 v13, v13;
	v11 =	vadd.f32 v24, v11  }
0x173: {  	v16 =	vld [tilespmem:s28+$0x28F0]  }
0x174: {  	v26 =	vmul.f32 v14, v14;
	v11 =	vadd.f32 v25, v11  }
0x175: {  	v17 =	vld [tilespmem:s28+$0x2C80]  }
0x176: {  	v27 =	vmul.f32 v15, v15;
	v11 =	vadd.f32 v26, v11  }
0x177: {  	v18 =	vld [tilespmem:s28+$0x2C90]  }
0x178: {  	v28 =	vmul.f32 v16, v16;
	v11 =	vadd.f32 v27, v11  }
0x179: {  	v19 =	vld [tilespmem:s28+$0x2CA0]  }
0x17a: {  	v29 =	vmul.f32 v17, v17;
	v11 =	vadd.f32 v28, v11  }
0x17b: {  	v20 =	vld [tilespmem:s28+$0x2CB0]  }
0x17c: {  	v30 =	vmul.f32 v18, v18;
	v11 =	vadd.f32 v29, v11  }
0x17d: {  	v21 =	vld [tilespmem:s28+$0x2CC0]  }
0x17e: {  	v31 =	vmul.f32 v19, v19;
	v11 =	vadd.f32 v30, v11  }
0x17f: {  	v22 =	vld [tilespmem:s28+$0x2CD0]  }
0x180: {  	v32 =	vmul.f32 v20, v20;
	v11 =	vadd.f32 v31, v11  }
0x181: {  	v23 =	vld [tilespmem:s28+$0x2CE0]  }
0x182: {  	v33 =	vmul.f32 v21, v21;
	v11 =	vadd.f32 v32, v11  }
0x183: {  	v24 =	vld [tilespmem:s28+$0x2CF0]  }
0x184: {  	v34 =	vmul.f32 v22, v22;
	v11 =	vadd.f32 v33, v11;
	_ =	sdelay $0x1  }
0x185: {  	v35 =	vmul.f32 v23, v23;
	v11 =	vadd.f32 v34, v11;
	_ =	sdelay $0x1  }
0x186: {  	v36 =	vmul.f32 v24, v24;
	v11 =	vadd.f32 v35, v11;
	_ =	sdelay $0x1  }
0x187: {  	v11 =	vadd.f32 v36, v11;
	_ =	sdelay $0x1  }
0x188: {  	v12 =	vperm.xlane v11, v0;
	_ =	sdelay $0x1  }
0x189: {  	v11 =	vadd.f32 v11, v12;
	_ =	sdelay $0x1  }
0x18a: {  	v12 =	vperm.xlane v11, v1;
	_ =	sdelay $0x1  }
0x18b: {  	v11 =	vadd.f32 v11, v12;
	_ =	sdelay $0x1  }
0x18c: {  	v12 =	vperm.xlane v11, v2;
	_ =	sdelay $0x1  }
0x18d: {  	v11 =	vadd.f32 v11, v12;
	_ =	sdelay $0x1  }
0x18e: {  	v12 =	vperm.xlane v11, v3;
	_ =	sdelay $0x1  }
0x18f: {  	v11 =	vadd.f32 v11, v12;
	_ =	sdelay $0x1  }
0x190: {  	v12 =	vshra.s32 v11, $0x1;
	v25 =	vmul.f32 $5.000000000e-01, v11  }
0x191: {  	v12 =	vsub.s32 $0x5F3759DF, v12  }
0x192: {  	v26 =	vmul.f32 v12, v25;
	_ =	sdelay $0x1  }
0x193: {  	v26 =	vmul.f32 v12, v26;
	_ =	sdelay $0x1  }
0x194: {  	v26 =	vsub.f32 $1.500000000e+00, v26;
	_ =	sdelay $0x1  }
0x195: {  	v12 =	vmul.f32 v12, v26;
	_ =	sdelay $0x1  }
0x196: {  	v26 =	vmul.f32 v12, v25;
	_ =	sdelay $0x1  }
0x197: {  	v26 =	vmul.f32 v26, v12;
	_ =	sdelay $0x1  }
0x198: {  	v26 =	vsub.f32 $1.500000000e+00, v26;
	_ =	sdelay $0x1  }
0x199: {  	v12 =	vmul.f32 v26, v12;
	_ =	sdelay $0x1  }
0x19a: {  	v25 =	vmul.f32 v12, v25;
	_ =	sdelay $0x1  }
0x19b: {  	v25 =	vmul.f32 v25, v12;
	_ =	sdelay $0x1  }
0x19c: {  	v25 =	vsub.f32 $1.500000000e+00, v25;
	_ =	sdelay $0x1  }
0x19d: {  	v12 =	vmul.f32 v25, v12;
	_ =	sdelay $0x1  }
0x19e: {  	v11 =	vmul.f32 v12, v11;
	_ =	sdelay $0x1  }
0x19f: {  	v11 =	vmax.f32 v11, $9.999999960e-13  }
0x1a0: {  	(erf) = vrcp.f32 v11;
	_ =	sdelay $0x8  }
0x1a1: {  	v11 =	vpop (erf)  }
0x1a2: {  	s30 =	smul.u32 $0x6000, s30;
	v11 =	vmul.f32 v11, v4;
	_ =	sdelay $0x1  }
0x1a3: {  	s30 =	sshra.s32 s30, $0x2;
	v7 =	vmul.f32 v11, v7  }
0x1a4: {  	s29 =	sor.u32 s29, s30;
	v8 =	vmul.f32 v11, v8  }
0x1a5: {  	s30 =	sadd.s32 $0x16880, s29;
	[tilespmem:s29+$0x16880] =	vst v7;
	v7 =	vmul.f32 v11, v9  }
0x1a6: {  	[tilespmem:s30+$0x10] =	vst v8;
	v8 =	vmul.f32 v11, v10  }
0x1a7: {  	[tilespmem:s30+$0x20] =	vst v7;
	v7 =	vmul.f32 v11, v13  }
0x1a8: {  	[tilespmem:s30+$0x30] =	vst v8;
	v8 =	vmul.f32 v11, v14  }
0x1a9: {  	[tilespmem:s30+$0x40] =	vst v7;
	v7 =	vmul.f32 v11, v15  }
0x1aa: {  	[tilespmem:s30+$0x50] =	vst v8;
	v8 =	vmul.f32 v11, v16  }
0x1ab: {  	[tilespmem:s30+$0x60] =	vst v7;
	v7 =	vmul.f32 v11, v17  }
0x1ac: {  	[tilespmem:s30+$0x70] =	vst v8;
	v8 =	vmul.f32 v11, v18  }
0x1ad: {  	s31 =	sadd.s32 $0x16C80, s29;
	[tilespmem:s29+$0x16C80] =	vst v7;
	v7 =	vmul.f32 v11, v19  }
0x1ae: {  	[tilespmem:s31+$0x10] =	vst v8;
	v8 =	vmul.f32 v11, v20  }
0x1af: {  	[tilespmem:s31+$0x20] =	vst v7;
	v7 =	vmul.f32 v11, v21  }
0x1b0: {  	[tilespmem:s31+$0x30] =	vst v8;
	v8 =	vmul.f32 v11, v22  }
0x1b1: {  	[tilespmem:s31+$0x40] =	vst v7;
	v7 =	vmul.f32 v11, v23  }
0x1b2: {  	[tilespmem:s31+$0x50] =	vst v8;
	v8 =	vmul.f32 v11, v24  }
0x1b3: {  	[tilespmem:s31+$0x60] =	vst v7  }
0x1b4: {  	[tilespmem:s31+$0x70] =	vst v8  }
0x1b5: {  	v7 =	vld [tilespmem:s28+$0x7880]  }
0x1b6: {  	v8 =	vld [tilespmem:s28+$0x7890];
	_ =	sdelay $0x1  }
0x1b7: {  	v37 =	vld [tilespmem:s28+$0x78A0];
	_ =	sdelay $0x1  }
0x1b8: {  	v38 =	vld [tilespmem:s28+$0x78B0]  }
0x1b9: {  	v39 =	vmul.f32 v7, v7;
	v40 =	vmul.f32 v8, v8  }
0x1ba: {  	v41 =	vld [tilespmem:s28+$0x78C0]  }
0x1bb: {  	v42 =	vmul.f32 v37, v37;
	v11 =	vadd.f32 v40, v39  }
0x1bc: {  	v43 =	vld [tilespmem:s28+$0x78D0]  }
0x1bd: {  	v44 =	vmul.f32 v38, v38;
	v11 =	vadd.f32 v42, v11  }
0x1be: {  	v45 =	vld [tilespmem:s28+$0x78E0]  }
0x1bf: {  	v46 =	vmul.f32 v41, v41;
	v11 =	vadd.f32 v44, v11  }
0x1c0: {  	v47 =	vld [tilespmem:s28+$0x78F0]  }
0x1c1: {  	v48 =	vmul.f32 v43, v43;
	v11 =	vadd.f32 v46, v11  }
0x1c2: {  	v49 =	vld [tilespmem:s28+$0x7C80]  }
0x1c3: {  	v50 =	vmul.f32 v45, v45;
	v11 =	vadd.f32 v48, v11  }
0x1c4: {  	v51 =	vld [tilespmem:s28+$0x7C90]  }
0x1c5: {  	v52 =	vmul.f32 v47, v47;
	v11 =	vadd.f32 v50, v11  }
0x1c6: {  	v53 =	vld [tilespmem:s28+$0x7CA0]  }
0x1c7: {  	v54 =	vmul.f32 v49, v49;
	v11 =	vadd.f32 v52, v11  }
0x1c8: {  	v55 =	vld [tilespmem:s28+$0x7CB0]  }
0x1c9: {  	v56 =	vmul.f32 v51, v51;
	v11 =	vadd.f32 v54, v11  }
0x1ca: {  	v57 =	vld [tilespmem:s28+$0x7CC0]  }
0x1cb: {  	v58 =	vmul.f32 v53, v53;
	v11 =	vadd.f32 v56, v11  }
0x1cc: {  	v59 =	vld [tilespmem:s28+$0x7CD0]  }
0x1cd: {  	v60 =	vmul.f32 v55, v55;
	v11 =	vadd.f32 v58, v11  }
0x1ce: {  	v61 =	vld [tilespmem:s28+$0x7CE0]  }
0x1cf: {  	v62 =	vmul.f32 v57, v57;
	v11 =	vadd.f32 v60, v11  }
0x1d0: {  	v63 =	vld [tilespmem:s28+$0x7CF0]  }
0x1d1: {  	v27 =	vmul.f32 v59, v59;
	v11 =	vadd.f32 v62, v11;
	_ =	sdelay $0x1  }
0x1d2: {  	v28 =	vmul.f32 v61, v61;
	v11 =	vadd.f32 v27, v11;
	_ =	sdelay $0x1  }
0x1d3: {  	v29 =	vmul.f32 v63, v63;
	v11 =	vadd.f32 v28, v11;
	_ =	sdelay $0x1  }
0x1d4: {  	v11 =	vadd.f32 v29, v11;
	_ =	sdelay $0x1  }
0x1d5: {  	v12 =	vperm.xlane v11, v0;
	_ =	sdelay $0x1  }
0x1d6: {  	v11 =	vadd.f32 v11, v12;
	_ =	sdelay $0x1  }
0x1d7: {  	v12 =	vperm.xlane v11, v1;
	_ =	sdelay $0x1  }
0x1d8: {  	v11 =	vadd.f32 v11, v12;
	_ =	sdelay $0x1  }
0x1d9: {  	v12 =	vperm.xlane v11, v2;
	_ =	sdelay $0x1  }
0x1da: {  	v11 =	vadd.f32 v11, v12;
	_ =	sdelay $0x1  }
0x1db: {  	v12 =	vperm.xlane v11, v3;
	_ =	sdelay $0x1  }
0x1dc: {  	v11 =	vadd.f32 v11, v12;
	_ =	sdelay $0x1  }
0x1dd: {  	v12 =	vshra.s32 v11, $0x1;
	v30 =	vmul.f32 $5.000000000e-01, v11  }
0x1de: {  	v12 =	vsub.s32 $0x5F3759DF, v12  }
0x1df: {  	v31 =	vmul.f32 v12, v30;
	_ =	sdelay $0x1  }
0x1e0: {  	v26 =	vmul.f32 v12, v31;
	_ =	sdelay $0x1  }
0x1e1: {  	v26 =	vsub.f32 $1.500000000e+00, v26;
	_ =	sdelay $0x1  }
0x1e2: {  	v12 =	vmul.f32 v12, v26;
	_ =	sdelay $0x1  }
0x1e3: {  	v26 =	vmul.f32 v12, v30;
	_ =	sdelay $0x1  }
0x1e4: {  	v26 =	vmul.f32 v26, v12;
	_ =	sdelay $0x1  }
0x1e5: {  	v26 =	vsub.f32 $1.500000000e+00, v26;
	_ =	sdelay $0x1  }
0x1e6: {  	v12 =	vmul.f32 v26, v12;
	_ =	sdelay $0x1  }
0x1e7: {  	v25 =	vmul.f32 v12, v30;
	_ =	sdelay $0x1  }
0x1e8: {  	v25 =	vmul.f32 v25, v12;
	_ =	sdelay $0x1  }
0x1e9: {  	v25 =	vsub.f32 $1.500000000e+00, v25;
	_ =	sdelay $0x1  }
0x1ea: {  	v12 =	vmul.f32 v25, v12;
	_ =	sdelay $0x1  }
0x1eb: {  	v11 =	vmul.f32 v12, v11;
	_ =	sdelay $0x1  }
0x1ec: {  	v11 =	vmax.f32 v11, $9.999999960e-13  }
0x1ed: {  	(erf) = vrcp.f32 v11;
	_ =	sdelay $0x8  }
0x1ee: {  	v11 =	vpop (erf)  }
0x1ef: {  	v11 =	vmul.f32 v11, v5;
	_ =	sdelay $0x1  }
0x1f0: {  	v7 =	vmul.f32 v11, v7  }
0x1f1: {  	v8 =	vmul.f32 v11, v8  }
0x1f2: {  	s31 =	sadd.s32 $0x17080, s29;
	[tilespmem:s29+$0x17080] =	vst v7;
	v7 =	vmul.f32 v11, v37  }
0x1f3: {  	[tilespmem:s31+$0x10] =	vst v8;
	v8 =	vmul.f32 v11, v38  }
0x1f4: {  	[tilespmem:s31+$0x20] =	vst v7;
	v7 =	vmul.f32 v11, v41  }
0x1f5: {  	[tilespmem:s31+$0x30] =	vst v8;
	v8 =	vmul.f32 v11, v43  }
0x1f6: {  	[tilespmem:s31+$0x40] =	vst v7;
	v7 =	vmul.f32 v11, v45  }
0x1f7: {  	[tilespmem:s31+$0x50] =	vst v8;
	v8 =	vmul.f32 v11, v47  }
0x1f8: {  	[tilespmem:s31+$0x60] =	vst v7;
	v7 =	vmul.f32 v11, v49  }
0x1f9: {  	[tilespmem:s31+$0x70] =	vst v8;
	v8 =	vmul.f32 v11, v51  }
0x1fa: {  	s31 =	sadd.s32 $0x17480, s29;
	[tilespmem:s29+$0x17480] =	vst v7;
	v7 =	vmul.f32 v11, v53  }
0x1fb: {  	[tilespmem:s31+$0x10] =	vst v8;
	v8 =	vmul.f32 v11, v55  }
0x1fc: {  	[tilespmem:s31+$0x20] =	vst v7;
	v7 =	vmul.f32 v11, v57  }
0x1fd: {  	[tilespmem:s31+$0x30] =	vst v8;
	v8 =	vmul.f32 v11, v59  }
0x1fe: {  	[tilespmem:s31+$0x40] =	vst v7;
	v7 =	vmul.f32 v11, v61  }
0x1ff: {  	[tilespmem:s31+$0x50] =	vst v8;
	v8 =	vmul.f32 v11, v63  }
0x200: {  	[tilespmem:s31+$0x60] =	vst v7  }
0x201: {  	[tilespmem:s31+$0x70] =	vst v8  }
0x202: {  	v7 =	vld [tilespmem:s28+$0xC880]  }
0x203: {  	v8 =	vld [tilespmem:s28+$0xC890];
	_ =	sdelay $0x1  }
0x204: {  	v32 =	vld [tilespmem:s28+$0xC8A0];
	_ =	sdelay $0x1  }
0x205: {  	v33 =	vld [tilespmem:s28+$0xC8B0]  }
0x206: {  	v34 =	vmul.f32 v7, v7;
	v35 =	vmul.f32 v8, v8  }
0x207: {  	v36 =	vld [tilespmem:s28+$0xC8C0]  }
0x208: {  	v37 =	vmul.f32 v32, v32;
	v11 =	vadd.f32 v35, v34  }
0x209: {  	v38 =	vld [tilespmem:s28+$0xC8D0]  }
0x20a: {  	v39 =	vmul.f32 v33, v33;
	v11 =	vadd.f32 v37, v11  }
0x20b: {  	v40 =	vld [tilespmem:s28+$0xC8E0]  }
0x20c: {  	v41 =	vmul.f32 v36, v36;
	v11 =	vadd.f32 v39, v11  }
0x20d: {  	v42 =	vld [tilespmem:s28+$0xC8F0]  }
0x20e: {  	v43 =	vmul.f32 v38, v38;
	v11 =	vadd.f32 v41, v11  }
0x20f: {  	v44 =	vld [tilespmem:s28+$0xCC80]  }
0x210: {  	v45 =	vmul.f32 v40, v40;
	v11 =	vadd.f32 v43, v11  }
0x211: {  	v46 =	vld [tilespmem:s28+$0xCC90]  }
0x212: {  	v47 =	vmul.f32 v42, v42;
	v11 =	vadd.f32 v45, v11  }
0x213: {  	v48 =	vld [tilespmem:s28+$0xCCA0]  }
0x214: {  	v49 =	vmul.f32 v44, v44;
	v11 =	vadd.f32 v47, v11  }
0x215: {  	v50 =	vld [tilespmem:s28+$0xCCB0]  }
0x216: {  	v51 =	vmul.f32 v46, v46;
	v11 =	vadd.f32 v49, v11  }
0x217: {  	v52 =	vld [tilespmem:s28+$0xCCC0]  }
0x218: {  	v53 =	vmul.f32 v48, v48;
	v11 =	vadd.f32 v51, v11  }
0x219: {  	v54 =	vld [tilespmem:s28+$0xCCD0]  }
0x21a: {  	v55 =	vmul.f32 v50, v50;
	v11 =	vadd.f32 v53, v11  }
0x21b: {  	v56 =	vld [tilespmem:s28+$0xCCE0]  }
0x21c: {  	v57 =	vmul.f32 v52, v52;
	v11 =	vadd.f32 v55, v11  }
0x21d: {  	v58 =	vld [tilespmem:s28+$0xCCF0]  }
0x21e: {  	v59 =	vmul.f32 v54, v54;
	v11 =	vadd.f32 v57, v11;
	_ =	sdelay $0x1  }
0x21f: {  	v60 =	vmul.f32 v56, v56;
	v11 =	vadd.f32 v59, v11;
	_ =	sdelay $0x1  }
0x220: {  	v61 =	vmul.f32 v58, v58;
	v11 =	vadd.f32 v60, v11;
	_ =	sdelay $0x1  }
0x221: {  	v11 =	vadd.f32 v61, v11;
	_ =	sdelay $0x1  }
0x222: {  	v12 =	vperm.xlane v11, v0;
	_ =	sdelay $0x1  }
0x223: {  	v11 =	vadd.f32 v11, v12;
	_ =	sdelay $0x1  }
0x224: {  	v12 =	vperm.xlane v11, v1;
	_ =	sdelay $0x1  }
0x225: {  	v11 =	vadd.f32 v11, v12;
	_ =	sdelay $0x1  }
0x226: {  	v12 =	vperm.xlane v11, v2;
	_ =	sdelay $0x1  }
0x227: {  	v11 =	vadd.f32 v11, v12;
	_ =	sdelay $0x1  }
0x228: {  	v12 =	vperm.xlane v11, v3;
	_ =	sdelay $0x1  }
0x229: {  	v11 =	vadd.f32 v11, v12;
	_ =	sdelay $0x1  }
0x22a: {  	v12 =	vshra.s32 v11, $0x1;
	v62 =	vmul.f32 $5.000000000e-01, v11  }
0x22b: {  	v12 =	vsub.s32 $0x5F3759DF, v12  }
0x22c: {  	v63 =	vmul.f32 v12, v62;
	_ =	sdelay $0x1  }
0x22d: {  	v26 =	vmul.f32 v12, v63;
	_ =	sdelay $0x1  }
0x22e: {  	v26 =	vsub.f32 $1.500000000e+00, v26;
	_ =	sdelay $0x1  }
0x22f: {  	v12 =	vmul.f32 v12, v26;
	_ =	sdelay $0x1  }
0x230: {  	v26 =	vmul.f32 v12, v62;
	_ =	sdelay $0x1  }
0x231: {  	v26 =	vmul.f32 v26, v12;
	_ =	sdelay $0x1  }
0x232: {  	v26 =	vsub.f32 $1.500000000e+00, v26;
	_ =	sdelay $0x1  }
0x233: {  	v12 =	vmul.f32 v26, v12;
	_ =	sdelay $0x1  }
0x234: {  	v25 =	vmul.f32 v12, v62;
	_ =	sdelay $0x1  }
0x235: {  	v25 =	vmul.f32 v25, v12;
	_ =	sdelay $0x1  }
0x236: {  	v25 =	vsub.f32 $1.500000000e+00, v25;
	_ =	sdelay $0x1  }
0x237: {  	v12 =	vmul.f32 v25, v12;
	_ =	sdelay $0x1  }
0x238: {  	v11 =	vmul.f32 v12, v11;
	_ =	sdelay $0x1  }
0x239: {  	v11 =	vmax.f32 v11, $9.999999960e-13  }
0x23a: {  	(erf) = vrcp.f32 v11;
	_ =	sdelay $0x8  }
0x23b: {  	v11 =	vpop (erf)  }
0x23c: {  	v11 =	vmul.f32 v11, v6;
	_ =	sdelay $0x1  }
0x23d: {  	v7 =	vmul.f32 v11, v7  }
0x23e: {  	v8 =	vmul.f32 v11, v8  }
0x23f: {  	s30 =	sadd.s32 $0x17880, s29;
	[tilespmem:s29+$0x17880] =	vst v7;
	v7 =	vmul.f32 v11, v32  }
0x240: {  	[tilespmem:s30+$0x10] =	vst v8;
	v8 =	vmul.f32 v11, v33  }
0x241: {  	[tilespmem:s30+$0x20] =	vst v7;
	v7 =	vmul.f32 v11, v36  }
0x242: {  	[tilespmem:s30+$0x30] =	vst v8;
	v8 =	vmul.f32 v11, v38  }
0x243: {  	[tilespmem:s30+$0x40] =	vst v7;
	v7 =	vmul.f32 v11, v40  }
0x244: {  	[tilespmem:s30+$0x50] =	vst v8;
	v8 =	vmul.f32 v11, v42  }
0x245: {  	[tilespmem:s30+$0x60] =	vst v7;
	v7 =	vmul.f32 v11, v44  }
0x246: {  	[tilespmem:s30+$0x70] =	vst v8;
	v8 =	vmul.f32 v11, v46  }
0x247: {  	s31 =	sadd.s32 $0x17C80, s29;
	[tilespmem:s29+$0x17C80] =	vst v7;
	v7 =	vmul.f32 v11, v48  }
0x248: {  	[tilespmem:s31+$0x10] =	vst v8;
	v8 =	vmul.f32 v11, v50  }
0x249: {  	p0 =	sne.s32 s26, $0x27;
	[tilespmem:s31+$0x20] =	vst v7;
	v7 =	vmul.f32 v11, v52  }
.Ltmp7:
0x24a: {  	[tilespmem:s31+$0x30] =	vst v8;
	v8 =	vmul.f32 v11, v54;
	(pc) =	sbr.rel @p0 .LBB2_6-.Ltmp7, $4  }
0x24b: {  	[tilespmem:s31+$0x40] =	vst v7;
	v7 =	vmul.f32 v11, v56  }
0x24c: {  	[tilespmem:s31+$0x50] =	vst v8;
	v8 =	vmul.f32 v11, v58  }
0x24d: {  	[tilespmem:s31+$0x60] =	vst v7  }
0x24e: {  	s25 =	sadd.s32 $0x80, s25;
	s26 =	sadd.s32 $0x1, s26;
	[tilespmem:s31+$0x70] =	vst v8  }
0x24f: {  	s24 =	sshll.u32 s24, $0x5  }
.Ltmp8:
0x250: {  	s24 =	sor.u32 s7, s24;
	(pc) =	sbr.rel .LBB2_8-.Ltmp8, $3  }
0x251: {  	s24 =	smul.u32 $0xF00, s24;
	_ =	sdelay $0x1  }
0x252: {  	s24 =	sadd.s32 s4, s24  }
0x253: {  	[hbm4b:s24+s6] =	stream.linear.scatter [tilespmem:s19], [sflag:$0x4], $0x7800, $0x38;
	[tilespmem:$0x1E080] =	vst v63  }
.LBB2_10:
0x254: {  	_ =	sfence.sel $0x180000  }
0x255: {  	[bflag:$0x0] =	sbarrier.arrive $0xFFFF  }
0x256: {  	p0 =	sne.s32 s5, $0x0;
	_ =	strace $0x90000047  }
0x257: {  	s0 =	sadd.s32 @!p0 $0x100000, s2;
	[bflag:$0x2] =	sbarrier.arrive $0xFFFF  }
0x258: {  	[sflag:s0] =	ssyncadd.tile.s32 @!p0 $0x1;
	_ =	shalt  }
.Lfunc_end2:
_tile_overlayer_lowered:
.L_overlay_start_2:
0x259: {  	(tag) =	ssettag $0x2  }
0x25a: {  	s0 =	rddreg [dreg:$0x0];
	s2 =	stileid.u32  }
0x25b: {  	s1 =	rddreg [dreg:$0x1];
	p0 =	sne.s32 s2, $0x0  }
0x25c: {  	s3 =	rddreg [dreg:$0x2];
	[bflag:$0x3] =	sbarrier.arrive $0xFFFF;
	s2 =	simm.s32 @!p0 $0x1C05  }
0x25d: {  	[timem:s3], [sflag:s2] =	dma.local @!p0 [hbm:s0], s1  }
0x25e: {  	s0 =	simm.s32 @!p0 $0x5  }
0x25f: {  	_ =	swait.ge @!p0 [sflag:s0], s1  }
0x260: {  	s1 =	ssub.s32 @!p0 $0x0, s1;
	[sflag:s0] =	ssyncset.done @!p0 $0x0  }
0x261: {  	[sflag:s0] =	ssyncadd.s32 @!p0 s1  }
0x262: {  	[bflag:$0x3] =	sbarrier.arrive $0xFFFF  }
0x263: {  	_ =	shalt  }

</sc_bundles>
